<compile_context>
chip_gen: v7x
topology: tpu7x:2x2x1
jax: 0.10.2.dev20260603
libtpu: 0.0.44.dev20260713+nightly
codegen_flags: <defaults>
</compile_context>

<pallas_src>
import functools

import jax
import jax.numpy as jnp
from jax import lax
from jax.experimental import pallas as pl
from jax.experimental.pallas import tpu as pltpu
from jax.experimental.pallas import tpu_sc as plsc

NUM_WORKERS = 32
CHUNK = 8
NBUF = 6


def _emb_body(bpw, nchunk, idx_hbm, tab_hbm, out_hbm, idx_v, rows_v, *sems):
    gsems = sems[:NBUF]
    ssems = sems[NBUF:]
    wid = lax.axis_index("c") * 16 + lax.axis_index("s")
    base = wid * bpw
    head = NBUF * CHUNK
    head_cp = pltpu.async_copy(
        idx_hbm.at[pl.ds(base, head)], idx_v.at[pl.ds(0, head)],
        sems[2 * NBUF])
    tail_cp = pltpu.async_copy(
        idx_hbm.at[pl.ds(base + head, bpw - head)],
        idx_v.at[pl.ds(head, bpw - head)], sems[2 * NBUF + 1])
    head_cp.wait()

    def gather(c, b):
        return pltpu.async_copy(
            tab_hbm.at[idx_v.at[pl.ds(c * CHUNK, CHUNK)]],
            rows_v.at[b], gsems[b])

    def store(c, b):
        return pltpu.async_copy(
            rows_v.at[b],
            out_hbm.at[pl.ds(base + c * CHUNK, CHUNK)], ssems[b])

    gcopy = [gather(b, b) for b in range(NBUF)]
    tail_cp.wait()
    scopy = [None] * NBUF
    for c in range(nchunk):
        b = c % NBUF
        gcopy[b].wait()
        scopy[b] = store(c, b)
        if c + NBUF < nchunk:
            scopy[b].wait()
            gcopy[b] = gather(c + NBUF, b)
    for c in range(nchunk - NBUF, nchunk):
        scopy[c % NBUF].wait()


def kernel(input_ids, wte):
    batch, seq = input_ids.shape
    hidden = wte.shape[1]
    b_total = batch * seq
    idx = input_ids.reshape(b_total).astype(jnp.int32)
    bpw = b_total // NUM_WORKERS
    nchunk = bpw // CHUNK

    mesh = plsc.VectorSubcoreMesh(core_axis_name="c", subcore_axis_name="s")
    emb = functools.partial(
        pl.kernel,
        mesh=mesh,
        out_type=jax.ShapeDtypeStruct((b_total, hidden), jnp.float32),
        scratch_types=[
            pltpu.VMEM((bpw,), jnp.int32),
            pltpu.VMEM((NBUF, CHUNK, hidden), jnp.float32),
        ] + [pltpu.SemaphoreType.DMA] * (2 * NBUF + 2),
    )(functools.partial(_emb_body, bpw, nchunk))

    out = emb(idx, wte)
    return out.reshape(batch, seq, hidden)

# --- scband reference (transcript-rebuilt; emitter-appended) ---
"""Pipeline reference for scband-embedding-78469052498689 (READ-ONLY COPY).

The authoritative reference and input builder live on the scoring server;
editing this copy changes nothing except your own understanding.
"""

import jax, jax.numpy as jnp
import numpy as np

VOCAB_SIZE = 100000
HIDDEN_SIZE = 2048
BATCH = 2
SEQ_LEN = 4096

def setup_inputs(seed: int = 0) -> dict:
    key = jax.random.key(seed)
    k_idx, k_tab = jax.random.split(key)
    input_ids = jax.random.randint(k_idx, (BATCH, SEQ_LEN), 0, VOCAB_SIZE, dtype=jnp.int64 if jax.config.jax_enable_x64 else jnp.int32)
    # Embedding table, keras default init is uniform(-0.05, 0.05)
    wte = jax.random.uniform(k_tab, (VOCAB_SIZE, HIDDEN_SIZE), dtype=jnp.float32, minval=-0.05, maxval=0.05)
    return {"input_ids": input_ids, "wte": wte}

def reference(input_ids, wte):
    # Faithful translation of keras.layers.Embedding lookup: wte(input_ids)
    return jnp.take(wte, input_ids, axis=0)

if __name__ == "__main__":
    import jax
    _d = setup_inputs()
    print(jax.jit(kernel)(*tuple(_d.values())))

</pallas_src>

<mosaic_0001>
#map = affine_map<(d0, d1) -> (0)>
#map1 = affine_map<(d0, d1) -> (0, 0)>
module attributes {stable_mosaic.version = 14 : i64} {
  func.func @_emb_body(%arg0: i32, %arg1: i32, %arg2: memref<8192xi32, #tpu.memory_space<hbm>>, %arg3: memref<100000x2048xf32, #tpu.memory_space<hbm>>, %arg4: memref<8192x2048xf32, #tpu.memory_space<hbm>>, %arg5: memref<256xi32, #tpu.memory_space<vmem>>, %arg6: memref<6x8x2048xf32, #tpu.memory_space<vmem>>, %arg7: memref<!tpu.dma_semaphore, #tpu.memory_space<semaphore_mem>>, %arg8: memref<!tpu.dma_semaphore, #tpu.memory_space<semaphore_mem>>, %arg9: memref<!tpu.dma_semaphore, #tpu.memory_space<semaphore_mem>>, %arg10: memref<!tpu.dma_semaphore, #tpu.memory_space<semaphore_mem>>, %arg11: memref<!tpu.dma_semaphore, #tpu.memory_space<semaphore_mem>>, %arg12: memref<!tpu.dma_semaphore, #tpu.memory_space<semaphore_mem>>, %arg13: memref<!tpu.dma_semaphore, #tpu.memory_space<semaphore_mem>>, %arg14: memref<!tpu.dma_semaphore, #tpu.memory_space<semaphore_mem>>, %arg15: memref<!tpu.dma_semaphore, #tpu.memory_space<semaphore_mem>>, %arg16: memref<!tpu.dma_semaphore, #tpu.memory_space<semaphore_mem>>, %arg17: memref<!tpu.dma_semaphore, #tpu.memory_space<semaphore_mem>>, %arg18: memref<!tpu.dma_semaphore, #tpu.memory_space<semaphore_mem>>, %arg19: memref<!tpu.dma_semaphore, #tpu.memory_space<semaphore_mem>>, %arg20: memref<!tpu.dma_semaphore, #tpu.memory_space<semaphore_mem>>) attributes {dimension_semantics = [#tpu.dimension_semantics<core_parallel>, #tpu.dimension_semantics<subcore_parallel>], iteration_bounds = array<i64: 2, 16>, scalar_prefetch = 0 : i64, scratch_operands = 16 : i64, tpu.core_type = #tpu.core_type<sc_vector_subcore>, window_params = [{transform_indices = #map}, {transform_indices = #map1}, {transform_indices = #map1}]} {
    %mul3A = arith.constant 16 : i32
    %mul3A_0 = arith.muli %arg0, %mul3A : i32
    %add3A = arith.addi %mul3A_0, %arg1 : i32
    %mul3A_1 = arith.constant 256 : i32
    %mul3A_2 = arith.muli %add3A, %mul3A_1 : i32
    %dma_start3A = arith.constant 0 : i32
    %dma_start3A_3 = tpu.memref_slice %arg5[%dma_start3A] : memref<256xi32, #tpu.memory_space<vmem>> -> memref<48xi32, #tpu.memory_space<vmem>>
    %dma_start3A_4 = tpu.memref_slice %arg2[%mul3A_2] : memref<8192xi32, #tpu.memory_space<hbm>> -> memref<48xi32, #tpu.memory_space<hbm>>
    %dma_start3A_5 = arith.constant 0 : i32
    %dma_start3A_6 = tpu.memref_slice %arg5[%dma_start3A_5] : memref<256xi32, #tpu.memory_space<vmem>> -> memref<48xi32, #tpu.memory_space<vmem>>
    %dma_start3A_7 = tpu.memref_slice %arg2[%mul3A_2] : memref<8192xi32, #tpu.memory_space<hbm>> -> memref<48xi32, #tpu.memory_space<hbm>>
    tpu.enqueue_dma source(%dma_start3A_7 : memref<48xi32, #tpu.memory_space<hbm>>) target(%dma_start3A_6 : memref<48xi32, #tpu.memory_space<vmem>>) target_semaphore(%arg19 : memref<!tpu.dma_semaphore, #tpu.memory_space<semaphore_mem>>)
    %add3A_8 = arith.constant 48 : i32
    %add3A_9 = arith.addi %mul3A_2, %add3A_8 : i32
    %dma_start3A_10 = arith.constant 48 : i32
    %dma_start3A_11 = tpu.memref_slice %arg5[%dma_start3A_10] : memref<256xi32, #tpu.memory_space<vmem>> -> memref<208xi32, #tpu.memory_space<vmem>>
    %dma_start3A_12 = tpu.memref_slice %arg2[%add3A_9] : memref<8192xi32, #tpu.memory_space<hbm>> -> memref<208xi32, #tpu.memory_space<hbm>>
    %dma_start3A_13 = arith.constant 48 : i32
    %dma_start3A_14 = tpu.memref_slice %arg5[%dma_start3A_13] : memref<256xi32, #tpu.memory_space<vmem>> -> memref<208xi32, #tpu.memory_space<vmem>>
    %dma_start3A_15 = tpu.memref_slice %arg2[%add3A_9] : memref<8192xi32, #tpu.memory_space<hbm>> -> memref<208xi32, #tpu.memory_space<hbm>>
    tpu.enqueue_dma source(%dma_start3A_15 : memref<208xi32, #tpu.memory_space<hbm>>) target(%dma_start3A_14 : memref<208xi32, #tpu.memory_space<vmem>>) target_semaphore(%arg20 : memref<!tpu.dma_semaphore, #tpu.memory_space<semaphore_mem>>)
    %dma_wait3A = arith.constant 0 : i32
    %dma_wait3A_16 = tpu.memref_slice %arg5[%dma_wait3A] : memref<256xi32, #tpu.memory_space<vmem>> -> memref<48xi32, #tpu.memory_space<vmem>>
    %dma_wait3A_17 = tpu.memref_slice %arg2[%mul3A_2] : memref<8192xi32, #tpu.memory_space<hbm>> -> memref<48xi32, #tpu.memory_space<hbm>>
    %dma_wait3A_18 = arith.constant 0 : i32
    %dma_wait3A_19 = tpu.memref_slice %arg5[%dma_wait3A_18] : memref<256xi32, #tpu.memory_space<vmem>> -> memref<48xi32, #tpu.memory_space<vmem>>
    %dma_wait3A_20 = tpu.memref_slice %arg2[%mul3A_2] : memref<8192xi32, #tpu.memory_space<hbm>> -> memref<48xi32, #tpu.memory_space<hbm>>
    tpu.wait_dma2 semaphore(%arg19 : memref<!tpu.dma_semaphore, #tpu.memory_space<semaphore_mem>>) src(%dma_wait3A_20 : memref<48xi32, #tpu.memory_space<hbm>>) dst(%dma_wait3A_19 : memref<48xi32, #tpu.memory_space<vmem>>)
    %dma_start3A_21 = arith.constant 0 : i32
    %dma_start3A_22 = arith.constant 0 : i32
    %dma_start3A_23 = arith.constant 0 : i32
    %dma_start3A_24 = tpu.memref_slice %arg6[%dma_start3A_21, %dma_start3A_22, %dma_start3A_23] : memref<6x8x2048xf32, #tpu.memory_space<vmem>> -> memref<1x8x2048xf32, #tpu.memory_space<vmem>>
    %dma_start3A_25 = tpu.memref_squeeze %dma_start3A_24 : memref<1x8x2048xf32, #tpu.memory_space<vmem>> -> memref<8x2048xf32, #tpu.memory_space<vmem>>
    %dma_start3A_26 = arith.constant 0 : i32
    %dma_start3A_27 = tpu.memref_slice %arg5[%dma_start3A_26] : memref<256xi32, #tpu.memory_space<vmem>> -> memref<8xi32, #tpu.memory_space<vmem>>
    %dma_start3A_28 = arith.constant 0 : i32
    %dma_start3A_29 = arith.constant 0 : i32
    %dma_start3A_30 = tpu.memref_slice %arg3[%dma_start3A_28, %dma_start3A_29] : memref<100000x2048xf32, #tpu.memory_space<hbm>> -> memref<100000x2048xf32, #tpu.memory_space<hbm>>
    tpu.enqueue_indirect_dma source(%dma_start3A_30 : memref<100000x2048xf32, #tpu.memory_space<hbm>>) target(%dma_start3A_25 : memref<8x2048xf32, #tpu.memory_space<vmem>>) offsets(%dma_start3A_27 : memref<8xi32, #tpu.memory_space<vmem>>) semaphore(%arg7 : memref<!tpu.dma_semaphore, #tpu.memory_space<semaphore_mem>>)
    %dma_start3A_31 = arith.constant 1 : i32
    %dma_start3A_32 = arith.constant 0 : i32
    %dma_start3A_33 = arith.constant 0 : i32
    %dma_start3A_34 = tpu.memref_slice %arg6[%dma_start3A_31, %dma_start3A_32, %dma_start3A_33] : memref<6x8x2048xf32, #tpu.memory_space<vmem>> -> memref<1x8x2048xf32, #tpu.memory_space<vmem>>
    %dma_start3A_35 = tpu.memref_squeeze %dma_start3A_34 : memref<1x8x2048xf32, #tpu.memory_space<vmem>> -> memref<8x2048xf32, #tpu.memory_space<vmem>>
    %dma_start3A_36 = arith.constant 8 : i32
    %dma_start3A_37 = tpu.memref_slice %arg5[%dma_start3A_36] : memref<256xi32, #tpu.memory_space<vmem>> -> memref<8xi32, #tpu.memory_space<vmem>>
    %dma_start3A_38 = arith.constant 0 : i32
    %dma_start3A_39 = arith.constant 0 : i32
    %dma_start3A_40 = tpu.memref_slice %arg3[%dma_start3A_38, %dma_start3A_39] : memref<100000x2048xf32, #tpu.memory_space<hbm>> -> memref<100000x2048xf32, #tpu.memory_space<hbm>>
    tpu.enqueue_indirect_dma source(%dma_start3A_40 : memref<100000x2048xf32, #tpu.memory_space<hbm>>) target(%dma_start3A_35 : memref<8x2048xf32, #tpu.memory_space<vmem>>) offsets(%dma_start3A_37 : memref<8xi32, #tpu.memory_space<vmem>>) semaphore(%arg8 : memref<!tpu.dma_semaphore, #tpu.memory_space<semaphore_mem>>)
    %dma_start3A_41 = arith.constant 2 : i32
    %dma_start3A_42 = arith.constant 0 : i32
    %dma_start3A_43 = arith.constant 0 : i32
    %dma_start3A_44 = tpu.memref_slice %arg6[%dma_start3A_41, %dma_start3A_42, %dma_start3A_43] : memref<6x8x2048xf32, #tpu.memory_space<vmem>> -> memref<1x8x2048xf32, #tpu.memory_space<vmem>>
    %dma_start3A_45 = tpu.memref_squeeze %dma_start3A_44 : memref<1x8x2048xf32, #tpu.memory_space<vmem>> -> memref<8x2048xf32, #tpu.memory_space<vmem>>
    %dma_start3A_46 = arith.constant 16 : i32
    %dma_start3A_47 = tpu.memref_slice %arg5[%dma_start3A_46] : memref<256xi32, #tpu.memory_space<vmem>> -> memref<8xi32, #tpu.memory_space<vmem>>
    %dma_start3A_48 = arith.constant 0 : i32
    %dma_start3A_49 = arith.constant 0 : i32
    %dma_start3A_50 = tpu.memref_slice %arg3[%dma_start3A_48, %dma_start3A_49] : memref<100000x2048xf32, #tpu.memory_space<hbm>> -> memref<100000x2048xf32, #tpu.memory_space<hbm>>
    tpu.enqueue_indirect_dma source(%dma_start3A_50 : memref<100000x2048xf32, #tpu.memory_space<hbm>>) target(%dma_start3A_45 : memref<8x2048xf32, #tpu.memory_space<vmem>>) offsets(%dma_start3A_47 : memref<8xi32, #tpu.memory_space<vmem>>) semaphore(%arg9 : memref<!tpu.dma_semaphore, #tpu.memory_space<semaphore_mem>>)
    %dma_start3A_51 = arith.constant 3 : i32
    %dma_start3A_52 = arith.constant 0 : i32
    %dma_start3A_53 = arith.constant 0 : i32
    %dma_start3A_54 = tpu.memref_slice %arg6[%dma_start3A_51, %dma_start3A_52, %dma_start3A_53] : memref<6x8x2048xf32, #tpu.memory_space<vmem>> -> memref<1x8x2048xf32, #tpu.memory_space<vmem>>
    %dma_start3A_55 = tpu.memref_squeeze %dma_start3A_54 : memref<1x8x2048xf32, #tpu.memory_space<vmem>> -> memref<8x2048xf32, #tpu.memory_space<vmem>>
    %dma_start3A_56 = arith.constant 24 : i32
    %dma_start3A_57 = tpu.memref_slice %arg5[%dma_start3A_56] : memref<256xi32, #tpu.memory_space<vmem>> -> memref<8xi32, #tpu.memory_space<vmem>>
    %dma_start3A_58 = arith.constant 0 : i32
    %dma_start3A_59 = arith.constant 0 : i32
    %dma_start3A_60 = tpu.memref_slice %arg3[%dma_start3A_58, %dma_start3A_59] : memref<100000x2048xf32, #tpu.memory_space<hbm>> -> memref<100000x2048xf32, #tpu.memory_space<hbm>>
    tpu.enqueue_indirect_dma source(%dma_start3A_60 : memref<100000x2048xf32, #tpu.memory_space<hbm>>) target(%dma_start3A_55 : memref<8x2048xf32, #tpu.memory_space<vmem>>) offsets(%dma_start3A_57 : memref<8xi32, #tpu.memory_space<vmem>>) semaphore(%arg10 : memref<!tpu.dma_semaphore, #tpu.memory_space<semaphore_mem>>)
    %dma_start3A_61 = arith.constant 4 : i32
    %dma_start3A_62 = arith.constant 0 : i32
    %dma_start3A_63 = arith.constant 0 : i32
    %dma_start3A_64 = tpu.memref_slice %arg6[%dma_start3A_61, %dma_start3A_62, %dma_start3A_63] : memref<6x8x2048xf32, #tpu.memory_space<vmem>> -> memref<1x8x2048xf32, #tpu.memory_space<vmem>>
    %dma_start3A_65 = tpu.memref_squeeze %dma_start3A_64 : memref<1x8x2048xf32, #tpu.memory_space<vmem>> -> memref<8x2048xf32, #tpu.memory_space<vmem>>
    %dma_start3A_66 = arith.constant 32 : i32
    %dma_start3A_67 = tpu.memref_slice %arg5[%dma_start3A_66] : memref<256xi32, #tpu.memory_space<vmem>> -> memref<8xi32, #tpu.memory_space<vmem>>
    %dma_start3A_68 = arith.constant 0 : i32
    %dma_start3A_69 = arith.constant 0 : i32
    %dma_start3A_70 = tpu.memref_slice %arg3[%dma_start3A_68, %dma_start3A_69] : memref<100000x2048xf32, #tpu.memory_space<hbm>> -> memref<100000x2048xf32, #tpu.memory_space<hbm>>
    tpu.enqueue_indirect_dma source(%dma_start3A_70 : memref<100000x2048xf32, #tpu.memory_space<hbm>>) target(%dma_start3A_65 : memref<8x2048xf32, #tpu.memory_space<vmem>>) offsets(%dma_start3A_67 : memref<8xi32, #tpu.memory_space<vmem>>) semaphore(%arg11 : memref<!tpu.dma_semaphore, #tpu.memory_space<semaphore_mem>>)
    %dma_start3A_71 = arith.constant 5 : i32
    %dma_start3A_72 = arith.constant 0 : i32
    %dma_start3A_73 = arith.constant 0 : i32
    %dma_start3A_74 = tpu.memref_slice %arg6[%dma_start3A_71, %dma_start3A_72, %dma_start3A_73] : memref<6x8x2048xf32, #tpu.memory_space<vmem>> -> memref<1x8x2048xf32, #tpu.memory_space<vmem>>
    %dma_start3A_75 = tpu.memref_squeeze %dma_start3A_74 : memref<1x8x2048xf32, #tpu.memory_space<vmem>> -> memref<8x2048xf32, #tpu.memory_space<vmem>>
    %dma_start3A_76 = arith.constant 40 : i32
    %dma_start3A_77 = tpu.memref_slice %arg5[%dma_start3A_76] : memref<256xi32, #tpu.memory_space<vmem>> -> memref<8xi32, #tpu.memory_space<vmem>>
    %dma_start3A_78 = arith.constant 0 : i32
    %dma_start3A_79 = arith.constant 0 : i32
    %dma_start3A_80 = tpu.memref_slice %arg3[%dma_start3A_78, %dma_start3A_79] : memref<100000x2048xf32, #tpu.memory_space<hbm>> -> memref<100000x2048xf32, #tpu.memory_space<hbm>>
    tpu.enqueue_indirect_dma source(%dma_start3A_80 : memref<100000x2048xf32, #tpu.memory_space<hbm>>) target(%dma_start3A_75 : memref<8x2048xf32, #tpu.memory_space<vmem>>) offsets(%dma_start3A_77 : memref<8xi32, #tpu.memory_space<vmem>>) semaphore(%arg12 : memref<!tpu.dma_semaphore, #tpu.memory_space<semaphore_mem>>)
    %dma_wait3A_81 = arith.constant 48 : i32
    %dma_wait3A_82 = tpu.memref_slice %arg5[%dma_wait3A_81] : memref<256xi32, #tpu.memory_space<vmem>> -> memref<208xi32, #tpu.memory_space<vmem>>
    %dma_wait3A_83 = tpu.memref_slice %arg2[%add3A_9] : memref<8192xi32, #tpu.memory_space<hbm>> -> memref<208xi32, #tpu.memory_space<hbm>>
    %dma_wait3A_84 = arith.constant 48 : i32
    %dma_wait3A_85 = tpu.memref_slice %arg5[%dma_wait3A_84] : memref<256xi32, #tpu.memory_space<vmem>> -> memref<208xi32, #tpu.memory_space<vmem>>
    %dma_wait3A_86 = tpu.memref_slice %arg2[%add3A_9] : memref<8192xi32, #tpu.memory_space<hbm>> -> memref<208xi32, #tpu.memory_space<hbm>>
    tpu.wait_dma2 semaphore(%arg20 : memref<!tpu.dma_semaphore, #tpu.memory_space<semaphore_mem>>) src(%dma_wait3A_86 : memref<208xi32, #tpu.memory_space<hbm>>) dst(%dma_wait3A_85 : memref<208xi32, #tpu.memory_space<vmem>>)
    %dma_wait3A_87 = arith.constant 0 : i32
    %dma_wait3A_88 = arith.constant 0 : i32
    %dma_wait3A_89 = arith.constant 0 : i32
    %dma_wait3A_90 = tpu.memref_slice %arg6[%dma_wait3A_87, %dma_wait3A_88, %dma_wait3A_89] : memref<6x8x2048xf32, #tpu.memory_space<vmem>> -> memref<1x8x2048xf32, #tpu.memory_space<vmem>>
    %dma_wait3A_91 = tpu.memref_squeeze %dma_wait3A_90 : memref<1x8x2048xf32, #tpu.memory_space<vmem>> -> memref<8x2048xf32, #tpu.memory_space<vmem>>
    %dma_wait3A_92 = arith.constant 0 : i32
    %dma_wait3A_93 = tpu.memref_slice %arg5[%dma_wait3A_92] : memref<256xi32, #tpu.memory_space<vmem>> -> memref<8xi32, #tpu.memory_space<vmem>>
    %dma_wait3A_94 = arith.constant 0 : i32
    %dma_wait3A_95 = arith.constant 0 : i32
    %dma_wait3A_96 = tpu.memref_slice %arg3[%dma_wait3A_94, %dma_wait3A_95] : memref<100000x2048xf32, #tpu.memory_space<hbm>> -> memref<100000x2048xf32, #tpu.memory_space<hbm>>
    tpu.wait_indirect_dma semaphore(%arg7 : memref<!tpu.dma_semaphore, #tpu.memory_space<semaphore_mem>>) src(%dma_wait3A_96 : memref<100000x2048xf32, #tpu.memory_space<hbm>>) dst(%dma_wait3A_91 : memref<8x2048xf32, #tpu.memory_space<vmem>>)
    %add3A_97 = arith.constant 0 : i32
    %add3A_98 = arith.addi %mul3A_2, %add3A_97 : i32
    %dma_start3A_99 = arith.constant 0 : i32
    %dma_start3A_100 = arith.constant 0 : i32
    %dma_start3A_101 = arith.constant 0 : i32
    %dma_start3A_102 = tpu.memref_slice %arg6[%dma_start3A_99, %dma_start3A_100, %dma_start3A_101] : memref<6x8x2048xf32, #tpu.memory_space<vmem>> -> memref<1x8x2048xf32, #tpu.memory_space<vmem>>
    %dma_start3A_103 = tpu.memref_squeeze %dma_start3A_102 : memref<1x8x2048xf32, #tpu.memory_space<vmem>> -> memref<8x2048xf32, #tpu.memory_space<vmem>>
    %dma_start3A_104 = arith.constant 0 : i32
    %dma_start3A_105 = tpu.memref_slice %arg4[%add3A_98, %dma_start3A_104] : memref<8192x2048xf32, #tpu.memory_space<hbm>> -> memref<8x2048xf32, #tpu.memory_space<hbm>>
    %dma_start3A_106 = arith.constant 0 : i32
    %dma_start3A_107 = tpu.memref_slice %arg4[%add3A_98, %dma_start3A_106] : memref<8192x2048xf32, #tpu.memory_space<hbm>> -> memref<8x2048xf32, #tpu.memory_space<hbm>>
    %dma_start3A_108 = arith.constant 0 : i32
    %dma_start3A_109 = arith.constant 0 : i32
    %dma_start3A_110 = tpu.memref_slice %arg6[%dma_start3A_99, %dma_start3A_108, %dma_start3A_109] : memref<6x8x2048xf32, #tpu.memory_space<vmem>> -> memref<1x8x2048xf32, #tpu.memory_space<vmem>>
    %dma_start3A_111 = tpu.memref_squeeze %dma_start3A_110 : memref<1x8x2048xf32, #tpu.memory_space<vmem>> -> memref<8x2048xf32, #tpu.memory_space<vmem>>
    tpu.enqueue_dma source(%dma_start3A_111 : memref<8x2048xf32, #tpu.memory_space<vmem>>) target(%dma_start3A_107 : memref<8x2048xf32, #tpu.memory_space<hbm>>) target_semaphore(%arg13 : memref<!tpu.dma_semaphore, #tpu.memory_space<semaphore_mem>>)
    %dma_wait3A_112 = arith.constant 0 : i32
    %dma_wait3A_113 = arith.constant 0 : i32
    %dma_wait3A_114 = arith.constant 0 : i32
    %dma_wait3A_115 = tpu.memref_slice %arg6[%dma_wait3A_112, %dma_wait3A_113, %dma_wait3A_114] : memref<6x8x2048xf32, #tpu.memory_space<vmem>> -> memref<1x8x2048xf32, #tpu.memory_space<vmem>>
    %dma_wait3A_116 = tpu.memref_squeeze %dma_wait3A_115 : memref<1x8x2048xf32, #tpu.memory_space<vmem>> -> memref<8x2048xf32, #tpu.memory_space<vmem>>
    %dma_wait3A_117 = arith.constant 0 : i32
    %dma_wait3A_118 = tpu.memref_slice %arg4[%add3A_98, %dma_wait3A_117] : memref<8192x2048xf32, #tpu.memory_space<hbm>> -> memref<8x2048xf32, #tpu.memory_space<hbm>>
    %dma_wait3A_119 = arith.constant 0 : i32
    %dma_wait3A_120 = tpu.memref_slice %arg4[%add3A_98, %dma_wait3A_119] : memref<8192x2048xf32, #tpu.memory_space<hbm>> -> memref<8x2048xf32, #tpu.memory_space<hbm>>
    %dma_wait3A_121 = arith.constant 0 : i32
    %dma_wait3A_122 = arith.constant 0 : i32
    %dma_wait3A_123 = tpu.memref_slice %arg6[%dma_wait3A_112, %dma_wait3A_121, %dma_wait3A_122] : memref<6x8x2048xf32, #tpu.memory_space<vmem>> -> memref<1x8x2048xf32, #tpu.memory_space<vmem>>
    %dma_wait3A_124 = tpu.memref_squeeze %dma_wait3A_123 : memref<1x8x2048xf32, #tpu.memory_space<vmem>> -> memref<8x2048xf32, #tpu.memory_space<vmem>>
    tpu.wait_dma2 semaphore(%arg13 : memref<!tpu.dma_semaphore, #tpu.memory_space<semaphore_mem>>) src(%dma_wait3A_124 : memref<8x2048xf32, #tpu.memory_space<vmem>>) dst(%dma_wait3A_120 : memref<8x2048xf32, #tpu.memory_space<hbm>>)
    %dma_start3A_125 = arith.constant 0 : i32
    %dma_start3A_126 = arith.constant 0 : i32
    %dma_start3A_127 = arith.constant 0 : i32
    %dma_start3A_128 = tpu.memref_slice %arg6[%dma_start3A_125, %dma_start3A_126, %dma_start3A_127] : memref<6x8x2048xf32, #tpu.memory_space<vmem>> -> memref<1x8x2048xf32, #tpu.memory_space<vmem>>
    %dma_start3A_129 = tpu.memref_squeeze %dma_start3A_128 : memref<1x8x2048xf32, #tpu.memory_space<vmem>> -> memref<8x2048xf32, #tpu.memory_space<vmem>>
    %dma_start3A_130 = arith.constant 48 : i32
    %dma_start3A_131 = tpu.memref_slice %arg5[%dma_start3A_130] : memref<256xi32, #tpu.memory_space<vmem>> -> memref<8xi32, #tpu.memory_space<vmem>>
    %dma_start3A_132 = arith.constant 0 : i32
    %dma_start3A_133 = arith.constant 0 : i32
    %dma_start3A_134 = tpu.memref_slice %arg3[%dma_start3A_132, %dma_start3A_133] : memref<100000x2048xf32, #tpu.memory_space<hbm>> -> memref<100000x2048xf32, #tpu.memory_space<hbm>>
    tpu.enqueue_indirect_dma source(%dma_start3A_134 : memref<100000x2048xf32, #tpu.memory_space<hbm>>) target(%dma_start3A_129 : memref<8x2048xf32, #tpu.memory_space<vmem>>) offsets(%dma_start3A_131 : memref<8xi32, #tpu.memory_space<vmem>>) semaphore(%arg7 : memref<!tpu.dma_semaphore, #tpu.memory_space<semaphore_mem>>)
    %dma_wait3A_135 = arith.constant 1 : i32
    %dma_wait3A_136 = arith.constant 0 : i32
    %dma_wait3A_137 = arith.constant 0 : i32
    %dma_wait3A_138 = tpu.memref_slice %arg6[%dma_wait3A_135, %dma_wait3A_136, %dma_wait3A_137] : memref<6x8x2048xf32, #tpu.memory_space<vmem>> -> memref<1x8x2048xf32, #tpu.memory_space<vmem>>
    %dma_wait3A_139 = tpu.memref_squeeze %dma_wait3A_138 : memref<1x8x2048xf32, #tpu.memory_space<vmem>> -> memref<8x2048xf32, #tpu.memory_space<vmem>>
    %dma_wait3A_140 = arith.constant 8 : i32
    %dma_wait3A_141 = tpu.memref_slice %arg5[%dma_wait3A_140] : memref<256xi32, #tpu.memory_space<vmem>> -> memref<8xi32, #tpu.memory_space<vmem>>
    %dma_wait3A_142 = arith.constant 0 : i32
    %dma_wait3A_143 = arith.constant 0 : i32
    %dma_wait3A_144 = tpu.memref_slice %arg3[%dma_wait3A_142, %dma_wait3A_143] : memref<100000x2048xf32, #tpu.memory_space<hbm>> -> memref<100000x2048xf32, #tpu.memory_space<hbm>>
    tpu.wait_indirect_dma semaphore(%arg8 : memref<!tpu.dma_semaphore, #tpu.memory_space<semaphore_mem>>) src(%dma_wait3A_144 : memref<100000x2048xf32, #tpu.memory_space<hbm>>) dst(%dma_wait3A_139 : memref<8x2048xf32, #tpu.memory_space<vmem>>)
    %add3A_145 = arith.constant 8 : i32
    %add3A_146 = arith.addi %mul3A_2, %add3A_145 : i32
    %dma_start3A_147 = arith.constant 1 : i32
    %dma_start3A_148 = arith.constant 0 : i32
    %dma_start3A_149 = arith.constant 0 : i32
    %dma_start3A_150 = tpu.memref_slice %arg6[%dma_start3A_147, %dma_start3A_148, %dma_start3A_149] : memref<6x8x2048xf32, #tpu.memory_space<vmem>> -> memref<1x8x2048xf32, #tpu.memory_space<vmem>>
    %dma_start3A_151 = tpu.memref_squeeze %dma_start3A_150 : memref<1x8x2048xf32, #tpu.memory_space<vmem>> -> memref<8x2048xf32, #tpu.memory_space<vmem>>
    %dma_start3A_152 = arith.constant 0 : i32
    %dma_start3A_153 = tpu.memref_slice %arg4[%add3A_146, %dma_start3A_152] : memref<8192x2048xf32, #tpu.memory_space<hbm>> -> memref<8x2048xf32, #tpu.memory_space<hbm>>
    %dma_start3A_154 = arith.constant 0 : i32
    %dma_start3A_155 = tpu.memref_slice %arg4[%add3A_146, %dma_start3A_154] : memref<8192x2048xf32, #tpu.memory_space<hbm>> -> memref<8x2048xf32, #tpu.memory_space<hbm>>
    %dma_start3A_156 = arith.constant 0 : i32
    %dma_start3A_157 = arith.constant 0 : i32
    %dma_start3A_158 = tpu.memref_slice %arg6[%dma_start3A_147, %dma_start3A_156, %dma_start3A_157] : memref<6x8x2048xf32, #tpu.memory_space<vmem>> -> memref<1x8x2048xf32, #tpu.memory_space<vmem>>
    %dma_start3A_159 = tpu.memref_squeeze %dma_start3A_158 : memref<1x8x2048xf32, #tpu.memory_space<vmem>> -> memref<8x2048xf32, #tpu.memory_space<vmem>>
    tpu.enqueue_dma source(%dma_start3A_159 : memref<8x2048xf32, #tpu.memory_space<vmem>>) target(%dma_start3A_155 : memref<8x2048xf32, #tpu.memory_space<hbm>>) target_semaphore(%arg14 : memref<!tpu.dma_semaphore, #tpu.memory_space<semaphore_mem>>)
    %dma_wait3A_160 = arith.constant 1 : i32
    %dma_wait3A_161 = arith.constant 0 : i32
    %dma_wait3A_162 = arith.constant 0 : i32
    %dma_wait3A_163 = tpu.memref_slice %arg6[%dma_wait3A_160, %dma_wait3A_161, %dma_wait3A_162] : memref<6x8x2048xf32, #tpu.memory_space<vmem>> -> memref<1x8x2048xf32, #tpu.memory_space<vmem>>
    %dma_wait3A_164 = tpu.memref_squeeze %dma_wait3A_163 : memref<1x8x2048xf32, #tpu.memory_space<vmem>> -> memref<8x2048xf32, #tpu.memory_space<vmem>>
    %dma_wait3A_165 = arith.constant 0 : i32
    %dma_wait3A_166 = tpu.memref_slice %arg4[%add3A_146, %dma_wait3A_165] : memref<8192x2048xf32, #tpu.memory_space<hbm>> -> memref<8x2048xf32, #tpu.memory_space<hbm>>
    %dma_wait3A_167 = arith.constant 0 : i32
    %dma_wait3A_168 = tpu.memref_slice %arg4[%add3A_146, %dma_wait3A_167] : memref<8192x2048xf32, #tpu.memory_space<hbm>> -> memref<8x2048xf32, #tpu.memory_space<hbm>>
    %dma_wait3A_169 = arith.constant 0 : i32
    %dma_wait3A_170 = arith.constant 0 : i32
    %dma_wait3A_171 = tpu.memref_slice %arg6[%dma_wait3A_160, %dma_wait3A_169, %dma_wait3A_170] : memref<6x8x2048xf32, #tpu.memory_space<vmem>> -> memref<1x8x2048xf32, #tpu.memory_space<vmem>>
    %dma_wait3A_172 = tpu.memref_squeeze %dma_wait3A_171 : memref<1x8x2048xf32, #tpu.memory_space<vmem>> -> memref<8x2048xf32, #tpu.memory_space<vmem>>
    tpu.wait_dma2 semaphore(%arg14 : memref<!tpu.dma_semaphore, #tpu.memory_space<semaphore_mem>>) src(%dma_wait3A_172 : memref<8x2048xf32, #tpu.memory_space<vmem>>) dst(%dma_wait3A_168 : memref<8x2048xf32, #tpu.memory_space<hbm>>)
    %dma_start3A_173 = arith.constant 1 : i32
    %dma_start3A_174 = arith.constant 0 : i32
    %dma_start3A_175 = arith.constant 0 : i32
    %dma_start3A_176 = tpu.memref_slice %arg6[%dma_start3A_173, %dma_start3A_174, %dma_start3A_175] : memref<6x8x2048xf32, #tpu.memory_space<vmem>> -> memref<1x8x2048xf32, #tpu.memory_space<vmem>>
    %dma_start3A_177 = tpu.memref_squeeze %dma_start3A_176 : memref<1x8x2048xf32, #tpu.memory_space<vmem>> -> memref<8x2048xf32, #tpu.memory_space<vmem>>
    %dma_start3A_178 = arith.constant 56 : i32
    %dma_start3A_179 = tpu.memref_slice %arg5[%dma_start3A_178] : memref<256xi32, #tpu.memory_space<vmem>> -> memref<8xi32, #tpu.memory_space<vmem>>
    %dma_start3A_180 = arith.constant 0 : i32
    %dma_start3A_181 = arith.constant 0 : i32
    %dma_start3A_182 = tpu.memref_slice %arg3[%dma_start3A_180, %dma_start3A_181] : memref<100000x2048xf32, #tpu.memory_space<hbm>> -> memref<100000x2048xf32, #tpu.memory_space<hbm>>
    tpu.enqueue_indirect_dma source(%dma_start3A_182 : memref<100000x2048xf32, #tpu.memory_space<hbm>>) target(%dma_start3A_177 : memref<8x2048xf32, #tpu.memory_space<vmem>>) offsets(%dma_start3A_179 : memref<8xi32, #tpu.memory_space<vmem>>) semaphore(%arg8 : memref<!tpu.dma_semaphore, #tpu.memory_space<semaphore_mem>>)
    %dma_wait3A_183 = arith.constant 2 : i32
    %dma_wait3A_184 = arith.constant 0 : i32
    %dma_wait3A_185 = arith.constant 0 : i32
    %dma_wait3A_186 = tpu.memref_slice %arg6[%dma_wait3A_183, %dma_wait3A_184, %dma_wait3A_185] : memref<6x8x2048xf32, #tpu.memory_space<vmem>> -> memref<1x8x2048xf32, #tpu.memory_space<vmem>>
    %dma_wait3A_187 = tpu.memref_squeeze %dma_wait3A_186 : memref<1x8x2048xf32, #tpu.memory_space<vmem>> -> memref<8x2048xf32, #tpu.memory_space<vmem>>
    %dma_wait3A_188 = arith.constant 16 : i32
    %dma_wait3A_189 = tpu.memref_slice %arg5[%dma_wait3A_188] : memref<256xi32, #tpu.memory_space<vmem>> -> memref<8xi32, #tpu.memory_space<vmem>>
    %dma_wait3A_190 = arith.constant 0 : i32
    %dma_wait3A_191 = arith.constant 0 : i32
    %dma_wait3A_192 = tpu.memref_slice %arg3[%dma_wait3A_190, %dma_wait3A_191] : memref<100000x2048xf32, #tpu.memory_space<hbm>> -> memref<100000x2048xf32, #tpu.memory_space<hbm>>
    tpu.wait_indirect_dma semaphore(%arg9 : memref<!tpu.dma_semaphore, #tpu.memory_space<semaphore_mem>>) src(%dma_wait3A_192 : memref<100000x2048xf32, #tpu.memory_space<hbm>>) dst(%dma_wait3A_187 : memref<8x2048xf32, #tpu.memory_space<vmem>>)
    %add3A_193 = arith.constant 16 : i32
    %add3A_194 = arith.addi %mul3A_2, %add3A_193 : i32
    %dma_start3A_195 = arith.constant 2 : i32
    %dma_start3A_196 = arith.constant 0 : i32
    %dma_start3A_197 = arith.constant 0 : i32
    %dma_start3A_198 = tpu.memref_slice %arg6[%dma_start3A_195, %dma_start3A_196, %dma_start3A_197] : memref<6x8x2048xf32, #tpu.memory_space<vmem>> -> memref<1x8x2048xf32, #tpu.memory_space<vmem>>
    %dma_start3A_199 = tpu.memref_squeeze %dma_start3A_198 : memref<1x8x2048xf32, #tpu.memory_space<vmem>> -> memref<8x2048xf32, #tpu.memory_space<vmem>>
    %dma_start3A_200 = arith.constant 0 : i32
    %dma_start3A_201 = tpu.memref_slice %arg4[%add3A_194, %dma_start3A_200] : memref<8192x2048xf32, #tpu.memory_space<hbm>> -> memref<8x2048xf32, #tpu.memory_space<hbm>>
    %dma_start3A_202 = arith.constant 0 : i32
    %dma_start3A_203 = tpu.memref_slice %arg4[%add3A_194, %dma_start3A_202] : memref<8192x2048xf32, #tpu.memory_space<hbm>> -> memref<8x2048xf32, #tpu.memory_space<hbm>>
    %dma_start3A_204 = arith.constant 0 : i32
    %dma_start3A_205 = arith.constant 0 : i32
    %dma_start3A_206 = tpu.memref_slice %arg6[%dma_start3A_195, %dma_start3A_204, %dma_start3A_205] : memref<6x8x2048xf32, #tpu.memory_space<vmem>> -> memref<1x8x2048xf32, #tpu.memory_space<vmem>>
    %dma_start3A_207 = tpu.memref_squeeze %dma_start3A_206 : memref<1x8x2048xf32, #tpu.memory_space<vmem>> -> memref<8x2048xf32, #tpu.memory_space<vmem>>
    tpu.enqueue_dma source(%dma_start3A_207 : memref<8x2048xf32, #tpu.memory_space<vmem>>) target(%dma_start3A_203 : memref<8x2048xf32, #tpu.memory_space<hbm>>) target_semaphore(%arg15 : memref<!tpu.dma_semaphore, #tpu.memory_space<semaphore_mem>>)
    %dma_wait3A_208 = arith.constant 2 : i32
    %dma_wait3A_209 = arith.constant 0 : i32
    %dma_wait3A_210 = arith.constant 0 : i32
    %dma_wait3A_211 = tpu.memref_slice %arg6[%dma_wait3A_208, %dma_wait3A_209, %dma_wait3A_210] : memref<6x8x2048xf32, #tpu.memory_space<vmem>> -> memref<1x8x2048xf32, #tpu.memory_space<vmem>>
    %dma_wait3A_212 = tpu.memref_squeeze %dma_wait3A_211 : memref<1x8x2048xf32, #tpu.memory_space<vmem>> -> memref<8x2048xf32, #tpu.memory_space<vmem>>
    %dma_wait3A_213 = arith.constant 0 : i32
    %dma_wait3A_214 = tpu.memref_slice %arg4[%add3A_194, %dma_wait3A_213] : memref<8192x2048xf32, #tpu.memory_space<hbm>> -> memref<8x2048xf32, #tpu.memory_space<hbm>>
    %dma_wait3A_215 = arith.constant 0 : i32
    %dma_wait3A_216 = tpu.memref_slice %arg4[%add3A_194, %dma_wait3A_215] : memref<8192x2048xf32, #tpu.memory_space<hbm>> -> memref<8x2048xf32, #tpu.memory_space<hbm>>
    %dma_wait3A_217 = arith.constant 0 : i32
    %dma_wait3A_218 = arith.constant 0 : i32
    %dma_wait3A_219 = tpu.memref_slice %arg6[%dma_wait3A_208, %dma_wait3A_217, %dma_wait3A_218] : memref<6x8x2048xf32, #tpu.memory_space<vmem>> -> memref<1x8x2048xf32, #tpu.memory_space<vmem>>
    %dma_wait3A_220 = tpu.memref_squeeze %dma_wait3A_219 : memref<1x8x2048xf32, #tpu.memory_space<vmem>> -> memref<8x2048xf32, #tpu.memory_space<vmem>>
    tpu.wait_dma2 semaphore(%arg15 : memref<!tpu.dma_semaphore, #tpu.memory_space<semaphore_mem>>) src(%dma_wait3A_220 : memref<8x2048xf32, #tpu.memory_space<vmem>>) dst(%dma_wait3A_216 : memref<8x2048xf32, #tpu.memory_space<hbm>>)
    %dma_start3A_221 = arith.constant 2 : i32
    %dma_start3A_222 = arith.constant 0 : i32
    %dma_start3A_223 = arith.constant 0 : i32
    %dma_start3A_224 = tpu.memref_slice %arg6[%dma_start3A_221, %dma_start3A_222, %dma_start3A_223] : memref<6x8x2048xf32, #tpu.memory_space<vmem>> -> memref<1x8x2048xf32, #tpu.memory_space<vmem>>
    %dma_start3A_225 = tpu.memref_squeeze %dma_start3A_224 : memref<1x8x2048xf32, #tpu.memory_space<vmem>> -> memref<8x2048xf32, #tpu.memory_space<vmem>>
    %dma_start3A_226 = arith.constant 64 : i32
    %dma_start3A_227 = tpu.memref_slice %arg5[%dma_start3A_226] : memref<256xi32, #tpu.memory_space<vmem>> -> memref<8xi32, #tpu.memory_space<vmem>>
    %dma_start3A_228 = arith.constant 0 : i32
    %dma_start3A_229 = arith.constant 0 : i32
    %dma_start3A_230 = tpu.memref_slice %arg3[%dma_start3A_228, %dma_start3A_229] : memref<100000x2048xf32, #tpu.memory_space<hbm>> -> memref<100000x2048xf32, #tpu.memory_space<hbm>>
    tpu.enqueue_indirect_dma source(%dma_start3A_230 : memref<100000x2048xf32, #tpu.memory_space<hbm>>) target(%dma_start3A_225 : memref<8x2048xf32, #tpu.memory_space<vmem>>) offsets(%dma_start3A_227 : memref<8xi32, #tpu.memory_space<vmem>>) semaphore(%arg9 : memref<!tpu.dma_semaphore, #tpu.memory_space<semaphore_mem>>)
    %dma_wait3A_231 = arith.constant 3 : i32
    %dma_wait3A_232 = arith.constant 0 : i32
    %dma_wait3A_233 = arith.constant 0 : i32
    %dma_wait3A_234 = tpu.memref_slice %arg6[%dma_wait3A_231, %dma_wait3A_232, %dma_wait3A_233] : memref<6x8x2048xf32, #tpu.memory_space<vmem>> -> memref<1x8x2048xf32, #tpu.memory_space<vmem>>
    %dma_wait3A_235 = tpu.memref_squeeze %dma_wait3A_234 : memref<1x8x2048xf32, #tpu.memory_space<vmem>> -> memref<8x2048xf32, #tpu.memory_space<vmem>>
    %dma_wait3A_236 = arith.constant 24 : i32
    %dma_wait3A_237 = tpu.memref_slice %arg5[%dma_wait3A_236] : memref<256xi32, #tpu.memory_space<vmem>> -> memref<8xi32, #tpu.memory_space<vmem>>
    %dma_wait3A_238 = arith.constant 0 : i32
    %dma_wait3A_239 = arith.constant 0 : i32
    %dma_wait3A_240 = tpu.memref_slice %arg3[%dma_wait3A_238, %dma_wait3A_239] : memref<100000x2048xf32, #tpu.memory_space<hbm>> -> memref<100000x2048xf32, #tpu.memory_space<hbm>>
    tpu.wait_indirect_dma semaphore(%arg10 : memref<!tpu.dma_semaphore, #tpu.memory_space<semaphore_mem>>) src(%dma_wait3A_240 : memref<100000x2048xf32, #tpu.memory_space<hbm>>) dst(%dma_wait3A_235 : memref<8x2048xf32, #tpu.memory_space<vmem>>)
    %add3A_241 = arith.constant 24 : i32
    %add3A_242 = arith.addi %mul3A_2, %add3A_241 : i32
    %dma_start3A_243 = arith.constant 3 : i32
    %dma_start3A_244 = arith.constant 0 : i32
    %dma_start3A_245 = arith.constant 0 : i32
    %dma_start3A_246 = tpu.memref_slice %arg6[%dma_start3A_243, %dma_start3A_244, %dma_start3A_245] : memref<6x8x2048xf32, #tpu.memory_space<vmem>> -> memref<1x8x2048xf32, #tpu.memory_space<vmem>>
    %dma_start3A_247 = tpu.memref_squeeze %dma_start3A_246 : memref<1x8x2048xf32, #tpu.memory_space<vmem>> -> memref<8x2048xf32, #tpu.memory_space<vmem>>
    %dma_start3A_248 = arith.constant 0 : i32
    %dma_start3A_249 = tpu.memref_slice %arg4[%add3A_242, %dma_start3A_248] : memref<8192x2048xf32, #tpu.memory_space<hbm>> -> memref<8x2048xf32, #tpu.memory_space<hbm>>
    %dma_start3A_250 = arith.constant 0 : i32
    %dma_start3A_251 = tpu.memref_slice %arg4[%add3A_242, %dma_start3A_250] : memref<8192x2048xf32, #tpu.memory_space<hbm>> -> memref<8x2048xf32, #tpu.memory_space<hbm>>
    %dma_start3A_252 = arith.constant 0 : i32
    %dma_start3A_253 = arith.constant 0 : i32
    %dma_start3A_254 = tpu.memref_slice %arg6[%dma_start3A_243, %dma_start3A_252, %dma_start3A_253] : memref<6x8x2048xf32, #tpu.memory_space<vmem>> -> memref<1x8x2048xf32, #tpu.memory_space<vmem>>
    %dma_start3A_255 = tpu.memref_squeeze %dma_start3A_254 : memref<1x8x2048xf32, #tpu.memory_space<vmem>> -> memref<8x2048xf32, #tpu.memory_space<vmem>>
    tpu.enqueue_dma source(%dma_start3A_255 : memref<8x2048xf32, #tpu.memory_space<vmem>>) target(%dma_start3A_251 : memref<8x2048xf32, #tpu.memory_space<hbm>>) target_semaphore(%arg16 : memref<!tpu.dma_semaphore, #tpu.memory_space<semaphore_mem>>)
    %dma_wait3A_256 = arith.constant 3 : i32
    %dma_wait3A_257 = arith.constant 0 : i32
    %dma_wait3A_258 = arith.constant 0 : i32
    %dma_wait3A_259 = tpu.memref_slice %arg6[%dma_wait3A_256, %dma_wait3A_257, %dma_wait3A_258] : memref<6x8x2048xf32, #tpu.memory_space<vmem>> -> memref<1x8x2048xf32, #tpu.memory_space<vmem>>
    %dma_wait3A_260 = tpu.memref_squeeze %dma_wait3A_259 : memref<1x8x2048xf32, #tpu.memory_space<vmem>> -> memref<8x2048xf32, #tpu.memory_space<vmem>>
    %dma_wait3A_261 = arith.constant 0 : i32
    %dma_wait3A_262 = tpu.memref_slice %arg4[%add3A_242, %dma_wait3A_261] : memref<8192x2048xf32, #tpu.memory_space<hbm>> -> memref<8x2048xf32, #tpu.memory_space<hbm>>
    %dma_wait3A_263 = arith.constant 0 : i32
    %dma_wait3A_264 = tpu.memref_slice %arg4[%add3A_242, %dma_wait3A_263] : memref<8192x2048xf32, #tpu.memory_space<hbm>> -> memref<8x2048xf32, #tpu.memory_space<hbm>>
    %dma_wait3A_265 = arith.constant 0 : i32
    %dma_wait3A_266 = arith.constant 0 : i32
    %dma_wait3A_267 = tpu.memref_slice %arg6[%dma_wait3A_256, %dma_wait3A_265, %dma_wait3A_266] : memref<6x8x2048xf32, #tpu.memory_space<vmem>> -> memref<1x8x2048xf32, #tpu.memory_space<vmem>>
    %dma_wait3A_268 = tpu.memref_squeeze %dma_wait3A_267 : memref<1x8x2048xf32, #tpu.memory_space<vmem>> -> memref<8x2048xf32, #tpu.memory_space<vmem>>
    tpu.wait_dma2 semaphore(%arg16 : memref<!tpu.dma_semaphore, #tpu.memory_space<semaphore_mem>>) src(%dma_wait3A_268 : memref<8x2048xf32, #tpu.memory_space<vmem>>) dst(%dma_wait3A_264 : memref<8x2048xf32, #tpu.memory_space<hbm>>)
    %dma_start3A_269 = arith.constant 3 : i32
    %dma_start3A_270 = arith.constant 0 : i32
    %dma_start3A_271 = arith.constant 0 : i32
    %dma_start3A_272 = tpu.memref_slice %arg6[%dma_start3A_269, %dma_start3A_270, %dma_start3A_271] : memref<6x8x2048xf32, #tpu.memory_space<vmem>> -> memref<1x8x2048xf32, #tpu.memory_space<vmem>>
    %dma_start3A_273 = tpu.memref_squeeze %dma_start3A_272 : memref<1x8x2048xf32, #tpu.memory_space<vmem>> -> memref<8x2048xf32, #tpu.memory_space<vmem>>
    %dma_start3A_274 = arith.constant 72 : i32
    %dma_start3A_275 = tpu.memref_slice %arg5[%dma_start3A_274] : memref<256xi32, #tpu.memory_space<vmem>> -> memref<8xi32, #tpu.memory_space<vmem>>
    %dma_start3A_276 = arith.constant 0 : i32
    %dma_start3A_277 = arith.constant 0 : i32
    %dma_start3A_278 = tpu.memref_slice %arg3[%dma_start3A_276, %dma_start3A_277] : memref<100000x2048xf32, #tpu.memory_space<hbm>> -> memref<100000x2048xf32, #tpu.memory_space<hbm>>
    tpu.enqueue_indirect_dma source(%dma_start3A_278 : memref<100000x2048xf32, #tpu.memory_space<hbm>>) target(%dma_start3A_273 : memref<8x2048xf32, #tpu.memory_space<vmem>>) offsets(%dma_start3A_275 : memref<8xi32, #tpu.memory_space<vmem>>) semaphore(%arg10 : memref<!tpu.dma_semaphore, #tpu.memory_space<semaphore_mem>>)
    %dma_wait3A_279 = arith.constant 4 : i32
    %dma_wait3A_280 = arith.constant 0 : i32
    %dma_wait3A_281 = arith.constant 0 : i32
    %dma_wait3A_282 = tpu.memref_slice %arg6[%dma_wait3A_279, %dma_wait3A_280, %dma_wait3A_281] : memref<6x8x2048xf32, #tpu.memory_space<vmem>> -> memref<1x8x2048xf32, #tpu.memory_space<vmem>>
    %dma_wait3A_283 = tpu.memref_squeeze %dma_wait3A_282 : memref<1x8x2048xf32, #tpu.memory_space<vmem>> -> memref<8x2048xf32, #tpu.memory_space<vmem>>
    %dma_wait3A_284 = arith.constant 32 : i32
    %dma_wait3A_285 = tpu.memref_slice %arg5[%dma_wait3A_284] : memref<256xi32, #tpu.memory_space<vmem>> -> memref<8xi32, #tpu.memory_space<vmem>>
    %dma_wait3A_286 = arith.constant 0 : i32
    %dma_wait3A_287 = arith.constant 0 : i32
    %dma_wait3A_288 = tpu.memref_slice %arg3[%dma_wait3A_286, %dma_wait3A_287] : memref<100000x2048xf32, #tpu.memory_space<hbm>> -> memref<100000x2048xf32, #tpu.memory_space<hbm>>
    tpu.wait_indirect_dma semaphore(%arg11 : memref<!tpu.dma_semaphore, #tpu.memory_space<semaphore_mem>>) src(%dma_wait3A_288 : memref<100000x2048xf32, #tpu.memory_space<hbm>>) dst(%dma_wait3A_283 : memref<8x2048xf32, #tpu.memory_space<vmem>>)
    %add3A_289 = arith.constant 32 : i32
    %add3A_290 = arith.addi %mul3A_2, %add3A_289 : i32
    %dma_start3A_291 = arith.constant 4 : i32
    %dma_start3A_292 = arith.constant 0 : i32
    %dma_start3A_293 = arith.constant 0 : i32
    %dma_start3A_294 = tpu.memref_slice %arg6[%dma_start3A_291, %dma_start3A_292, %dma_start3A_293] : memref<6x8x2048xf32, #tpu.memory_space<vmem>> -> memref<1x8x2048xf32, #tpu.memory_space<vmem>>
    %dma_start3A_295 = tpu.memref_squeeze %dma_start3A_294 : memref<1x8x2048xf32, #tpu.memory_space<vmem>> -> memref<8x2048xf32, #tpu.memory_space<vmem>>
    %dma_start3A_296 = arith.constant 0 : i32
    %dma_start3A_297 = tpu.memref_slice %arg4[%add3A_290, %dma_start3A_296] : memref<8192x2048xf32, #tpu.memory_space<hbm>> -> memref<8x2048xf32, #tpu.memory_space<hbm>>
    %dma_start3A_298 = arith.constant 0 : i32
    %dma_start3A_299 = tpu.memref_slice %arg4[%add3A_290, %dma_start3A_298] : memref<8192x2048xf32, #tpu.memory_space<hbm>> -> memref<8x2048xf32, #tpu.memory_space<hbm>>
    %dma_start3A_300 = arith.constant 0 : i32
    %dma_start3A_301 = arith.constant 0 : i32
    %dma_start3A_302 = tpu.memref_slice %arg6[%dma_start3A_291, %dma_start3A_300, %dma_start3A_301] : memref<6x8x2048xf32, #tpu.memory_space<vmem>> -> memref<1x8x2048xf32, #tpu.memory_space<vmem>>
    %dma_start3A_303 = tpu.memref_squeeze %dma_start3A_302 : memref<1x8x2048xf32, #tpu.memory_space<vmem>> -> memref<8x2048xf32, #tpu.memory_space<vmem>>
    tpu.enqueue_dma source(%dma_start3A_303 : memref<8x2048xf32, #tpu.memory_space<vmem>>) target(%dma_start3A_299 : memref<8x2048xf32, #tpu.memory_space<hbm>>) target_semaphore(%arg17 : memref<!tpu.dma_semaphore, #tpu.memory_space<semaphore_mem>>)
    %dma_wait3A_304 = arith.constant 4 : i32
    %dma_wait3A_305 = arith.constant 0 : i32
    %dma_wait3A_306 = arith.constant 0 : i32
    %dma_wait3A_307 = tpu.memref_slice %arg6[%dma_wait3A_304, %dma_wait3A_305, %dma_wait3A_306] : memref<6x8x2048xf32, #tpu.memory_space<vmem>> -> memref<1x8x2048xf32, #tpu.memory_space<vmem>>
    %dma_wait3A_308 = tpu.memref_squeeze %dma_wait3A_307 : memref<1x8x2048xf32, #tpu.memory_space<vmem>> -> memref<8x2048xf32, #tpu.memory_space<vmem>>
    %dma_wait3A_309 = arith.constant 0 : i32
    %dma_wait3A_310 = tpu.memref_slice %arg4[%add3A_290, %dma_wait3A_309] : memref<8192x2048xf32, #tpu.memory_space<hbm>> -> memref<8x2048xf32, #tpu.memory_space<hbm>>
    %dma_wait3A_311 = arith.constant 0 : i32
    %dma_wait3A_312 = tpu.memref_slice %arg4[%add3A_290, %dma_wait3A_311] : memref<8192x2048xf32, #tpu.memory_space<hbm>> -> memref<8x2048xf32, #tpu.memory_space<hbm>>
    %dma_wait3A_313 = arith.constant 0 : i32
    %dma_wait3A_314 = arith.constant 0 : i32
    %dma_wait3A_315 = tpu.memref_slice %arg6[%dma_wait3A_304, %dma_wait3A_313, %dma_wait3A_314] : memref<6x8x2048xf32, #tpu.memory_space<vmem>> -> memref<1x8x2048xf32, #tpu.memory_space<vmem>>
    %dma_wait3A_316 = tpu.memref_squeeze %dma_wait3A_315 : memref<1x8x2048xf32, #tpu.memory_space<vmem>> -> memref<8x2048xf32, #tpu.memory_space<vmem>>
    tpu.wait_dma2 semaphore(%arg17 : memref<!tpu.dma_semaphore, #tpu.memory_space<semaphore_mem>>) src(%dma_wait3A_316 : memref<8x2048xf32, #tpu.memory_space<vmem>>) dst(%dma_wait3A_312 : memref<8x2048xf32, #tpu.memory_space<hbm>>)
    %dma_start3A_317 = arith.constant 4 : i32
    %dma_start3A_318 = arith.constant 0 : i32
    %dma_start3A_319 = arith.constant 0 : i32
    %dma_start3A_320 = tpu.memref_slice %arg6[%dma_start3A_317, %dma_start3A_318, %dma_start3A_319] : memref<6x8x2048xf32, #tpu.memory_space<vmem>> -> memref<1x8x2048xf32, #tpu.memory_space<vmem>>
    %dma_start3A_321 = tpu.memref_squeeze %dma_start3A_320 : memref<1x8x2048xf32, #tpu.memory_space<vmem>> -> memref<8x2048xf32, #tpu.memory_space<vmem>>
    %dma_start3A_322 = arith.constant 80 : i32
    %dma_start3A_323 = tpu.memref_slice %arg5[%dma_start3A_322] : memref<256xi32, #tpu.memory_space<vmem>> -> memref<8xi32, #tpu.memory_space<vmem>>
    %dma_start3A_324 = arith.constant 0 : i32
    %dma_start3A_325 = arith.constant 0 : i32
    %dma_start3A_326 = tpu.memref_slice %arg3[%dma_start3A_324, %dma_start3A_325] : memref<100000x2048xf32, #tpu.memory_space<hbm>> -> memref<100000x2048xf32, #tpu.memory_space<hbm>>
    tpu.enqueue_indirect_dma source(%dma_start3A_326 : memref<100000x2048xf32, #tpu.memory_space<hbm>>) target(%dma_start3A_321 : memref<8x2048xf32, #tpu.memory_space<vmem>>) offsets(%dma_start3A_323 : memref<8xi32, #tpu.memory_space<vmem>>) semaphore(%arg11 : memref<!tpu.dma_semaphore, #tpu.memory_space<semaphore_mem>>)
    %dma_wait3A_327 = arith.constant 5 : i32
    %dma_wait3A_328 = arith.constant 0 : i32
    %dma_wait3A_329 = arith.constant 0 : i32
    %dma_wait3A_330 = tpu.memref_slice %arg6[%dma_wait3A_327, %dma_wait3A_328, %dma_wait3A_329] : memref<6x8x2048xf32, #tpu.memory_space<vmem>> -> memref<1x8x2048xf32, #tpu.memory_space<vmem>>
    %dma_wait3A_331 = tpu.memref_squeeze %dma_wait3A_330 : memref<1x8x2048xf32, #tpu.memory_space<vmem>> -> memref<8x2048xf32, #tpu.memory_space<vmem>>
    %dma_wait3A_332 = arith.constant 40 : i32
    %dma_wait3A_333 = tpu.memref_slice %arg5[%dma_wait3A_332] : memref<256xi32, #tpu.memory_space<vmem>> -> memref<8xi32, #tpu.memory_space<vmem>>
    %dma_wait3A_334 = arith.constant 0 : i32
    %dma_wait3A_335 = arith.constant 0 : i32
    %dma_wait3A_336 = tpu.memref_slice %arg3[%dma_wait3A_334, %dma_wait3A_335] : memref<100000x2048xf32, #tpu.memory_space<hbm>> -> memref<100000x2048xf32, #tpu.memory_space<hbm>>
    tpu.wait_indirect_dma semaphore(%arg12 : memref<!tpu.dma_semaphore, #tpu.memory_space<semaphore_mem>>) src(%dma_wait3A_336 : memref<100000x2048xf32, #tpu.memory_space<hbm>>) dst(%dma_wait3A_331 : memref<8x2048xf32, #tpu.memory_space<vmem>>)
    %add3A_337 = arith.constant 40 : i32
    %add3A_338 = arith.addi %mul3A_2, %add3A_337 : i32
    %dma_start3A_339 = arith.constant 5 : i32
    %dma_start3A_340 = arith.constant 0 : i32
    %dma_start3A_341 = arith.constant 0 : i32
    %dma_start3A_342 = tpu.memref_slice %arg6[%dma_start3A_339, %dma_start3A_340, %dma_start3A_341] : memref<6x8x2048xf32, #tpu.memory_space<vmem>> -> memref<1x8x2048xf32, #tpu.memory_space<vmem>>
    %dma_start3A_343 = tpu.memref_squeeze %dma_start3A_342 : memref<1x8x2048xf32, #tpu.memory_space<vmem>> -> memref<8x2048xf32, #tpu.memory_space<vmem>>
    %dma_start3A_344 = arith.constant 0 : i32
    %dma_start3A_345 = tpu.memref_slice %arg4[%add3A_338, %dma_start3A_344] : memref<8192x2048xf32, #tpu.memory_space<hbm>> -> memref<8x2048xf32, #tpu.memory_space<hbm>>
    %dma_start3A_346 = arith.constant 0 : i32
    %dma_start3A_347 = tpu.memref_slice %arg4[%add3A_338, %dma_start3A_346] : memref<8192x2048xf32, #tpu.memory_space<hbm>> -> memref<8x2048xf32, #tpu.memory_space<hbm>>
    %dma_start3A_348 = arith.constant 0 : i32
    %dma_start3A_349 = arith.constant 0 : i32
    %dma_start3A_350 = tpu.memref_slice %arg6[%dma_start3A_339, %dma_start3A_348, %dma_start3A_349] : memref<6x8x2048xf32, #tpu.memory_space<vmem>> -> memref<1x8x2048xf32, #tpu.memory_space<vmem>>
    %dma_start3A_351 = tpu.memref_squeeze %dma_start3A_350 : memref<1x8x2048xf32, #tpu.memory_space<vmem>> -> memref<8x2048xf32, #tpu.memory_space<vmem>>
    tpu.enqueue_dma source(%dma_start3A_351 : memref<8x2048xf32, #tpu.memory_space<vmem>>) target(%dma_start3A_347 : memref<8x2048xf32, #tpu.memory_space<hbm>>) target_semaphore(%arg18 : memref<!tpu.dma_semaphore, #tpu.memory_space<semaphore_mem>>)
    %dma_wait3A_352 = arith.constant 5 : i32
    %dma_wait3A_353 = arith.constant 0 : i32
    %dma_wait3A_354 = arith.constant 0 : i32
    %dma_wait3A_355 = tpu.memref_slice %arg6[%dma_wait3A_352, %dma_wait3A_353, %dma_wait3A_354] : memref<6x8x2048xf32, #tpu.memory_space<vmem>> -> memref<1x8x2048xf32, #tpu.memory_space<vmem>>
    %dma_wait3A_356 = tpu.memref_squeeze %dma_wait3A_355 : memref<1x8x2048xf32, #tpu.memory_space<vmem>> -> memref<8x2048xf32, #tpu.memory_space<vmem>>
    %dma_wait3A_357 = arith.constant 0 : i32
    %dma_wait3A_358 = tpu.memref_slice %arg4[%add3A_338, %dma_wait3A_357] : memref<8192x2048xf32, #tpu.memory_space<hbm>> -> memref<8x2048xf32, #tpu.memory_space<hbm>>
    %dma_wait3A_359 = arith.constant 0 : i32
    %dma_wait3A_360 = tpu.memref_slice %arg4[%add3A_338, %dma_wait3A_359] : memref<8192x2048xf32, #tpu.memory_space<hbm>> -> memref<8x2048xf32, #tpu.memory_space<hbm>>
    %dma_wait3A_361 = arith.constant 0 : i32
    %dma_wait3A_362 = arith.constant 0 : i32
    %dma_wait3A_363 = tpu.memref_slice %arg6[%dma_wait3A_352, %dma_wait3A_361, %dma_wait3A_362] : memref<6x8x2048xf32, #tpu.memory_space<vmem>> -> memref<1x8x2048xf32, #tpu.memory_space<vmem>>
    %dma_wait3A_364 = tpu.memref_squeeze %dma_wait3A_363 : memref<1x8x2048xf32, #tpu.memory_space<vmem>> -> memref<8x2048xf32, #tpu.memory_space<vmem>>
    tpu.wait_dma2 semaphore(%arg18 : memref<!tpu.dma_semaphore, #tpu.memory_space<semaphore_mem>>) src(%dma_wait3A_364 : memref<8x2048xf32, #tpu.memory_space<vmem>>) dst(%dma_wait3A_360 : memref<8x2048xf32, #tpu.memory_space<hbm>>)
    %dma_start3A_365 = arith.constant 5 : i32
    %dma_start3A_366 = arith.constant 0 : i32
    %dma_start3A_367 = arith.constant 0 : i32
    %dma_start3A_368 = tpu.memref_slice %arg6[%dma_start3A_365, %dma_start3A_366, %dma_start3A_367] : memref<6x8x2048xf32, #tpu.memory_space<vmem>> -> memref<1x8x2048xf32, #tpu.memory_space<vmem>>
    %dma_start3A_369 = tpu.memref_squeeze %dma_start3A_368 : memref<1x8x2048xf32, #tpu.memory_space<vmem>> -> memref<8x2048xf32, #tpu.memory_space<vmem>>
    %dma_start3A_370 = arith.constant 88 : i32
    %dma_start3A_371 = tpu.memref_slice %arg5[%dma_start3A_370] : memref<256xi32, #tpu.memory_space<vmem>> -> memref<8xi32, #tpu.memory_space<vmem>>
    %dma_start3A_372 = arith.constant 0 : i32
    %dma_start3A_373 = arith.constant 0 : i32
    %dma_start3A_374 = tpu.memref_slice %arg3[%dma_start3A_372, %dma_start3A_373] : memref<100000x2048xf32, #tpu.memory_space<hbm>> -> memref<100000x2048xf32, #tpu.memory_space<hbm>>
    tpu.enqueue_indirect_dma source(%dma_start3A_374 : memref<100000x2048xf32, #tpu.memory_space<hbm>>) target(%dma_start3A_369 : memref<8x2048xf32, #tpu.memory_space<vmem>>) offsets(%dma_start3A_371 : memref<8xi32, #tpu.memory_space<vmem>>) semaphore(%arg12 : memref<!tpu.dma_semaphore, #tpu.memory_space<semaphore_mem>>)
    %dma_wait3A_375 = arith.constant 0 : i32
    %dma_wait3A_376 = arith.constant 0 : i32
    %dma_wait3A_377 = arith.constant 0 : i32
    %dma_wait3A_378 = tpu.memref_slice %arg6[%dma_wait3A_375, %dma_wait3A_376, %dma_wait3A_377] : memref<6x8x2048xf32, #tpu.memory_space<vmem>> -> memref<1x8x2048xf32, #tpu.memory_space<vmem>>
    %dma_wait3A_379 = tpu.memref_squeeze %dma_wait3A_378 : memref<1x8x2048xf32, #tpu.memory_space<vmem>> -> memref<8x2048xf32, #tpu.memory_space<vmem>>
    %dma_wait3A_380 = arith.constant 48 : i32
    %dma_wait3A_381 = tpu.memref_slice %arg5[%dma_wait3A_380] : memref<256xi32, #tpu.memory_space<vmem>> -> memref<8xi32, #tpu.memory_space<vmem>>
    %dma_wait3A_382 = arith.constant 0 : i32
    %dma_wait3A_383 = arith.constant 0 : i32
    %dma_wait3A_384 = tpu.memref_slice %arg3[%dma_wait3A_382, %dma_wait3A_383] : memref<100000x2048xf32, #tpu.memory_space<hbm>> -> memref<100000x2048xf32, #tpu.memory_space<hbm>>
    tpu.wait_indirect_dma semaphore(%arg7 : memref<!tpu.dma_semaphore, #tpu.memory_space<semaphore_mem>>) src(%dma_wait3A_384 : memref<100000x2048xf32, #tpu.memory_space<hbm>>) dst(%dma_wait3A_379 : memref<8x2048xf32, #tpu.memory_space<vmem>>)
    %add3A_385 = arith.constant 48 : i32
    %add3A_386 = arith.addi %mul3A_2, %add3A_385 : i32
    %dma_start3A_387 = arith.constant 0 : i32
    %dma_start3A_388 = arith.constant 0 : i32
    %dma_start3A_389 = arith.constant 0 : i32
    %dma_start3A_390 = tpu.memref_slice %arg6[%dma_start3A_387, %dma_start3A_388, %dma_start3A_389] : memref<6x8x2048xf32, #tpu.memory_space<vmem>> -> memref<1x8x2048xf32, #tpu.memory_space<vmem>>
    %dma_start3A_391 = tpu.memref_squeeze %dma_start3A_390 : memref<1x8x2048xf32, #tpu.memory_space<vmem>> -> memref<8x2048xf32, #tpu.memory_space<vmem>>
    %dma_start3A_392 = arith.constant 0 : i32
    %dma_start3A_393 = tpu.memref_slice %arg4[%add3A_386, %dma_start3A_392] : memref<8192x2048xf32, #tpu.memory_space<hbm>> -> memref<8x2048xf32, #tpu.memory_space<hbm>>
    %dma_start3A_394 = arith.constant 0 : i32
    %dma_start3A_395 = tpu.memref_slice %arg4[%add3A_386, %dma_start3A_394] : memref<8192x2048xf32, #tpu.memory_space<hbm>> -> memref<8x2048xf32, #tpu.memory_space<hbm>>
    %dma_start3A_396 = arith.constant 0 : i32
    %dma_start3A_397 = arith.constant 0 : i32
    %dma_start3A_398 = tpu.memref_slice %arg6[%dma_start3A_387, %dma_start3A_396, %dma_start3A_397] : memref<6x8x2048xf32, #tpu.memory_space<vmem>> -> memref<1x8x2048xf32, #tpu.memory_space<vmem>>
    %dma_start3A_399 = tpu.memref_squeeze %dma_start3A_398 : memref<1x8x2048xf32, #tpu.memory_space<vmem>> -> memref<8x2048xf32, #tpu.memory_space<vmem>>
    tpu.enqueue_dma source(%dma_start3A_399 : memref<8x2048xf32, #tpu.memory_space<vmem>>) target(%dma_start3A_395 : memref<8x2048xf32, #tpu.memory_space<hbm>>) target_semaphore(%arg13 : memref<!tpu.dma_semaphore, #tpu.memory_space<semaphore_mem>>)
    %dma_wait3A_400 = arith.constant 0 : i32
    %dma_wait3A_401 = arith.constant 0 : i32
    %dma_wait3A_402 = arith.constant 0 : i32
    %dma_wait3A_403 = tpu.memref_slice %arg6[%dma_wait3A_400, %dma_wait3A_401, %dma_wait3A_402] : memref<6x8x2048xf32, #tpu.memory_space<vmem>> -> memref<1x8x2048xf32, #tpu.memory_space<vmem>>
    %dma_wait3A_404 = tpu.memref_squeeze %dma_wait3A_403 : memref<1x8x2048xf32, #tpu.memory_space<vmem>> -> memref<8x2048xf32, #tpu.memory_space<vmem>>
    %dma_wait3A_405 = arith.constant 0 : i32
    %dma_wait3A_406 = tpu.memref_slice %arg4[%add3A_386, %dma_wait3A_405] : memref<8192x2048xf32, #tpu.memory_space<hbm>> -> memref<8x2048xf32, #tpu.memory_space<hbm>>
    %dma_wait3A_407 = arith.constant 0 : i32
    %dma_wait3A_408 = tpu.memref_slice %arg4[%add3A_386, %dma_wait3A_407] : memref<8192x2048xf32, #tpu.memory_space<hbm>> -> memref<8x2048xf32, #tpu.memory_space<hbm>>
    %dma_wait3A_409 = arith.constant 0 : i32
    %dma_wait3A_410 = arith.constant 0 : i32
    %dma_wait3A_411 = tpu.memref_slice %arg6[%dma_wait3A_400, %dma_wait3A_409, %dma_wait3A_410] : memref<6x8x2048xf32, #tpu.memory_space<vmem>> -> memref<1x8x2048xf32, #tpu.memory_space<vmem>>
    %dma_wait3A_412 = tpu.memref_squeeze %dma_wait3A_411 : memref<1x8x2048xf32, #tpu.memory_space<vmem>> -> memref<8x2048xf32, #tpu.memory_space<vmem>>
    tpu.wait_dma2 semaphore(%arg13 : memref<!tpu.dma_semaphore, #tpu.memory_space<semaphore_mem>>) src(%dma_wait3A_412 : memref<8x2048xf32, #tpu.memory_space<vmem>>) dst(%dma_wait3A_408 : memref<8x2048xf32, #tpu.memory_space<hbm>>)
    %dma_start3A_413 = arith.constant 0 : i32
    %dma_start3A_414 = arith.constant 0 : i32
    %dma_start3A_415 = arith.constant 0 : i32
    %dma_start3A_416 = tpu.memref_slice %arg6[%dma_start3A_413, %dma_start3A_414, %dma_start3A_415] : memref<6x8x2048xf32, #tpu.memory_space<vmem>> -> memref<1x8x2048xf32, #tpu.memory_space<vmem>>
    %dma_start3A_417 = tpu.memref_squeeze %dma_start3A_416 : memref<1x8x2048xf32, #tpu.memory_space<vmem>> -> memref<8x2048xf32, #tpu.memory_space<vmem>>
    %dma_start3A_418 = arith.constant 96 : i32
    %dma_start3A_419 = tpu.memref_slice %arg5[%dma_start3A_418] : memref<256xi32, #tpu.memory_space<vmem>> -> memref<8xi32, #tpu.memory_space<vmem>>
    %dma_start3A_420 = arith.constant 0 : i32
    %dma_start3A_421 = arith.constant 0 : i32
    %dma_start3A_422 = tpu.memref_slice %arg3[%dma_start3A_420, %dma_start3A_421] : memref<100000x2048xf32, #tpu.memory_space<hbm>> -> memref<100000x2048xf32, #tpu.memory_space<hbm>>
    tpu.enqueue_indirect_dma source(%dma_start3A_422 : memref<100000x2048xf32, #tpu.memory_space<hbm>>) target(%dma_start3A_417 : memref<8x2048xf32, #tpu.memory_space<vmem>>) offsets(%dma_start3A_419 : memref<8xi32, #tpu.memory_space<vmem>>) semaphore(%arg7 : memref<!tpu.dma_semaphore, #tpu.memory_space<semaphore_mem>>)
    %dma_wait3A_423 = arith.constant 1 : i32
    %dma_wait3A_424 = arith.constant 0 : i32
    %dma_wait3A_425 = arith.constant 0 : i32
    %dma_wait3A_426 = tpu.memref_slice %arg6[%dma_wait3A_423, %dma_wait3A_424, %dma_wait3A_425] : memref<6x8x2048xf32, #tpu.memory_space<vmem>> -> memref<1x8x2048xf32, #tpu.memory_space<vmem>>
    %dma_wait3A_427 = tpu.memref_squeeze %dma_wait3A_426 : memref<1x8x2048xf32, #tpu.memory_space<vmem>> -> memref<8x2048xf32, #tpu.memory_space<vmem>>
    %dma_wait3A_428 = arith.constant 56 : i32
    %dma_wait3A_429 = tpu.memref_slice %arg5[%dma_wait3A_428] : memref<256xi32, #tpu.memory_space<vmem>> -> memref<8xi32, #tpu.memory_space<vmem>>
    %dma_wait3A_430 = arith.constant 0 : i32
    %dma_wait3A_431 = arith.constant 0 : i32
    %dma_wait3A_432 = tpu.memref_slice %arg3[%dma_wait3A_430, %dma_wait3A_431] : memref<100000x2048xf32, #tpu.memory_space<hbm>> -> memref<100000x2048xf32, #tpu.memory_space<hbm>>
    tpu.wait_indirect_dma semaphore(%arg8 : memref<!tpu.dma_semaphore, #tpu.memory_space<semaphore_mem>>) src(%dma_wait3A_432 : memref<100000x2048xf32, #tpu.memory_space<hbm>>) dst(%dma_wait3A_427 : memref<8x2048xf32, #tpu.memory_space<vmem>>)
    %add3A_433 = arith.constant 56 : i32
    %add3A_434 = arith.addi %mul3A_2, %add3A_433 : i32
    %dma_start3A_435 = arith.constant 1 : i32
    %dma_start3A_436 = arith.constant 0 : i32
    %dma_start3A_437 = arith.constant 0 : i32
    %dma_start3A_438 = tpu.memref_slice %arg6[%dma_start3A_435, %dma_start3A_436, %dma_start3A_437] : memref<6x8x2048xf32, #tpu.memory_space<vmem>> -> memref<1x8x2048xf32, #tpu.memory_space<vmem>>
    %dma_start3A_439 = tpu.memref_squeeze %dma_start3A_438 : memref<1x8x2048xf32, #tpu.memory_space<vmem>> -> memref<8x2048xf32, #tpu.memory_space<vmem>>
    %dma_start3A_440 = arith.constant 0 : i32
    %dma_start3A_441 = tpu.memref_slice %arg4[%add3A_434, %dma_start3A_440] : memref<8192x2048xf32, #tpu.memory_space<hbm>> -> memref<8x2048xf32, #tpu.memory_space<hbm>>
    %dma_start3A_442 = arith.constant 0 : i32
    %dma_start3A_443 = tpu.memref_slice %arg4[%add3A_434, %dma_start3A_442] : memref<8192x2048xf32, #tpu.memory_space<hbm>> -> memref<8x2048xf32, #tpu.memory_space<hbm>>
    %dma_start3A_444 = arith.constant 0 : i32
    %dma_start3A_445 = arith.constant 0 : i32
    %dma_start3A_446 = tpu.memref_slice %arg6[%dma_start3A_435, %dma_start3A_444, %dma_start3A_445] : memref<6x8x2048xf32, #tpu.memory_space<vmem>> -> memref<1x8x2048xf32, #tpu.memory_space<vmem>>
    %dma_start3A_447 = tpu.memref_squeeze %dma_start3A_446 : memref<1x8x2048xf32, #tpu.memory_space<vmem>> -> memref<8x2048xf32, #tpu.memory_space<vmem>>
    tpu.enqueue_dma source(%dma_start3A_447 : memref<8x2048xf32, #tpu.memory_space<vmem>>) target(%dma_start3A_443 : memref<8x2048xf32, #tpu.memory_space<hbm>>) target_semaphore(%arg14 : memref<!tpu.dma_semaphore, #tpu.memory_space<semaphore_mem>>)
    %dma_wait3A_448 = arith.constant 1 : i32
    %dma_wait3A_449 = arith.constant 0 : i32
    %dma_wait3A_450 = arith.constant 0 : i32
    %dma_wait3A_451 = tpu.memref_slice %arg6[%dma_wait3A_448, %dma_wait3A_449, %dma_wait3A_450] : memref<6x8x2048xf32, #tpu.memory_space<vmem>> -> memref<1x8x2048xf32, #tpu.memory_space<vmem>>
    %dma_wait3A_452 = tpu.memref_squeeze %dma_wait3A_451 : memref<1x8x2048xf32, #tpu.memory_space<vmem>> -> memref<8x2048xf32, #tpu.memory_space<vmem>>
    %dma_wait3A_453 = arith.constant 0 : i32
    %dma_wait3A_454 = tpu.memref_slice %arg4[%add3A_434, %dma_wait3A_453] : memref<8192x2048xf32, #tpu.memory_space<hbm>> -> memref<8x2048xf32, #tpu.memory_space<hbm>>
    %dma_wait3A_455 = arith.constant 0 : i32
    %dma_wait3A_456 = tpu.memref_slice %arg4[%add3A_434, %dma_wait3A_455] : memref<8192x2048xf32, #tpu.memory_space<hbm>> -> memref<8x2048xf32, #tpu.memory_space<hbm>>
    %dma_wait3A_457 = arith.constant 0 : i32
    %dma_wait3A_458 = arith.constant 0 : i32
    %dma_wait3A_459 = tpu.memref_slice %arg6[%dma_wait3A_448, %dma_wait3A_457, %dma_wait3A_458] : memref<6x8x2048xf32, #tpu.memory_space<vmem>> -> memref<1x8x2048xf32, #tpu.memory_space<vmem>>
    %dma_wait3A_460 = tpu.memref_squeeze %dma_wait3A_459 : memref<1x8x2048xf32, #tpu.memory_space<vmem>> -> memref<8x2048xf32, #tpu.memory_space<vmem>>
    tpu.wait_dma2 semaphore(%arg14 : memref<!tpu.dma_semaphore, #tpu.memory_space<semaphore_mem>>) src(%dma_wait3A_460 : memref<8x2048xf32, #tpu.memory_space<vmem>>) dst(%dma_wait3A_456 : memref<8x2048xf32, #tpu.memory_space<hbm>>)
    %dma_start3A_461 = arith.constant 1 : i32
    %dma_start3A_462 = arith.constant 0 : i32
    %dma_start3A_463 = arith.constant 0 : i32
    %dma_start3A_464 = tpu.memref_slice %arg6[%dma_start3A_461, %dma_start3A_462, %dma_start3A_463] : memref<6x8x2048xf32, #tpu.memory_space<vmem>> -> memref<1x8x2048xf32, #tpu.memory_space<vmem>>
    %dma_start3A_465 = tpu.memref_squeeze %dma_start3A_464 : memref<1x8x2048xf32, #tpu.memory_space<vmem>> -> memref<8x2048xf32, #tpu.memory_space<vmem>>
    %dma_start3A_466 = arith.constant 104 : i32
    %dma_start3A_467 = tpu.memref_slice %arg5[%dma_start3A_466] : memref<256xi32, #tpu.memory_space<vmem>> -> memref<8xi32, #tpu.memory_space<vmem>>
    %dma_start3A_468 = arith.constant 0 : i32
    %dma_start3A_469 = arith.constant 0 : i32
    %dma_start3A_470 = tpu.memref_slice %arg3[%dma_start3A_468, %dma_start3A_469] : memref<100000x2048xf32, #tpu.memory_space<hbm>> -> memref<100000x2048xf32, #tpu.memory_space<hbm>>
    tpu.enqueue_indirect_dma source(%dma_start3A_470 : memref<100000x2048xf32, #tpu.memory_space<hbm>>) target(%dma_start3A_465 : memref<8x2048xf32, #tpu.memory_space<vmem>>) offsets(%dma_start3A_467 : memref<8xi32, #tpu.memory_space<vmem>>) semaphore(%arg8 : memref<!tpu.dma_semaphore, #tpu.memory_space<semaphore_mem>>)
    %dma_wait3A_471 = arith.constant 2 : i32
    %dma_wait3A_472 = arith.constant 0 : i32
    %dma_wait3A_473 = arith.constant 0 : i32
    %dma_wait3A_474 = tpu.memref_slice %arg6[%dma_wait3A_471, %dma_wait3A_472, %dma_wait3A_473] : memref<6x8x2048xf32, #tpu.memory_space<vmem>> -> memref<1x8x2048xf32, #tpu.memory_space<vmem>>
    %dma_wait3A_475 = tpu.memref_squeeze %dma_wait3A_474 : memref<1x8x2048xf32, #tpu.memory_space<vmem>> -> memref<8x2048xf32, #tpu.memory_space<vmem>>
    %dma_wait3A_476 = arith.constant 64 : i32
    %dma_wait3A_477 = tpu.memref_slice %arg5[%dma_wait3A_476] : memref<256xi32, #tpu.memory_space<vmem>> -> memref<8xi32, #tpu.memory_space<vmem>>
    %dma_wait3A_478 = arith.constant 0 : i32
    %dma_wait3A_479 = arith.constant 0 : i32
    %dma_wait3A_480 = tpu.memref_slice %arg3[%dma_wait3A_478, %dma_wait3A_479] : memref<100000x2048xf32, #tpu.memory_space<hbm>> -> memref<100000x2048xf32, #tpu.memory_space<hbm>>
    tpu.wait_indirect_dma semaphore(%arg9 : memref<!tpu.dma_semaphore, #tpu.memory_space<semaphore_mem>>) src(%dma_wait3A_480 : memref<100000x2048xf32, #tpu.memory_space<hbm>>) dst(%dma_wait3A_475 : memref<8x2048xf32, #tpu.memory_space<vmem>>)
    %add3A_481 = arith.constant 64 : i32
    %add3A_482 = arith.addi %mul3A_2, %add3A_481 : i32
    %dma_start3A_483 = arith.constant 2 : i32
    %dma_start3A_484 = arith.constant 0 : i32
    %dma_start3A_485 = arith.constant 0 : i32
    %dma_start3A_486 = tpu.memref_slice %arg6[%dma_start3A_483, %dma_start3A_484, %dma_start3A_485] : memref<6x8x2048xf32, #tpu.memory_space<vmem>> -> memref<1x8x2048xf32, #tpu.memory_space<vmem>>
    %dma_start3A_487 = tpu.memref_squeeze %dma_start3A_486 : memref<1x8x2048xf32, #tpu.memory_space<vmem>> -> memref<8x2048xf32, #tpu.memory_space<vmem>>
    %dma_start3A_488 = arith.constant 0 : i32
    %dma_start3A_489 = tpu.memref_slice %arg4[%add3A_482, %dma_start3A_488] : memref<8192x2048xf32, #tpu.memory_space<hbm>> -> memref<8x2048xf32, #tpu.memory_space<hbm>>
    %dma_start3A_490 = arith.constant 0 : i32
    %dma_start3A_491 = tpu.memref_slice %arg4[%add3A_482, %dma_start3A_490] : memref<8192x2048xf32, #tpu.memory_space<hbm>> -> memref<8x2048xf32, #tpu.memory_space<hbm>>
    %dma_start3A_492 = arith.constant 0 : i32
    %dma_start3A_493 = arith.constant 0 : i32
    %dma_start3A_494 = tpu.memref_slice %arg6[%dma_start3A_483, %dma_start3A_492, %dma_start3A_493] : memref<6x8x2048xf32, #tpu.memory_space<vmem>> -> memref<1x8x2048xf32, #tpu.memory_space<vmem>>
    %dma_start3A_495 = tpu.memref_squeeze %dma_start3A_494 : memref<1x8x2048xf32, #tpu.memory_space<vmem>> -> memref<8x2048xf32, #tpu.memory_space<vmem>>
    tpu.enqueue_dma source(%dma_start3A_495 : memref<8x2048xf32, #tpu.memory_space<vmem>>) target(%dma_start3A_491 : memref<8x2048xf32, #tpu.memory_space<hbm>>) target_semaphore(%arg15 : memref<!tpu.dma_semaphore, #tpu.memory_space<semaphore_mem>>)
    %dma_wait3A_496 = arith.constant 2 : i32
    %dma_wait3A_497 = arith.constant 0 : i32
    %dma_wait3A_498 = arith.constant 0 : i32
    %dma_wait3A_499 = tpu.memref_slice %arg6[%dma_wait3A_496, %dma_wait3A_497, %dma_wait3A_498] : memref<6x8x2048xf32, #tpu.memory_space<vmem>> -> memref<1x8x2048xf32, #tpu.memory_space<vmem>>
    %dma_wait3A_500 = tpu.memref_squeeze %dma_wait3A_499 : memref<1x8x2048xf32, #tpu.memory_space<vmem>> -> memref<8x2048xf32, #tpu.memory_space<vmem>>
    %dma_wait3A_501 = arith.constant 0 : i32
    %dma_wait3A_502 = tpu.memref_slice %arg4[%add3A_482, %dma_wait3A_501] : memref<8192x2048xf32, #tpu.memory_space<hbm>> -> memref<8x2048xf32, #tpu.memory_space<hbm>>
    %dma_wait3A_503 = arith.constant 0 : i32
    %dma_wait3A_504 = tpu.memref_slice %arg4[%add3A_482, %dma_wait3A_503] : memref<8192x2048xf32, #tpu.memory_space<hbm>> -> memref<8x2048xf32, #tpu.memory_space<hbm>>
    %dma_wait3A_505 = arith.constant 0 : i32
    %dma_wait3A_506 = arith.constant 0 : i32
    %dma_wait3A_507 = tpu.memref_slice %arg6[%dma_wait3A_496, %dma_wait3A_505, %dma_wait3A_506] : memref<6x8x2048xf32, #tpu.memory_space<vmem>> -> memref<1x8x2048xf32, #tpu.memory_space<vmem>>
    %dma_wait3A_508 = tpu.memref_squeeze %dma_wait3A_507 : memref<1x8x2048xf32, #tpu.memory_space<vmem>> -> memref<8x2048xf32, #tpu.memory_space<vmem>>
    tpu.wait_dma2 semaphore(%arg15 : memref<!tpu.dma_semaphore, #tpu.memory_space<semaphore_mem>>) src(%dma_wait3A_508 : memref<8x2048xf32, #tpu.memory_space<vmem>>) dst(%dma_wait3A_504 : memref<8x2048xf32, #tpu.memory_space<hbm>>)
    %dma_start3A_509 = arith.constant 2 : i32
    %dma_start3A_510 = arith.constant 0 : i32
    %dma_start3A_511 = arith.constant 0 : i32
    %dma_start3A_512 = tpu.memref_slice %arg6[%dma_start3A_509, %dma_start3A_510, %dma_start3A_511] : memref<6x8x2048xf32, #tpu.memory_space<vmem>> -> memref<1x8x2048xf32, #tpu.memory_space<vmem>>
    %dma_start3A_513 = tpu.memref_squeeze %dma_start3A_512 : memref<1x8x2048xf32, #tpu.memory_space<vmem>> -> memref<8x2048xf32, #tpu.memory_space<vmem>>
    %dma_start3A_514 = arith.constant 112 : i32
    %dma_start3A_515 = tpu.memref_slice %arg5[%dma_start3A_514] : memref<256xi32, #tpu.memory_space<vmem>> -> memref<8xi32, #tpu.memory_space<vmem>>
    %dma_start3A_516 = arith.constant 0 : i32
    %dma_start3A_517 = arith.constant 0 : i32
    %dma_start3A_518 = tpu.memref_slice %arg3[%dma_start3A_516, %dma_start3A_517] : memref<100000x2048xf32, #tpu.memory_space<hbm>> -> memref<100000x2048xf32, #tpu.memory_space<hbm>>
    tpu.enqueue_indirect_dma source(%dma_start3A_518 : memref<100000x2048xf32, #tpu.memory_space<hbm>>) target(%dma_start3A_513 : memref<8x2048xf32, #tpu.memory_space<vmem>>) offsets(%dma_start3A_515 : memref<8xi32, #tpu.memory_space<vmem>>) semaphore(%arg9 : memref<!tpu.dma_semaphore, #tpu.memory_space<semaphore_mem>>)
    %dma_wait3A_519 = arith.constant 3 : i32
    %dma_wait3A_520 = arith.constant 0 : i32
    %dma_wait3A_521 = arith.constant 0 : i32
    %dma_wait3A_522 = tpu.memref_slice %arg6[%dma_wait3A_519, %dma_wait3A_520, %dma_wait3A_521] : memref<6x8x2048xf32, #tpu.memory_space<vmem>> -> memref<1x8x2048xf32, #tpu.memory_space<vmem>>
    %dma_wait3A_523 = tpu.memref_squeeze %dma_wait3A_522 : memref<1x8x2048xf32, #tpu.memory_space<vmem>> -> memref<8x2048xf32, #tpu.memory_space<vmem>>
    %dma_wait3A_524 = arith.constant 72 : i32
    %dma_wait3A_525 = tpu.memref_slice %arg5[%dma_wait3A_524] : memref<256xi32, #tpu.memory_space<vmem>> -> memref<8xi32, #tpu.memory_space<vmem>>
    %dma_wait3A_526 = arith.constant 0 : i32
    %dma_wait3A_527 = arith.constant 0 : i32
    %dma_wait3A_528 = tpu.memref_slice %arg3[%dma_wait3A_526, %dma_wait3A_527] : memref<100000x2048xf32, #tpu.memory_space<hbm>> -> memref<100000x2048xf32, #tpu.memory_space<hbm>>
    tpu.wait_indirect_dma semaphore(%arg10 : memref<!tpu.dma_semaphore, #tpu.memory_space<semaphore_mem>>) src(%dma_wait3A_528 : memref<100000x2048xf32, #tpu.memory_space<hbm>>) dst(%dma_wait3A_523 : memref<8x2048xf32, #tpu.memory_space<vmem>>)
    %add3A_529 = arith.constant 72 : i32
    %add3A_530 = arith.addi %mul3A_2, %add3A_529 : i32
    %dma_start3A_531 = arith.constant 3 : i32
    %dma_start3A_532 = arith.constant 0 : i32
    %dma_start3A_533 = arith.constant 0 : i32
    %dma_start3A_534 = tpu.memref_slice %arg6[%dma_start3A_531, %dma_start3A_532, %dma_start3A_533] : memref<6x8x2048xf32, #tpu.memory_space<vmem>> -> memref<1x8x2048xf32, #tpu.memory_space<vmem>>
    %dma_start3A_535 = tpu.memref_squeeze %dma_start3A_534 : memref<1x8x2048xf32, #tpu.memory_space<vmem>> -> memref<8x2048xf32, #tpu.memory_space<vmem>>
    %dma_start3A_536 = arith.constant 0 : i32
    %dma_start3A_537 = tpu.memref_slice %arg4[%add3A_530, %dma_start3A_536] : memref<8192x2048xf32, #tpu.memory_space<hbm>> -> memref<8x2048xf32, #tpu.memory_space<hbm>>
    %dma_start3A_538 = arith.constant 0 : i32
    %dma_start3A_539 = tpu.memref_slice %arg4[%add3A_530, %dma_start3A_538] : memref<8192x2048xf32, #tpu.memory_space<hbm>> -> memref<8x2048xf32, #tpu.memory_space<hbm>>
    %dma_start3A_540 = arith.constant 0 : i32
    %dma_start3A_541 = arith.constant 0 : i32
    %dma_start3A_542 = tpu.memref_slice %arg6[%dma_start3A_531, %dma_start3A_540, %dma_start3A_541] : memref<6x8x2048xf32, #tpu.memory_space<vmem>> -> memref<1x8x2048xf32, #tpu.memory_space<vmem>>
    %dma_start3A_543 = tpu.memref_squeeze %dma_start3A_542 : memref<1x8x2048xf32, #tpu.memory_space<vmem>> -> memref<8x2048xf32, #tpu.memory_space<vmem>>
    tpu.enqueue_dma source(%dma_start3A_543 : memref<8x2048xf32, #tpu.memory_space<vmem>>) target(%dma_start3A_539 : memref<8x2048xf32, #tpu.memory_space<hbm>>) target_semaphore(%arg16 : memref<!tpu.dma_semaphore, #tpu.memory_space<semaphore_mem>>)
    %dma_wait3A_544 = arith.constant 3 : i32
    %dma_wait3A_545 = arith.constant 0 : i32
    %dma_wait3A_546 = arith.constant 0 : i32
    %dma_wait3A_547 = tpu.memref_slice %arg6[%dma_wait3A_544, %dma_wait3A_545, %dma_wait3A_546] : memref<6x8x2048xf32, #tpu.memory_space<vmem>> -> memref<1x8x2048xf32, #tpu.memory_space<vmem>>
    %dma_wait3A_548 = tpu.memref_squeeze %dma_wait3A_547 : memref<1x8x2048xf32, #tpu.memory_space<vmem>> -> memref<8x2048xf32, #tpu.memory_space<vmem>>
    %dma_wait3A_549 = arith.constant 0 : i32
    %dma_wait3A_550 = tpu.memref_slice %arg4[%add3A_530, %dma_wait3A_549] : memref<8192x2048xf32, #tpu.memory_space<hbm>> -> memref<8x2048xf32, #tpu.memory_space<hbm>>
    %dma_wait3A_551 = arith.constant 0 : i32
    %dma_wait3A_552 = tpu.memref_slice %arg4[%add3A_530, %dma_wait3A_551] : memref<8192x2048xf32, #tpu.memory_space<hbm>> -> memref<8x2048xf32, #tpu.memory_space<hbm>>
    %dma_wait3A_553 = arith.constant 0 : i32
    %dma_wait3A_554 = arith.constant 0 : i32
    %dma_wait3A_555 = tpu.memref_slice %arg6[%dma_wait3A_544, %dma_wait3A_553, %dma_wait3A_554] : memref<6x8x2048xf32, #tpu.memory_space<vmem>> -> memref<1x8x2048xf32, #tpu.memory_space<vmem>>
    %dma_wait3A_556 = tpu.memref_squeeze %dma_wait3A_555 : memref<1x8x2048xf32, #tpu.memory_space<vmem>> -> memref<8x2048xf32, #tpu.memory_space<vmem>>
    tpu.wait_dma2 semaphore(%arg16 : memref<!tpu.dma_semaphore, #tpu.memory_space<semaphore_mem>>) src(%dma_wait3A_556 : memref<8x2048xf32, #tpu.memory_space<vmem>>) dst(%dma_wait3A_552 : memref<8x2048xf32, #tpu.memory_space<hbm>>)
    %dma_start3A_557 = arith.constant 3 : i32
    %dma_start3A_558 = arith.constant 0 : i32
    %dma_start3A_559 = arith.constant 0 : i32
    %dma_start3A_560 = tpu.memref_slice %arg6[%dma_start3A_557, %dma_start3A_558, %dma_start3A_559] : memref<6x8x2048xf32, #tpu.memory_space<vmem>> -> memref<1x8x2048xf32, #tpu.memory_space<vmem>>
    %dma_start3A_561 = tpu.memref_squeeze %dma_start3A_560 : memref<1x8x2048xf32, #tpu.memory_space<vmem>> -> memref<8x2048xf32, #tpu.memory_space<vmem>>
    %dma_start3A_562 = arith.constant 120 : i32
    %dma_start3A_563 = tpu.memref_slice %arg5[%dma_start3A_562] : memref<256xi32, #tpu.memory_space<vmem>> -> memref<8xi32, #tpu.memory_space<vmem>>
    %dma_start3A_564 = arith.constant 0 : i32
    %dma_start3A_565 = arith.constant 0 : i32
    %dma_start3A_566 = tpu.memref_slice %arg3[%dma_start3A_564, %dma_start3A_565] : memref<100000x2048xf32, #tpu.memory_space<hbm>> -> memref<100000x2048xf32, #tpu.memory_space<hbm>>
    tpu.enqueue_indirect_dma source(%dma_start3A_566 : memref<100000x2048xf32, #tpu.memory_space<hbm>>) target(%dma_start3A_561 : memref<8x2048xf32, #tpu.memory_space<vmem>>) offsets(%dma_start3A_563 : memref<8xi32, #tpu.memory_space<vmem>>) semaphore(%arg10 : memref<!tpu.dma_semaphore, #tpu.memory_space<semaphore_mem>>)
    %dma_wait3A_567 = arith.constant 4 : i32
    %dma_wait3A_568 = arith.constant 0 : i32
    %dma_wait3A_569 = arith.constant 0 : i32
    %dma_wait3A_570 = tpu.memref_slice %arg6[%dma_wait3A_567, %dma_wait3A_568, %dma_wait3A_569] : memref<6x8x2048xf32, #tpu.memory_space<vmem>> -> memref<1x8x2048xf32, #tpu.memory_space<vmem>>
    %dma_wait3A_571 = tpu.memref_squeeze %dma_wait3A_570 : memref<1x8x2048xf32, #tpu.memory_space<vmem>> -> memref<8x2048xf32, #tpu.memory_space<vmem>>
    %dma_wait3A_572 = arith.constant 80 : i32
    %dma_wait3A_573 = tpu.memref_slice %arg5[%dma_wait3A_572] : memref<256xi32, #tpu.memory_space<vmem>> -> memref<8xi32, #tpu.memory_space<vmem>>
    %dma_wait3A_574 = arith.constant 0 : i32
    %dma_wait3A_575 = arith.constant 0 : i32
    %dma_wait3A_576 = tpu.memref_slice %arg3[%dma_wait3A_574, %dma_wait3A_575] : memref<100000x2048xf32, #tpu.memory_space<hbm>> -> memref<100000x2048xf32, #tpu.memory_space<hbm>>
    tpu.wait_indirect_dma semaphore(%arg11 : memref<!tpu.dma_semaphore, #tpu.memory_space<semaphore_mem>>) src(%dma_wait3A_576 : memref<100000x2048xf32, #tpu.memory_space<hbm>>) dst(%dma_wait3A_571 : memref<8x2048xf32, #tpu.memory_space<vmem>>)
    %add3A_577 = arith.constant 80 : i32
    %add3A_578 = arith.addi %mul3A_2, %add3A_577 : i32
    %dma_start3A_579 = arith.constant 4 : i32
    %dma_start3A_580 = arith.constant 0 : i32
    %dma_start3A_581 = arith.constant 0 : i32
    %dma_start3A_582 = tpu.memref_slice %arg6[%dma_start3A_579, %dma_start3A_580, %dma_start3A_581] : memref<6x8x2048xf32, #tpu.memory_space<vmem>> -> memref<1x8x2048xf32, #tpu.memory_space<vmem>>
    %dma_start3A_583 = tpu.memref_squeeze %dma_start3A_582 : memref<1x8x2048xf32, #tpu.memory_space<vmem>> -> memref<8x2048xf32, #tpu.memory_space<vmem>>
    %dma_start3A_584 = arith.constant 0 : i32
    %dma_start3A_585 = tpu.memref_slice %arg4[%add3A_578, %dma_start3A_584] : memref<8192x2048xf32, #tpu.memory_space<hbm>> -> memref<8x2048xf32, #tpu.memory_space<hbm>>
    %dma_start3A_586 = arith.constant 0 : i32
    %dma_start3A_587 = tpu.memref_slice %arg4[%add3A_578, %dma_start3A_586] : memref<8192x2048xf32, #tpu.memory_space<hbm>> -> memref<8x2048xf32, #tpu.memory_space<hbm>>
    %dma_start3A_588 = arith.constant 0 : i32
    %dma_start3A_589 = arith.constant 0 : i32
    %dma_start3A_590 = tpu.memref_slice %arg6[%dma_start3A_579, %dma_start3A_588, %dma_start3A_589] : memref<6x8x2048xf32, #tpu.memory_space<vmem>> -> memref<1x8x2048xf32, #tpu.memory_space<vmem>>
    %dma_start3A_591 = tpu.memref_squeeze %dma_start3A_590 : memref<1x8x2048xf32, #tpu.memory_space<vmem>> -> memref<8x2048xf32, #tpu.memory_space<vmem>>
    tpu.enqueue_dma source(%dma_start3A_591 : memref<8x2048xf32, #tpu.memory_space<vmem>>) target(%dma_start3A_587 : memref<8x2048xf32, #tpu.memory_space<hbm>>) target_semaphore(%arg17 : memref<!tpu.dma_semaphore, #tpu.memory_space<semaphore_mem>>)
    %dma_wait3A_592 = arith.constant 4 : i32
    %dma_wait3A_593 = arith.constant 0 : i32
    %dma_wait3A_594 = arith.constant 0 : i32
    %dma_wait3A_595 = tpu.memref_slice %arg6[%dma_wait3A_592, %dma_wait3A_593, %dma_wait3A_594] : memref<6x8x2048xf32, #tpu.memory_space<vmem>> -> memref<1x8x2048xf32, #tpu.memory_space<vmem>>
    %dma_wait3A_596 = tpu.memref_squeeze %dma_wait3A_595 : memref<1x8x2048xf32, #tpu.memory_space<vmem>> -> memref<8x2048xf32, #tpu.memory_space<vmem>>
    %dma_wait3A_597 = arith.constant 0 : i32
    %dma_wait3A_598 = tpu.memref_slice %arg4[%add3A_578, %dma_wait3A_597] : memref<8192x2048xf32, #tpu.memory_space<hbm>> -> memref<8x2048xf32, #tpu.memory_space<hbm>>
    %dma_wait3A_599 = arith.constant 0 : i32
    %dma_wait3A_600 = tpu.memref_slice %arg4[%add3A_578, %dma_wait3A_599] : memref<8192x2048xf32, #tpu.memory_space<hbm>> -> memref<8x2048xf32, #tpu.memory_space<hbm>>
    %dma_wait3A_601 = arith.constant 0 : i32
    %dma_wait3A_602 = arith.constant 0 : i32
    %dma_wait3A_603 = tpu.memref_slice %arg6[%dma_wait3A_592, %dma_wait3A_601, %dma_wait3A_602] : memref<6x8x2048xf32, #tpu.memory_space<vmem>> -> memref<1x8x2048xf32, #tpu.memory_space<vmem>>
    %dma_wait3A_604 = tpu.memref_squeeze %dma_wait3A_603 : memref<1x8x2048xf32, #tpu.memory_space<vmem>> -> memref<8x2048xf32, #tpu.memory_space<vmem>>
    tpu.wait_dma2 semaphore(%arg17 : memref<!tpu.dma_semaphore, #tpu.memory_space<semaphore_mem>>) src(%dma_wait3A_604 : memref<8x2048xf32, #tpu.memory_space<vmem>>) dst(%dma_wait3A_600 : memref<8x2048xf32, #tpu.memory_space<hbm>>)
    %dma_start3A_605 = arith.constant 4 : i32
    %dma_start3A_606 = arith.constant 0 : i32
    %dma_start3A_607 = arith.constant 0 : i32
    %dma_start3A_608 = tpu.memref_slice %arg6[%dma_start3A_605, %dma_start3A_606, %dma_start3A_607] : memref<6x8x2048xf32, #tpu.memory_space<vmem>> -> memref<1x8x2048xf32, #tpu.memory_space<vmem>>
    %dma_start3A_609 = tpu.memref_squeeze %dma_start3A_608 : memref<1x8x2048xf32, #tpu.memory_space<vmem>> -> memref<8x2048xf32, #tpu.memory_space<vmem>>
    %dma_start3A_610 = arith.constant 128 : i32
    %dma_start3A_611 = tpu.memref_slice %arg5[%dma_start3A_610] : memref<256xi32, #tpu.memory_space<vmem>> -> memref<8xi32, #tpu.memory_space<vmem>>
    %dma_start3A_612 = arith.constant 0 : i32
    %dma_start3A_613 = arith.constant 0 : i32
    %dma_start3A_614 = tpu.memref_slice %arg3[%dma_start3A_612, %dma_start3A_613] : memref<100000x2048xf32, #tpu.memory_space<hbm>> -> memref<100000x2048xf32, #tpu.memory_space<hbm>>
    tpu.enqueue_indirect_dma source(%dma_start3A_614 : memref<100000x2048xf32, #tpu.memory_space<hbm>>) target(%dma_start3A_609 : memref<8x2048xf32, #tpu.memory_space<vmem>>) offsets(%dma_start3A_611 : memref<8xi32, #tpu.memory_space<vmem>>) semaphore(%arg11 : memref<!tpu.dma_semaphore, #tpu.memory_space<semaphore_mem>>)
    %dma_wait3A_615 = arith.constant 5 : i32
    %dma_wait3A_616 = arith.constant 0 : i32
    %dma_wait3A_617 = arith.constant 0 : i32
    %dma_wait3A_618 = tpu.memref_slice %arg6[%dma_wait3A_615, %dma_wait3A_616, %dma_wait3A_617] : memref<6x8x2048xf32, #tpu.memory_space<vmem>> -> memref<1x8x2048xf32, #tpu.memory_space<vmem>>
    %dma_wait3A_619 = tpu.memref_squeeze %dma_wait3A_618 : memref<1x8x2048xf32, #tpu.memory_space<vmem>> -> memref<8x2048xf32, #tpu.memory_space<vmem>>
    %dma_wait3A_620 = arith.constant 88 : i32
    %dma_wait3A_621 = tpu.memref_slice %arg5[%dma_wait3A_620] : memref<256xi32, #tpu.memory_space<vmem>> -> memref<8xi32, #tpu.memory_space<vmem>>
    %dma_wait3A_622 = arith.constant 0 : i32
    %dma_wait3A_623 = arith.constant 0 : i32
    %dma_wait3A_624 = tpu.memref_slice %arg3[%dma_wait3A_622, %dma_wait3A_623] : memref<100000x2048xf32, #tpu.memory_space<hbm>> -> memref<100000x2048xf32, #tpu.memory_space<hbm>>
    tpu.wait_indirect_dma semaphore(%arg12 : memref<!tpu.dma_semaphore, #tpu.memory_space<semaphore_mem>>) src(%dma_wait3A_624 : memref<100000x2048xf32, #tpu.memory_space<hbm>>) dst(%dma_wait3A_619 : memref<8x2048xf32, #tpu.memory_space<vmem>>)
    %add3A_625 = arith.constant 88 : i32
    %add3A_626 = arith.addi %mul3A_2, %add3A_625 : i32
    %dma_start3A_627 = arith.constant 5 : i32
    %dma_start3A_628 = arith.constant 0 : i32
    %dma_start3A_629 = arith.constant 0 : i32
    %dma_start3A_630 = tpu.memref_slice %arg6[%dma_start3A_627, %dma_start3A_628, %dma_start3A_629] : memref<6x8x2048xf32, #tpu.memory_space<vmem>> -> memref<1x8x2048xf32, #tpu.memory_space<vmem>>
    %dma_start3A_631 = tpu.memref_squeeze %dma_start3A_630 : memref<1x8x2048xf32, #tpu.memory_space<vmem>> -> memref<8x2048xf32, #tpu.memory_space<vmem>>
    %dma_start3A_632 = arith.constant 0 : i32
    %dma_start3A_633 = tpu.memref_slice %arg4[%add3A_626, %dma_start3A_632] : memref<8192x2048xf32, #tpu.memory_space<hbm>> -> memref<8x2048xf32, #tpu.memory_space<hbm>>
    %dma_start3A_634 = arith.constant 0 : i32
    %dma_start3A_635 = tpu.memref_slice %arg4[%add3A_626, %dma_start3A_634] : memref<8192x2048xf32, #tpu.memory_space<hbm>> -> memref<8x2048xf32, #tpu.memory_space<hbm>>
    %dma_start3A_636 = arith.constant 0 : i32
    %dma_start3A_637 = arith.constant 0 : i32
    %dma_start3A_638 = tpu.memref_slice %arg6[%dma_start3A_627, %dma_start3A_636, %dma_start3A_637] : memref<6x8x2048xf32, #tpu.memory_space<vmem>> -> memref<1x8x2048xf32, #tpu.memory_space<vmem>>
    %dma_start3A_639 = tpu.memref_squeeze %dma_start3A_638 : memref<1x8x2048xf32, #tpu.memory_space<vmem>> -> memref<8x2048xf32, #tpu.memory_space<vmem>>
    tpu.enqueue_dma source(%dma_start3A_639 : memref<8x2048xf32, #tpu.memory_space<vmem>>) target(%dma_start3A_635 : memref<8x2048xf32, #tpu.memory_space<hbm>>) target_semaphore(%arg18 : memref<!tpu.dma_semaphore, #tpu.memory_space<semaphore_mem>>)
    %dma_wait3A_640 = arith.constant 5 : i32
    %dma_wait3A_641 = arith.constant 0 : i32
    %dma_wait3A_642 = arith.constant 0 : i32
    %dma_wait3A_643 = tpu.memref_slice %arg6[%dma_wait3A_640, %dma_wait3A_641, %dma_wait3A_642] : memref<6x8x2048xf32, #tpu.memory_space<vmem>> -> memref<1x8x2048xf32, #tpu.memory_space<vmem>>
    %dma_wait3A_644 = tpu.memref_squeeze %dma_wait3A_643 : memref<1x8x2048xf32, #tpu.memory_space<vmem>> -> memref<8x2048xf32, #tpu.memory_space<vmem>>
    %dma_wait3A_645 = arith.constant 0 : i32
    %dma_wait3A_646 = tpu.memref_slice %arg4[%add3A_626, %dma_wait3A_645] : memref<8192x2048xf32, #tpu.memory_space<hbm>> -> memref<8x2048xf32, #tpu.memory_space<hbm>>
    %dma_wait3A_647 = arith.constant 0 : i32
    %dma_wait3A_648 = tpu.memref_slice %arg4[%add3A_626, %dma_wait3A_647] : memref<8192x2048xf32, #tpu.memory_space<hbm>> -> memref<8x2048xf32, #tpu.memory_space<hbm>>
    %dma_wait3A_649 = arith.constant 0 : i32
    %dma_wait3A_650 = arith.constant 0 : i32
    %dma_wait3A_651 = tpu.memref_slice %arg6[%dma_wait3A_640, %dma_wait3A_649, %dma_wait3A_650] : memref<6x8x2048xf32, #tpu.memory_space<vmem>> -> memref<1x8x2048xf32, #tpu.memory_space<vmem>>
    %dma_wait3A_652 = tpu.memref_squeeze %dma_wait3A_651 : memref<1x8x2048xf32, #tpu.memory_space<vmem>> -> memref<8x2048xf32, #tpu.memory_space<vmem>>
    tpu.wait_dma2 semaphore(%arg18 : memref<!tpu.dma_semaphore, #tpu.memory_space<semaphore_mem>>) src(%dma_wait3A_652 : memref<8x2048xf32, #tpu.memory_space<vmem>>) dst(%dma_wait3A_648 : memref<8x2048xf32, #tpu.memory_space<hbm>>)
    %dma_start3A_653 = arith.constant 5 : i32
    %dma_start3A_654 = arith.constant 0 : i32
    %dma_start3A_655 = arith.constant 0 : i32
    %dma_start3A_656 = tpu.memref_slice %arg6[%dma_start3A_653, %dma_start3A_654, %dma_start3A_655] : memref<6x8x2048xf32, #tpu.memory_space<vmem>> -> memref<1x8x2048xf32, #tpu.memory_space<vmem>>
    %dma_start3A_657 = tpu.memref_squeeze %dma_start3A_656 : memref<1x8x2048xf32, #tpu.memory_space<vmem>> -> memref<8x2048xf32, #tpu.memory_space<vmem>>
    %dma_start3A_658 = arith.constant 136 : i32
    %dma_start3A_659 = tpu.memref_slice %arg5[%dma_start3A_658] : memref<256xi32, #tpu.memory_space<vmem>> -> memref<8xi32, #tpu.memory_space<vmem>>
    %dma_start3A_660 = arith.constant 0 : i32
    %dma_start3A_661 = arith.constant 0 : i32
    %dma_start3A_662 = tpu.memref_slice %arg3[%dma_start3A_660, %dma_start3A_661] : memref<100000x2048xf32, #tpu.memory_space<hbm>> -> memref<100000x2048xf32, #tpu.memory_space<hbm>>
    tpu.enqueue_indirect_dma source(%dma_start3A_662 : memref<100000x2048xf32, #tpu.memory_space<hbm>>) target(%dma_start3A_657 : memref<8x2048xf32, #tpu.memory_space<vmem>>) offsets(%dma_start3A_659 : memref<8xi32, #tpu.memory_space<vmem>>) semaphore(%arg12 : memref<!tpu.dma_semaphore, #tpu.memory_space<semaphore_mem>>)
    %dma_wait3A_663 = arith.constant 0 : i32
    %dma_wait3A_664 = arith.constant 0 : i32
    %dma_wait3A_665 = arith.constant 0 : i32
    %dma_wait3A_666 = tpu.memref_slice %arg6[%dma_wait3A_663, %dma_wait3A_664, %dma_wait3A_665] : memref<6x8x2048xf32, #tpu.memory_space<vmem>> -> memref<1x8x2048xf32, #tpu.memory_space<vmem>>
    %dma_wait3A_667 = tpu.memref_squeeze %dma_wait3A_666 : memref<1x8x2048xf32, #tpu.memory_space<vmem>> -> memref<8x2048xf32, #tpu.memory_space<vmem>>
    %dma_wait3A_668 = arith.constant 96 : i32
    %dma_wait3A_669 = tpu.memref_slice %arg5[%dma_wait3A_668] : memref<256xi32, #tpu.memory_space<vmem>> -> memref<8xi32, #tpu.memory_space<vmem>>
    %dma_wait3A_670 = arith.constant 0 : i32
    %dma_wait3A_671 = arith.constant 0 : i32
    %dma_wait3A_672 = tpu.memref_slice %arg3[%dma_wait3A_670, %dma_wait3A_671] : memref<100000x2048xf32, #tpu.memory_space<hbm>> -> memref<100000x2048xf32, #tpu.memory_space<hbm>>
    tpu.wait_indirect_dma semaphore(%arg7 : memref<!tpu.dma_semaphore, #tpu.memory_space<semaphore_mem>>) src(%dma_wait3A_672 : memref<100000x2048xf32, #tpu.memory_space<hbm>>) dst(%dma_wait3A_667 : memref<8x2048xf32, #tpu.memory_space<vmem>>)
    %add3A_673 = arith.constant 96 : i32
    %add3A_674 = arith.addi %mul3A_2, %add3A_673 : i32
    %dma_start3A_675 = arith.constant 0 : i32
    %dma_start3A_676 = arith.constant 0 : i32
    %dma_start3A_677 = arith.constant 0 : i32
    %dma_start3A_678 = tpu.memref_slice %arg6[%dma_start3A_675, %dma_start3A_676, %dma_start3A_677] : memref<6x8x2048xf32, #tpu.memory_space<vmem>> -> memref<1x8x2048xf32, #tpu.memory_space<vmem>>
    %dma_start3A_679 = tpu.memref_squeeze %dma_start3A_678 : memref<1x8x2048xf32, #tpu.memory_space<vmem>> -> memref<8x2048xf32, #tpu.memory_space<vmem>>
    %dma_start3A_680 = arith.constant 0 : i32
    %dma_start3A_681 = tpu.memref_slice %arg4[%add3A_674, %dma_start3A_680] : memref<8192x2048xf32, #tpu.memory_space<hbm>> -> memref<8x2048xf32, #tpu.memory_space<hbm>>
    %dma_start3A_682 = arith.constant 0 : i32
    %dma_start3A_683 = tpu.memref_slice %arg4[%add3A_674, %dma_start3A_682] : memref<8192x2048xf32, #tpu.memory_space<hbm>> -> memref<8x2048xf32, #tpu.memory_space<hbm>>
    %dma_start3A_684 = arith.constant 0 : i32
    %dma_start3A_685 = arith.constant 0 : i32
    %dma_start3A_686 = tpu.memref_slice %arg6[%dma_start3A_675, %dma_start3A_684, %dma_start3A_685] : memref<6x8x2048xf32, #tpu.memory_space<vmem>> -> memref<1x8x2048xf32, #tpu.memory_space<vmem>>
    %dma_start3A_687 = tpu.memref_squeeze %dma_start3A_686 : memref<1x8x2048xf32, #tpu.memory_space<vmem>> -> memref<8x2048xf32, #tpu.memory_space<vmem>>
    tpu.enqueue_dma source(%dma_start3A_687 : memref<8x2048xf32, #tpu.memory_space<vmem>>) target(%dma_start3A_683 : memref<8x2048xf32, #tpu.memory_space<hbm>>) target_semaphore(%arg13 : memref<!tpu.dma_semaphore, #tpu.memory_space<semaphore_mem>>)
    %dma_wait3A_688 = arith.constant 0 : i32
    %dma_wait3A_689 = arith.constant 0 : i32
    %dma_wait3A_690 = arith.constant 0 : i32
    %dma_wait3A_691 = tpu.memref_slice %arg6[%dma_wait3A_688, %dma_wait3A_689, %dma_wait3A_690] : memref<6x8x2048xf32, #tpu.memory_space<vmem>> -> memref<1x8x2048xf32, #tpu.memory_space<vmem>>
    %dma_wait3A_692 = tpu.memref_squeeze %dma_wait3A_691 : memref<1x8x2048xf32, #tpu.memory_space<vmem>> -> memref<8x2048xf32, #tpu.memory_space<vmem>>
    %dma_wait3A_693 = arith.constant 0 : i32
    %dma_wait3A_694 = tpu.memref_slice %arg4[%add3A_674, %dma_wait3A_693] : memref<8192x2048xf32, #tpu.memory_space<hbm>> -> memref<8x2048xf32, #tpu.memory_space<hbm>>
    %dma_wait3A_695 = arith.constant 0 : i32
    %dma_wait3A_696 = tpu.memref_slice %arg4[%add3A_674, %dma_wait3A_695] : memref<8192x2048xf32, #tpu.memory_space<hbm>> -> memref<8x2048xf32, #tpu.memory_space<hbm>>
    %dma_wait3A_697 = arith.constant 0 : i32
    %dma_wait3A_698 = arith.constant 0 : i32
    %dma_wait3A_699 = tpu.memref_slice %arg6[%dma_wait3A_688, %dma_wait3A_697, %dma_wait3A_698] : memref<6x8x2048xf32, #tpu.memory_space<vmem>> -> memref<1x8x2048xf32, #tpu.memory_space<vmem>>
    %dma_wait3A_700 = tpu.memref_squeeze %dma_wait3A_699 : memref<1x8x2048xf32, #tpu.memory_space<vmem>> -> memref<8x2048xf32, #tpu.memory_space<vmem>>
    tpu.wait_dma2 semaphore(%arg13 : memref<!tpu.dma_semaphore, #tpu.memory_space<semaphore_mem>>) src(%dma_wait3A_700 : memref<8x2048xf32, #tpu.memory_space<vmem>>) dst(%dma_wait3A_696 : memref<8x2048xf32, #tpu.memory_space<hbm>>)
    %dma_start3A_701 = arith.constant 0 : i32
    %dma_start3A_702 = arith.constant 0 : i32
    %dma_start3A_703 = arith.constant 0 : i32
    %dma_start3A_704 = tpu.memref_slice %arg6[%dma_start3A_701, %dma_start3A_702, %dma_start3A_703] : memref<6x8x2048xf32, #tpu.memory_space<vmem>> -> memref<1x8x2048xf32, #tpu.memory_space<vmem>>
    %dma_start3A_705 = tpu.memref_squeeze %dma_start3A_704 : memref<1x8x2048xf32, #tpu.memory_space<vmem>> -> memref<8x2048xf32, #tpu.memory_space<vmem>>
    %dma_start3A_706 = arith.constant 144 : i32
    %dma_start3A_707 = tpu.memref_slice %arg5[%dma_start3A_706] : memref<256xi32, #tpu.memory_space<vmem>> -> memref<8xi32, #tpu.memory_space<vmem>>
    %dma_start3A_708 = arith.constant 0 : i32
    %dma_start3A_709 = arith.constant 0 : i32
    %dma_start3A_710 = tpu.memref_slice %arg3[%dma_start3A_708, %dma_start3A_709] : memref<100000x2048xf32, #tpu.memory_space<hbm>> -> memref<100000x2048xf32, #tpu.memory_space<hbm>>
    tpu.enqueue_indirect_dma source(%dma_start3A_710 : memref<100000x2048xf32, #tpu.memory_space<hbm>>) target(%dma_start3A_705 : memref<8x2048xf32, #tpu.memory_space<vmem>>) offsets(%dma_start3A_707 : memref<8xi32, #tpu.memory_space<vmem>>) semaphore(%arg7 : memref<!tpu.dma_semaphore, #tpu.memory_space<semaphore_mem>>)
    %dma_wait3A_711 = arith.constant 1 : i32
    %dma_wait3A_712 = arith.constant 0 : i32
    %dma_wait3A_713 = arith.constant 0 : i32
    %dma_wait3A_714 = tpu.memref_slice %arg6[%dma_wait3A_711, %dma_wait3A_712, %dma_wait3A_713] : memref<6x8x2048xf32, #tpu.memory_space<vmem>> -> memref<1x8x2048xf32, #tpu.memory_space<vmem>>
    %dma_wait3A_715 = tpu.memref_squeeze %dma_wait3A_714 : memref<1x8x2048xf32, #tpu.memory_space<vmem>> -> memref<8x2048xf32, #tpu.memory_space<vmem>>
    %dma_wait3A_716 = arith.constant 104 : i32
    %dma_wait3A_717 = tpu.memref_slice %arg5[%dma_wait3A_716] : memref<256xi32, #tpu.memory_space<vmem>> -> memref<8xi32, #tpu.memory_space<vmem>>
    %dma_wait3A_718 = arith.constant 0 : i32
    %dma_wait3A_719 = arith.constant 0 : i32
    %dma_wait3A_720 = tpu.memref_slice %arg3[%dma_wait3A_718, %dma_wait3A_719] : memref<100000x2048xf32, #tpu.memory_space<hbm>> -> memref<100000x2048xf32, #tpu.memory_space<hbm>>
    tpu.wait_indirect_dma semaphore(%arg8 : memref<!tpu.dma_semaphore, #tpu.memory_space<semaphore_mem>>) src(%dma_wait3A_720 : memref<100000x2048xf32, #tpu.memory_space<hbm>>) dst(%dma_wait3A_715 : memref<8x2048xf32, #tpu.memory_space<vmem>>)
    %add3A_721 = arith.constant 104 : i32
    %add3A_722 = arith.addi %mul3A_2, %add3A_721 : i32
    %dma_start3A_723 = arith.constant 1 : i32
    %dma_start3A_724 = arith.constant 0 : i32
    %dma_start3A_725 = arith.constant 0 : i32
    %dma_start3A_726 = tpu.memref_slice %arg6[%dma_start3A_723, %dma_start3A_724, %dma_start3A_725] : memref<6x8x2048xf32, #tpu.memory_space<vmem>> -> memref<1x8x2048xf32, #tpu.memory_space<vmem>>
    %dma_start3A_727 = tpu.memref_squeeze %dma_start3A_726 : memref<1x8x2048xf32, #tpu.memory_space<vmem>> -> memref<8x2048xf32, #tpu.memory_space<vmem>>
    %dma_start3A_728 = arith.constant 0 : i32
    %dma_start3A_729 = tpu.memref_slice %arg4[%add3A_722, %dma_start3A_728] : memref<8192x2048xf32, #tpu.memory_space<hbm>> -> memref<8x2048xf32, #tpu.memory_space<hbm>>
    %dma_start3A_730 = arith.constant 0 : i32
    %dma_start3A_731 = tpu.memref_slice %arg4[%add3A_722, %dma_start3A_730] : memref<8192x2048xf32, #tpu.memory_space<hbm>> -> memref<8x2048xf32, #tpu.memory_space<hbm>>
    %dma_start3A_732 = arith.constant 0 : i32
    %dma_start3A_733 = arith.constant 0 : i32
    %dma_start3A_734 = tpu.memref_slice %arg6[%dma_start3A_723, %dma_start3A_732, %dma_start3A_733] : memref<6x8x2048xf32, #tpu.memory_space<vmem>> -> memref<1x8x2048xf32, #tpu.memory_space<vmem>>
    %dma_start3A_735 = tpu.memref_squeeze %dma_start3A_734 : memref<1x8x2048xf32, #tpu.memory_space<vmem>> -> memref<8x2048xf32, #tpu.memory_space<vmem>>
    tpu.enqueue_dma source(%dma_start3A_735 : memref<8x2048xf32, #tpu.memory_space<vmem>>) target(%dma_start3A_731 : memref<8x2048xf32, #tpu.memory_space<hbm>>) target_semaphore(%arg14 : memref<!tpu.dma_semaphore, #tpu.memory_space<semaphore_mem>>)
    %dma_wait3A_736 = arith.constant 1 : i32
    %dma_wait3A_737 = arith.constant 0 : i32
    %dma_wait3A_738 = arith.constant 0 : i32
    %dma_wait3A_739 = tpu.memref_slice %arg6[%dma_wait3A_736, %dma_wait3A_737, %dma_wait3A_738] : memref<6x8x2048xf32, #tpu.memory_space<vmem>> -> memref<1x8x2048xf32, #tpu.memory_space<vmem>>
    %dma_wait3A_740 = tpu.memref_squeeze %dma_wait3A_739 : memref<1x8x2048xf32, #tpu.memory_space<vmem>> -> memref<8x2048xf32, #tpu.memory_space<vmem>>
    %dma_wait3A_741 = arith.constant 0 : i32
    %dma_wait3A_742 = tpu.memref_slice %arg4[%add3A_722, %dma_wait3A_741] : memref<8192x2048xf32, #tpu.memory_space<hbm>> -> memref<8x2048xf32, #tpu.memory_space<hbm>>
    %dma_wait3A_743 = arith.constant 0 : i32
    %dma_wait3A_744 = tpu.memref_slice %arg4[%add3A_722, %dma_wait3A_743] : memref<8192x2048xf32, #tpu.memory_space<hbm>> -> memref<8x2048xf32, #tpu.memory_space<hbm>>
    %dma_wait3A_745 = arith.constant 0 : i32
    %dma_wait3A_746 = arith.constant 0 : i32
    %dma_wait3A_747 = tpu.memref_slice %arg6[%dma_wait3A_736, %dma_wait3A_745, %dma_wait3A_746] : memref<6x8x2048xf32, #tpu.memory_space<vmem>> -> memref<1x8x2048xf32, #tpu.memory_space<vmem>>
    %dma_wait3A_748 = tpu.memref_squeeze %dma_wait3A_747 : memref<1x8x2048xf32, #tpu.memory_space<vmem>> -> memref<8x2048xf32, #tpu.memory_space<vmem>>
    tpu.wait_dma2 semaphore(%arg14 : memref<!tpu.dma_semaphore, #tpu.memory_space<semaphore_mem>>) src(%dma_wait3A_748 : memref<8x2048xf32, #tpu.memory_space<vmem>>) dst(%dma_wait3A_744 : memref<8x2048xf32, #tpu.memory_space<hbm>>)
    %dma_start3A_749 = arith.constant 1 : i32
    %dma_start3A_750 = arith.constant 0 : i32
    %dma_start3A_751 = arith.constant 0 : i32
    %dma_start3A_752 = tpu.memref_slice %arg6[%dma_start3A_749, %dma_start3A_750, %dma_start3A_751] : memref<6x8x2048xf32, #tpu.memory_space<vmem>> -> memref<1x8x2048xf32, #tpu.memory_space<vmem>>
    %dma_start3A_753 = tpu.memref_squeeze %dma_start3A_752 : memref<1x8x2048xf32, #tpu.memory_space<vmem>> -> memref<8x2048xf32, #tpu.memory_space<vmem>>
    %dma_start3A_754 = arith.constant 152 : i32
    %dma_start3A_755 = tpu.memref_slice %arg5[%dma_start3A_754] : memref<256xi32, #tpu.memory_space<vmem>> -> memref<8xi32, #tpu.memory_space<vmem>>
    %dma_start3A_756 = arith.constant 0 : i32
    %dma_start3A_757 = arith.constant 0 : i32
    %dma_start3A_758 = tpu.memref_slice %arg3[%dma_start3A_756, %dma_start3A_757] : memref<100000x2048xf32, #tpu.memory_space<hbm>> -> memref<100000x2048xf32, #tpu.memory_space<hbm>>
    tpu.enqueue_indirect_dma source(%dma_start3A_758 : memref<100000x2048xf32, #tpu.memory_space<hbm>>) target(%dma_start3A_753 : memref<8x2048xf32, #tpu.memory_space<vmem>>) offsets(%dma_start3A_755 : memref<8xi32, #tpu.memory_space<vmem>>) semaphore(%arg8 : memref<!tpu.dma_semaphore, #tpu.memory_space<semaphore_mem>>)
    %dma_wait3A_759 = arith.constant 2 : i32
    %dma_wait3A_760 = arith.constant 0 : i32
    %dma_wait3A_761 = arith.constant 0 : i32
    %dma_wait3A_762 = tpu.memref_slice %arg6[%dma_wait3A_759, %dma_wait3A_760, %dma_wait3A_761] : memref<6x8x2048xf32, #tpu.memory_space<vmem>> -> memref<1x8x2048xf32, #tpu.memory_space<vmem>>
    %dma_wait3A_763 = tpu.memref_squeeze %dma_wait3A_762 : memref<1x8x2048xf32, #tpu.memory_space<vmem>> -> memref<8x2048xf32, #tpu.memory_space<vmem>>
    %dma_wait3A_764 = arith.constant 112 : i32
    %dma_wait3A_765 = tpu.memref_slice %arg5[%dma_wait3A_764] : memref<256xi32, #tpu.memory_space<vmem>> -> memref<8xi32, #tpu.memory_space<vmem>>
    %dma_wait3A_766 = arith.constant 0 : i32
    %dma_wait3A_767 = arith.constant 0 : i32
    %dma_wait3A_768 = tpu.memref_slice %arg3[%dma_wait3A_766, %dma_wait3A_767] : memref<100000x2048xf32, #tpu.memory_space<hbm>> -> memref<100000x2048xf32, #tpu.memory_space<hbm>>
    tpu.wait_indirect_dma semaphore(%arg9 : memref<!tpu.dma_semaphore, #tpu.memory_space<semaphore_mem>>) src(%dma_wait3A_768 : memref<100000x2048xf32, #tpu.memory_space<hbm>>) dst(%dma_wait3A_763 : memref<8x2048xf32, #tpu.memory_space<vmem>>)
    %add3A_769 = arith.constant 112 : i32
    %add3A_770 = arith.addi %mul3A_2, %add3A_769 : i32
    %dma_start3A_771 = arith.constant 2 : i32
    %dma_start3A_772 = arith.constant 0 : i32
    %dma_start3A_773 = arith.constant 0 : i32
    %dma_start3A_774 = tpu.memref_slice %arg6[%dma_start3A_771, %dma_start3A_772, %dma_start3A_773] : memref<6x8x2048xf32, #tpu.memory_space<vmem>> -> memref<1x8x2048xf32, #tpu.memory_space<vmem>>
    %dma_start3A_775 = tpu.memref_squeeze %dma_start3A_774 : memref<1x8x2048xf32, #tpu.memory_space<vmem>> -> memref<8x2048xf32, #tpu.memory_space<vmem>>
    %dma_start3A_776 = arith.constant 0 : i32
    %dma_start3A_777 = tpu.memref_slice %arg4[%add3A_770, %dma_start3A_776] : memref<8192x2048xf32, #tpu.memory_space<hbm>> -> memref<8x2048xf32, #tpu.memory_space<hbm>>
    %dma_start3A_778 = arith.constant 0 : i32
    %dma_start3A_779 = tpu.memref_slice %arg4[%add3A_770, %dma_start3A_778] : memref<8192x2048xf32, #tpu.memory_space<hbm>> -> memref<8x2048xf32, #tpu.memory_space<hbm>>
    %dma_start3A_780 = arith.constant 0 : i32
    %dma_start3A_781 = arith.constant 0 : i32
    %dma_start3A_782 = tpu.memref_slice %arg6[%dma_start3A_771, %dma_start3A_780, %dma_start3A_781] : memref<6x8x2048xf32, #tpu.memory_space<vmem>> -> memref<1x8x2048xf32, #tpu.memory_space<vmem>>
    %dma_start3A_783 = tpu.memref_squeeze %dma_start3A_782 : memref<1x8x2048xf32, #tpu.memory_space<vmem>> -> memref<8x2048xf32, #tpu.memory_space<vmem>>
    tpu.enqueue_dma source(%dma_start3A_783 : memref<8x2048xf32, #tpu.memory_space<vmem>>) target(%dma_start3A_779 : memref<8x2048xf32, #tpu.memory_space<hbm>>) target_semaphore(%arg15 : memref<!tpu.dma_semaphore, #tpu.memory_space<semaphore_mem>>)
    %dma_wait3A_784 = arith.constant 2 : i32
    %dma_wait3A_785 = arith.constant 0 : i32
    %dma_wait3A_786 = arith.constant 0 : i32
    %dma_wait3A_787 = tpu.memref_slice %arg6[%dma_wait3A_784, %dma_wait3A_785, %dma_wait3A_786] : memref<6x8x2048xf32, #tpu.memory_space<vmem>> -> memref<1x8x2048xf32, #tpu.memory_space<vmem>>
    %dma_wait3A_788 = tpu.memref_squeeze %dma_wait3A_787 : memref<1x8x2048xf32, #tpu.memory_space<vmem>> -> memref<8x2048xf32, #tpu.memory_space<vmem>>
    %dma_wait3A_789 = arith.constant 0 : i32
    %dma_wait3A_790 = tpu.memref_slice %arg4[%add3A_770, %dma_wait3A_789] : memref<8192x2048xf32, #tpu.memory_space<hbm>> -> memref<8x2048xf32, #tpu.memory_space<hbm>>
    %dma_wait3A_791 = arith.constant 0 : i32
    %dma_wait3A_792 = tpu.memref_slice %arg4[%add3A_770, %dma_wait3A_791] : memref<8192x2048xf32, #tpu.memory_space<hbm>> -> memref<8x2048xf32, #tpu.memory_space<hbm>>
    %dma_wait3A_793 = arith.constant 0 : i32
    %dma_wait3A_794 = arith.constant 0 : i32
    %dma_wait3A_795 = tpu.memref_slice %arg6[%dma_wait3A_784, %dma_wait3A_793, %dma_wait3A_794] : memref<6x8x2048xf32, #tpu.memory_space<vmem>> -> memref<1x8x2048xf32, #tpu.memory_space<vmem>>
    %dma_wait3A_796 = tpu.memref_squeeze %dma_wait3A_795 : memref<1x8x2048xf32, #tpu.memory_space<vmem>> -> memref<8x2048xf32, #tpu.memory_space<vmem>>
    tpu.wait_dma2 semaphore(%arg15 : memref<!tpu.dma_semaphore, #tpu.memory_space<semaphore_mem>>) src(%dma_wait3A_796 : memref<8x2048xf32, #tpu.memory_space<vmem>>) dst(%dma_wait3A_792 : memref<8x2048xf32, #tpu.memory_space<hbm>>)
    %dma_start3A_797 = arith.constant 2 : i32
    %dma_start3A_798 = arith.constant 0 : i32
    %dma_start3A_799 = arith.constant 0 : i32
    %dma_start3A_800 = tpu.memref_slice %arg6[%dma_start3A_797, %dma_start3A_798, %dma_start3A_799] : memref<6x8x2048xf32, #tpu.memory_space<vmem>> -> memref<1x8x2048xf32, #tpu.memory_space<vmem>>
    %dma_start3A_801 = tpu.memref_squeeze %dma_start3A_800 : memref<1x8x2048xf32, #tpu.memory_space<vmem>> -> memref<8x2048xf32, #tpu.memory_space<vmem>>
    %dma_start3A_802 = arith.constant 160 : i32
    %dma_start3A_803 = tpu.memref_slice %arg5[%dma_start3A_802] : memref<256xi32, #tpu.memory_space<vmem>> -> memref<8xi32, #tpu.memory_space<vmem>>
    %dma_start3A_804 = arith.constant 0 : i32
    %dma_start3A_805 = arith.constant 0 : i32
    %dma_start3A_806 = tpu.memref_slice %arg3[%dma_start3A_804, %dma_start3A_805] : memref<100000x2048xf32, #tpu.memory_space<hbm>> -> memref<100000x2048xf32, #tpu.memory_space<hbm>>
    tpu.enqueue_indirect_dma source(%dma_start3A_806 : memref<100000x2048xf32, #tpu.memory_space<hbm>>) target(%dma_start3A_801 : memref<8x2048xf32, #tpu.memory_space<vmem>>) offsets(%dma_start3A_803 : memref<8xi32, #tpu.memory_space<vmem>>) semaphore(%arg9 : memref<!tpu.dma_semaphore, #tpu.memory_space<semaphore_mem>>)
    %dma_wait3A_807 = arith.constant 3 : i32
    %dma_wait3A_808 = arith.constant 0 : i32
    %dma_wait3A_809 = arith.constant 0 : i32
    %dma_wait3A_810 = tpu.memref_slice %arg6[%dma_wait3A_807, %dma_wait3A_808, %dma_wait3A_809] : memref<6x8x2048xf32, #tpu.memory_space<vmem>> -> memref<1x8x2048xf32, #tpu.memory_space<vmem>>
    %dma_wait3A_811 = tpu.memref_squeeze %dma_wait3A_810 : memref<1x8x2048xf32, #tpu.memory_space<vmem>> -> memref<8x2048xf32, #tpu.memory_space<vmem>>
    %dma_wait3A_812 = arith.constant 120 : i32
    %dma_wait3A_813 = tpu.memref_slice %arg5[%dma_wait3A_812] : memref<256xi32, #tpu.memory_space<vmem>> -> memref<8xi32, #tpu.memory_space<vmem>>
    %dma_wait3A_814 = arith.constant 0 : i32
    %dma_wait3A_815 = arith.constant 0 : i32
    %dma_wait3A_816 = tpu.memref_slice %arg3[%dma_wait3A_814, %dma_wait3A_815] : memref<100000x2048xf32, #tpu.memory_space<hbm>> -> memref<100000x2048xf32, #tpu.memory_space<hbm>>
    tpu.wait_indirect_dma semaphore(%arg10 : memref<!tpu.dma_semaphore, #tpu.memory_space<semaphore_mem>>) src(%dma_wait3A_816 : memref<100000x2048xf32, #tpu.memory_space<hbm>>) dst(%dma_wait3A_811 : memref<8x2048xf32, #tpu.memory_space<vmem>>)
    %add3A_817 = arith.constant 120 : i32
    %add3A_818 = arith.addi %mul3A_2, %add3A_817 : i32
    %dma_start3A_819 = arith.constant 3 : i32
    %dma_start3A_820 = arith.constant 0 : i32
    %dma_start3A_821 = arith.constant 0 : i32
    %dma_start3A_822 = tpu.memref_slice %arg6[%dma_start3A_819, %dma_start3A_820, %dma_start3A_821] : memref<6x8x2048xf32, #tpu.memory_space<vmem>> -> memref<1x8x2048xf32, #tpu.memory_space<vmem>>
    %dma_start3A_823 = tpu.memref_squeeze %dma_start3A_822 : memref<1x8x2048xf32, #tpu.memory_space<vmem>> -> memref<8x2048xf32, #tpu.memory_space<vmem>>
    %dma_start3A_824 = arith.constant 0 : i32
    %dma_start3A_825 = tpu.memref_slice %arg4[%add3A_818, %dma_start3A_824] : memref<8192x2048xf32, #tpu.memory_space<hbm>> -> memref<8x2048xf32, #tpu.memory_space<hbm>>
    %dma_start3A_826 = arith.constant 0 : i32
    %dma_start3A_827 = tpu.memref_slice %arg4[%add3A_818, %dma_start3A_826] : memref<8192x2048xf32, #tpu.memory_space<hbm>> -> memref<8x2048xf32, #tpu.memory_space<hbm>>
    %dma_start3A_828 = arith.constant 0 : i32
    %dma_start3A_829 = arith.constant 0 : i32
    %dma_start3A_830 = tpu.memref_slice %arg6[%dma_start3A_819, %dma_start3A_828, %dma_start3A_829] : memref<6x8x2048xf32, #tpu.memory_space<vmem>> -> memref<1x8x2048xf32, #tpu.memory_space<vmem>>
    %dma_start3A_831 = tpu.memref_squeeze %dma_start3A_830 : memref<1x8x2048xf32, #tpu.memory_space<vmem>> -> memref<8x2048xf32, #tpu.memory_space<vmem>>
    tpu.enqueue_dma source(%dma_start3A_831 : memref<8x2048xf32, #tpu.memory_space<vmem>>) target(%dma_start3A_827 : memref<8x2048xf32, #tpu.memory_space<hbm>>) target_semaphore(%arg16 : memref<!tpu.dma_semaphore, #tpu.memory_space<semaphore_mem>>)
    %dma_wait3A_832 = arith.constant 3 : i32
    %dma_wait3A_833 = arith.constant 0 : i32
    %dma_wait3A_834 = arith.constant 0 : i32
    %dma_wait3A_835 = tpu.memref_slice %arg6[%dma_wait3A_832, %dma_wait3A_833, %dma_wait3A_834] : memref<6x8x2048xf32, #tpu.memory_space<vmem>> -> memref<1x8x2048xf32, #tpu.memory_space<vmem>>
    %dma_wait3A_836 = tpu.memref_squeeze %dma_wait3A_835 : memref<1x8x2048xf32, #tpu.memory_space<vmem>> -> memref<8x2048xf32, #tpu.memory_space<vmem>>
    %dma_wait3A_837 = arith.constant 0 : i32
    %dma_wait3A_838 = tpu.memref_slice %arg4[%add3A_818, %dma_wait3A_837] : memref<8192x2048xf32, #tpu.memory_space<hbm>> -> memref<8x2048xf32, #tpu.memory_space<hbm>>
    %dma_wait3A_839 = arith.constant 0 : i32
    %dma_wait3A_840 = tpu.memref_slice %arg4[%add3A_818, %dma_wait3A_839] : memref<8192x2048xf32, #tpu.memory_space<hbm>> -> memref<8x2048xf32, #tpu.memory_space<hbm>>
    %dma_wait3A_841 = arith.constant 0 : i32
    %dma_wait3A_842 = arith.constant 0 : i32
    %dma_wait3A_843 = tpu.memref_slice %arg6[%dma_wait3A_832, %dma_wait3A_841, %dma_wait3A_842] : memref<6x8x2048xf32, #tpu.memory_space<vmem>> -> memref<1x8x2048xf32, #tpu.memory_space<vmem>>
    %dma_wait3A_844 = tpu.memref_squeeze %dma_wait3A_843 : memref<1x8x2048xf32, #tpu.memory_space<vmem>> -> memref<8x2048xf32, #tpu.memory_space<vmem>>
    tpu.wait_dma2 semaphore(%arg16 : memref<!tpu.dma_semaphore, #tpu.memory_space<semaphore_mem>>) src(%dma_wait3A_844 : memref<8x2048xf32, #tpu.memory_space<vmem>>) dst(%dma_wait3A_840 : memref<8x2048xf32, #tpu.memory_space<hbm>>)
    %dma_start3A_845 = arith.constant 3 : i32
    %dma_start3A_846 = arith.constant 0 : i32
    %dma_start3A_847 = arith.constant 0 : i32
    %dma_start3A_848 = tpu.memref_slice %arg6[%dma_start3A_845, %dma_start3A_846, %dma_start3A_847] : memref<6x8x2048xf32, #tpu.memory_space<vmem>> -> memref<1x8x2048xf32, #tpu.memory_space<vmem>>
    %dma_start3A_849 = tpu.memref_squeeze %dma_start3A_848 : memref<1x8x2048xf32, #tpu.memory_space<vmem>> -> memref<8x2048xf32, #tpu.memory_space<vmem>>
    %dma_start3A_850 = arith.constant 168 : i32
    %dma_start3A_851 = tpu.memref_slice %arg5[%dma_start3A_850] : memref<256xi32, #tpu.memory_space<vmem>> -> memref<8xi32, #tpu.memory_space<vmem>>
    %dma_start3A_852 = arith.constant 0 : i32
    %dma_start3A_853 = arith.constant 0 : i32
    %dma_start3A_854 = tpu.memref_slice %arg3[%dma_start3A_852, %dma_start3A_853] : memref<100000x2048xf32, #tpu.memory_space<hbm>> -> memref<100000x2048xf32, #tpu.memory_space<hbm>>
    tpu.enqueue_indirect_dma source(%dma_start3A_854 : memref<100000x2048xf32, #tpu.memory_space<hbm>>) target(%dma_start3A_849 : memref<8x2048xf32, #tpu.memory_space<vmem>>) offsets(%dma_start3A_851 : memref<8xi32, #tpu.memory_space<vmem>>) semaphore(%arg10 : memref<!tpu.dma_semaphore, #tpu.memory_space<semaphore_mem>>)
    %dma_wait3A_855 = arith.constant 4 : i32
    %dma_wait3A_856 = arith.constant 0 : i32
    %dma_wait3A_857 = arith.constant 0 : i32
    %dma_wait3A_858 = tpu.memref_slice %arg6[%dma_wait3A_855, %dma_wait3A_856, %dma_wait3A_857] : memref<6x8x2048xf32, #tpu.memory_space<vmem>> -> memref<1x8x2048xf32, #tpu.memory_space<vmem>>
    %dma_wait3A_859 = tpu.memref_squeeze %dma_wait3A_858 : memref<1x8x2048xf32, #tpu.memory_space<vmem>> -> memref<8x2048xf32, #tpu.memory_space<vmem>>
    %dma_wait3A_860 = arith.constant 128 : i32
    %dma_wait3A_861 = tpu.memref_slice %arg5[%dma_wait3A_860] : memref<256xi32, #tpu.memory_space<vmem>> -> memref<8xi32, #tpu.memory_space<vmem>>
    %dma_wait3A_862 = arith.constant 0 : i32
    %dma_wait3A_863 = arith.constant 0 : i32
    %dma_wait3A_864 = tpu.memref_slice %arg3[%dma_wait3A_862, %dma_wait3A_863] : memref<100000x2048xf32, #tpu.memory_space<hbm>> -> memref<100000x2048xf32, #tpu.memory_space<hbm>>
    tpu.wait_indirect_dma semaphore(%arg11 : memref<!tpu.dma_semaphore, #tpu.memory_space<semaphore_mem>>) src(%dma_wait3A_864 : memref<100000x2048xf32, #tpu.memory_space<hbm>>) dst(%dma_wait3A_859 : memref<8x2048xf32, #tpu.memory_space<vmem>>)
    %add3A_865 = arith.constant 128 : i32
    %add3A_866 = arith.addi %mul3A_2, %add3A_865 : i32
    %dma_start3A_867 = arith.constant 4 : i32
    %dma_start3A_868 = arith.constant 0 : i32
    %dma_start3A_869 = arith.constant 0 : i32
    %dma_start3A_870 = tpu.memref_slice %arg6[%dma_start3A_867, %dma_start3A_868, %dma_start3A_869] : memref<6x8x2048xf32, #tpu.memory_space<vmem>> -> memref<1x8x2048xf32, #tpu.memory_space<vmem>>
    %dma_start3A_871 = tpu.memref_squeeze %dma_start3A_870 : memref<1x8x2048xf32, #tpu.memory_space<vmem>> -> memref<8x2048xf32, #tpu.memory_space<vmem>>
    %dma_start3A_872 = arith.constant 0 : i32
    %dma_start3A_873 = tpu.memref_slice %arg4[%add3A_866, %dma_start3A_872] : memref<8192x2048xf32, #tpu.memory_space<hbm>> -> memref<8x2048xf32, #tpu.memory_space<hbm>>
    %dma_start3A_874 = arith.constant 0 : i32
    %dma_start3A_875 = tpu.memref_slice %arg4[%add3A_866, %dma_start3A_874] : memref<8192x2048xf32, #tpu.memory_space<hbm>> -> memref<8x2048xf32, #tpu.memory_space<hbm>>
    %dma_start3A_876 = arith.constant 0 : i32
    %dma_start3A_877 = arith.constant 0 : i32
    %dma_start3A_878 = tpu.memref_slice %arg6[%dma_start3A_867, %dma_start3A_876, %dma_start3A_877] : memref<6x8x2048xf32, #tpu.memory_space<vmem>> -> memref<1x8x2048xf32, #tpu.memory_space<vmem>>
    %dma_start3A_879 = tpu.memref_squeeze %dma_start3A_878 : memref<1x8x2048xf32, #tpu.memory_space<vmem>> -> memref<8x2048xf32, #tpu.memory_space<vmem>>
    tpu.enqueue_dma source(%dma_start3A_879 : memref<8x2048xf32, #tpu.memory_space<vmem>>) target(%dma_start3A_875 : memref<8x2048xf32, #tpu.memory_space<hbm>>) target_semaphore(%arg17 : memref<!tpu.dma_semaphore, #tpu.memory_space<semaphore_mem>>)
    %dma_wait3A_880 = arith.constant 4 : i32
    %dma_wait3A_881 = arith.constant 0 : i32
    %dma_wait3A_882 = arith.constant 0 : i32
    %dma_wait3A_883 = tpu.memref_slice %arg6[%dma_wait3A_880, %dma_wait3A_881, %dma_wait3A_882] : memref<6x8x2048xf32, #tpu.memory_space<vmem>> -> memref<1x8x2048xf32, #tpu.memory_space<vmem>>
    %dma_wait3A_884 = tpu.memref_squeeze %dma_wait3A_883 : memref<1x8x2048xf32, #tpu.memory_space<vmem>> -> memref<8x2048xf32, #tpu.memory_space<vmem>>
    %dma_wait3A_885 = arith.constant 0 : i32
    %dma_wait3A_886 = tpu.memref_slice %arg4[%add3A_866, %dma_wait3A_885] : memref<8192x2048xf32, #tpu.memory_space<hbm>> -> memref<8x2048xf32, #tpu.memory_space<hbm>>
    %dma_wait3A_887 = arith.constant 0 : i32
    %dma_wait3A_888 = tpu.memref_slice %arg4[%add3A_866, %dma_wait3A_887] : memref<8192x2048xf32, #tpu.memory_space<hbm>> -> memref<8x2048xf32, #tpu.memory_space<hbm>>
    %dma_wait3A_889 = arith.constant 0 : i32
    %dma_wait3A_890 = arith.constant 0 : i32
    %dma_wait3A_891 = tpu.memref_slice %arg6[%dma_wait3A_880, %dma_wait3A_889, %dma_wait3A_890] : memref<6x8x2048xf32, #tpu.memory_space<vmem>> -> memref<1x8x2048xf32, #tpu.memory_space<vmem>>
    %dma_wait3A_892 = tpu.memref_squeeze %dma_wait3A_891 : memref<1x8x2048xf32, #tpu.memory_space<vmem>> -> memref<8x2048xf32, #tpu.memory_space<vmem>>
    tpu.wait_dma2 semaphore(%arg17 : memref<!tpu.dma_semaphore, #tpu.memory_space<semaphore_mem>>) src(%dma_wait3A_892 : memref<8x2048xf32, #tpu.memory_space<vmem>>) dst(%dma_wait3A_888 : memref<8x2048xf32, #tpu.memory_space<hbm>>)
    %dma_start3A_893 = arith.constant 4 : i32
    %dma_start3A_894 = arith.constant 0 : i32
    %dma_start3A_895 = arith.constant 0 : i32
    %dma_start3A_896 = tpu.memref_slice %arg6[%dma_start3A_893, %dma_start3A_894, %dma_start3A_895] : memref<6x8x2048xf32, #tpu.memory_space<vmem>> -> memref<1x8x2048xf32, #tpu.memory_space<vmem>>
    %dma_start3A_897 = tpu.memref_squeeze %dma_start3A_896 : memref<1x8x2048xf32, #tpu.memory_space<vmem>> -> memref<8x2048xf32, #tpu.memory_space<vmem>>
    %dma_start3A_898 = arith.constant 176 : i32
    %dma_start3A_899 = tpu.memref_slice %arg5[%dma_start3A_898] : memref<256xi32, #tpu.memory_space<vmem>> -> memref<8xi32, #tpu.memory_space<vmem>>
    %dma_start3A_900 = arith.constant 0 : i32
    %dma_start3A_901 = arith.constant 0 : i32
    %dma_start3A_902 = tpu.memref_slice %arg3[%dma_start3A_900, %dma_start3A_901] : memref<100000x2048xf32, #tpu.memory_space<hbm>> -> memref<100000x2048xf32, #tpu.memory_space<hbm>>
    tpu.enqueue_indirect_dma source(%dma_start3A_902 : memref<100000x2048xf32, #tpu.memory_space<hbm>>) target(%dma_start3A_897 : memref<8x2048xf32, #tpu.memory_space<vmem>>) offsets(%dma_start3A_899 : memref<8xi32, #tpu.memory_space<vmem>>) semaphore(%arg11 : memref<!tpu.dma_semaphore, #tpu.memory_space<semaphore_mem>>)
    %dma_wait3A_903 = arith.constant 5 : i32
    %dma_wait3A_904 = arith.constant 0 : i32
    %dma_wait3A_905 = arith.constant 0 : i32
    %dma_wait3A_906 = tpu.memref_slice %arg6[%dma_wait3A_903, %dma_wait3A_904, %dma_wait3A_905] : memref<6x8x2048xf32, #tpu.memory_space<vmem>> -> memref<1x8x2048xf32, #tpu.memory_space<vmem>>
    %dma_wait3A_907 = tpu.memref_squeeze %dma_wait3A_906 : memref<1x8x2048xf32, #tpu.memory_space<vmem>> -> memref<8x2048xf32, #tpu.memory_space<vmem>>
    %dma_wait3A_908 = arith.constant 136 : i32
    %dma_wait3A_909 = tpu.memref_slice %arg5[%dma_wait3A_908] : memref<256xi32, #tpu.memory_space<vmem>> -> memref<8xi32, #tpu.memory_space<vmem>>
    %dma_wait3A_910 = arith.constant 0 : i32
    %dma_wait3A_911 = arith.constant 0 : i32
    %dma_wait3A_912 = tpu.memref_slice %arg3[%dma_wait3A_910, %dma_wait3A_911] : memref<100000x2048xf32, #tpu.memory_space<hbm>> -> memref<100000x2048xf32, #tpu.memory_space<hbm>>
    tpu.wait_indirect_dma semaphore(%arg12 : memref<!tpu.dma_semaphore, #tpu.memory_space<semaphore_mem>>) src(%dma_wait3A_912 : memref<100000x2048xf32, #tpu.memory_space<hbm>>) dst(%dma_wait3A_907 : memref<8x2048xf32, #tpu.memory_space<vmem>>)
    %add3A_913 = arith.constant 136 : i32
    %add3A_914 = arith.addi %mul3A_2, %add3A_913 : i32
    %dma_start3A_915 = arith.constant 5 : i32
    %dma_start3A_916 = arith.constant 0 : i32
    %dma_start3A_917 = arith.constant 0 : i32
    %dma_start3A_918 = tpu.memref_slice %arg6[%dma_start3A_915, %dma_start3A_916, %dma_start3A_917] : memref<6x8x2048xf32, #tpu.memory_space<vmem>> -> memref<1x8x2048xf32, #tpu.memory_space<vmem>>
    %dma_start3A_919 = tpu.memref_squeeze %dma_start3A_918 : memref<1x8x2048xf32, #tpu.memory_space<vmem>> -> memref<8x2048xf32, #tpu.memory_space<vmem>>
    %dma_start3A_920 = arith.constant 0 : i32
    %dma_start3A_921 = tpu.memref_slice %arg4[%add3A_914, %dma_start3A_920] : memref<8192x2048xf32, #tpu.memory_space<hbm>> -> memref<8x2048xf32, #tpu.memory_space<hbm>>
    %dma_start3A_922 = arith.constant 0 : i32
    %dma_start3A_923 = tpu.memref_slice %arg4[%add3A_914, %dma_start3A_922] : memref<8192x2048xf32, #tpu.memory_space<hbm>> -> memref<8x2048xf32, #tpu.memory_space<hbm>>
    %dma_start3A_924 = arith.constant 0 : i32
    %dma_start3A_925 = arith.constant 0 : i32
    %dma_start3A_926 = tpu.memref_slice %arg6[%dma_start3A_915, %dma_start3A_924, %dma_start3A_925] : memref<6x8x2048xf32, #tpu.memory_space<vmem>> -> memref<1x8x2048xf32, #tpu.memory_space<vmem>>
    %dma_start3A_927 = tpu.memref_squeeze %dma_start3A_926 : memref<1x8x2048xf32, #tpu.memory_space<vmem>> -> memref<8x2048xf32, #tpu.memory_space<vmem>>
    tpu.enqueue_dma source(%dma_start3A_927 : memref<8x2048xf32, #tpu.memory_space<vmem>>) target(%dma_start3A_923 : memref<8x2048xf32, #tpu.memory_space<hbm>>) target_semaphore(%arg18 : memref<!tpu.dma_semaphore, #tpu.memory_space<semaphore_mem>>)
    %dma_wait3A_928 = arith.constant 5 : i32
    %dma_wait3A_929 = arith.constant 0 : i32
    %dma_wait3A_930 = arith.constant 0 : i32
    %dma_wait3A_931 = tpu.memref_slice %arg6[%dma_wait3A_928, %dma_wait3A_929, %dma_wait3A_930] : memref<6x8x2048xf32, #tpu.memory_space<vmem>> -> memref<1x8x2048xf32, #tpu.memory_space<vmem>>
    %dma_wait3A_932 = tpu.memref_squeeze %dma_wait3A_931 : memref<1x8x2048xf32, #tpu.memory_space<vmem>> -> memref<8x2048xf32, #tpu.memory_space<vmem>>
    %dma_wait3A_933 = arith.constant 0 : i32
    %dma_wait3A_934 = tpu.memref_slice %arg4[%add3A_914, %dma_wait3A_933] : memref<8192x2048xf32, #tpu.memory_space<hbm>> -> memref<8x2048xf32, #tpu.memory_space<hbm>>
    %dma_wait3A_935 = arith.constant 0 : i32
    %dma_wait3A_936 = tpu.memref_slice %arg4[%add3A_914, %dma_wait3A_935] : memref<8192x2048xf32, #tpu.memory_space<hbm>> -> memref<8x2048xf32, #tpu.memory_space<hbm>>
    %dma_wait3A_937 = arith.constant 0 : i32
    %dma_wait3A_938 = arith.constant 0 : i32
    %dma_wait3A_939 = tpu.memref_slice %arg6[%dma_wait3A_928, %dma_wait3A_937, %dma_wait3A_938] : memref<6x8x2048xf32, #tpu.memory_space<vmem>> -> memref<1x8x2048xf32, #tpu.memory_space<vmem>>
    %dma_wait3A_940 = tpu.memref_squeeze %dma_wait3A_939 : memref<1x8x2048xf32, #tpu.memory_space<vmem>> -> memref<8x2048xf32, #tpu.memory_space<vmem>>
    tpu.wait_dma2 semaphore(%arg18 : memref<!tpu.dma_semaphore, #tpu.memory_space<semaphore_mem>>) src(%dma_wait3A_940 : memref<8x2048xf32, #tpu.memory_space<vmem>>) dst(%dma_wait3A_936 : memref<8x2048xf32, #tpu.memory_space<hbm>>)
    %dma_start3A_941 = arith.constant 5 : i32
    %dma_start3A_942 = arith.constant 0 : i32
    %dma_start3A_943 = arith.constant 0 : i32
    %dma_start3A_944 = tpu.memref_slice %arg6[%dma_start3A_941, %dma_start3A_942, %dma_start3A_943] : memref<6x8x2048xf32, #tpu.memory_space<vmem>> -> memref<1x8x2048xf32, #tpu.memory_space<vmem>>
    %dma_start3A_945 = tpu.memref_squeeze %dma_start3A_944 : memref<1x8x2048xf32, #tpu.memory_space<vmem>> -> memref<8x2048xf32, #tpu.memory_space<vmem>>
    %dma_start3A_946 = arith.constant 184 : i32
    %dma_start3A_947 = tpu.memref_slice %arg5[%dma_start3A_946] : memref<256xi32, #tpu.memory_space<vmem>> -> memref<8xi32, #tpu.memory_space<vmem>>
    %dma_start3A_948 = arith.constant 0 : i32
    %dma_start3A_949 = arith.constant 0 : i32
    %dma_start3A_950 = tpu.memref_slice %arg3[%dma_start3A_948, %dma_start3A_949] : memref<100000x2048xf32, #tpu.memory_space<hbm>> -> memref<100000x2048xf32, #tpu.memory_space<hbm>>
    tpu.enqueue_indirect_dma source(%dma_start3A_950 : memref<100000x2048xf32, #tpu.memory_space<hbm>>) target(%dma_start3A_945 : memref<8x2048xf32, #tpu.memory_space<vmem>>) offsets(%dma_start3A_947 : memref<8xi32, #tpu.memory_space<vmem>>) semaphore(%arg12 : memref<!tpu.dma_semaphore, #tpu.memory_space<semaphore_mem>>)
    %dma_wait3A_951 = arith.constant 0 : i32
    %dma_wait3A_952 = arith.constant 0 : i32
    %dma_wait3A_953 = arith.constant 0 : i32
    %dma_wait3A_954 = tpu.memref_slice %arg6[%dma_wait3A_951, %dma_wait3A_952, %dma_wait3A_953] : memref<6x8x2048xf32, #tpu.memory_space<vmem>> -> memref<1x8x2048xf32, #tpu.memory_space<vmem>>
    %dma_wait3A_955 = tpu.memref_squeeze %dma_wait3A_954 : memref<1x8x2048xf32, #tpu.memory_space<vmem>> -> memref<8x2048xf32, #tpu.memory_space<vmem>>
    %dma_wait3A_956 = arith.constant 144 : i32
    %dma_wait3A_957 = tpu.memref_slice %arg5[%dma_wait3A_956] : memref<256xi32, #tpu.memory_space<vmem>> -> memref<8xi32, #tpu.memory_space<vmem>>
    %dma_wait3A_958 = arith.constant 0 : i32
    %dma_wait3A_959 = arith.constant 0 : i32
    %dma_wait3A_960 = tpu.memref_slice %arg3[%dma_wait3A_958, %dma_wait3A_959] : memref<100000x2048xf32, #tpu.memory_space<hbm>> -> memref<100000x2048xf32, #tpu.memory_space<hbm>>
    tpu.wait_indirect_dma semaphore(%arg7 : memref<!tpu.dma_semaphore, #tpu.memory_space<semaphore_mem>>) src(%dma_wait3A_960 : memref<100000x2048xf32, #tpu.memory_space<hbm>>) dst(%dma_wait3A_955 : memref<8x2048xf32, #tpu.memory_space<vmem>>)
    %add3A_961 = arith.constant 144 : i32
    %add3A_962 = arith.addi %mul3A_2, %add3A_961 : i32
    %dma_start3A_963 = arith.constant 0 : i32
    %dma_start3A_964 = arith.constant 0 : i32
    %dma_start3A_965 = arith.constant 0 : i32
    %dma_start3A_966 = tpu.memref_slice %arg6[%dma_start3A_963, %dma_start3A_964, %dma_start3A_965] : memref<6x8x2048xf32, #tpu.memory_space<vmem>> -> memref<1x8x2048xf32, #tpu.memory_space<vmem>>
    %dma_start3A_967 = tpu.memref_squeeze %dma_start3A_966 : memref<1x8x2048xf32, #tpu.memory_space<vmem>> -> memref<8x2048xf32, #tpu.memory_space<vmem>>
    %dma_start3A_968 = arith.constant 0 : i32
    %dma_start3A_969 = tpu.memref_slice %arg4[%add3A_962, %dma_start3A_968] : memref<8192x2048xf32, #tpu.memory_space<hbm>> -> memref<8x2048xf32, #tpu.memory_space<hbm>>
    %dma_start3A_970 = arith.constant 0 : i32
    %dma_start3A_971 = tpu.memref_slice %arg4[%add3A_962, %dma_start3A_970] : memref<8192x2048xf32, #tpu.memory_space<hbm>> -> memref<8x2048xf32, #tpu.memory_space<hbm>>
    %dma_start3A_972 = arith.constant 0 : i32
    %dma_start3A_973 = arith.constant 0 : i32
    %dma_start3A_974 = tpu.memref_slice %arg6[%dma_start3A_963, %dma_start3A_972, %dma_start3A_973] : memref<6x8x2048xf32, #tpu.memory_space<vmem>> -> memref<1x8x2048xf32, #tpu.memory_space<vmem>>
    %dma_start3A_975 = tpu.memref_squeeze %dma_start3A_974 : memref<1x8x2048xf32, #tpu.memory_space<vmem>> -> memref<8x2048xf32, #tpu.memory_space<vmem>>
    tpu.enqueue_dma source(%dma_start3A_975 : memref<8x2048xf32, #tpu.memory_space<vmem>>) target(%dma_start3A_971 : memref<8x2048xf32, #tpu.memory_space<hbm>>) target_semaphore(%arg13 : memref<!tpu.dma_semaphore, #tpu.memory_space<semaphore_mem>>)
    %dma_wait3A_976 = arith.constant 0 : i32
    %dma_wait3A_977 = arith.constant 0 : i32
    %dma_wait3A_978 = arith.constant 0 : i32
    %dma_wait3A_979 = tpu.memref_slice %arg6[%dma_wait3A_976, %dma_wait3A_977, %dma_wait3A_978] : memref<6x8x2048xf32, #tpu.memory_space<vmem>> -> memref<1x8x2048xf32, #tpu.memory_space<vmem>>
    %dma_wait3A_980 = tpu.memref_squeeze %dma_wait3A_979 : memref<1x8x2048xf32, #tpu.memory_space<vmem>> -> memref<8x2048xf32, #tpu.memory_space<vmem>>
    %dma_wait3A_981 = arith.constant 0 : i32
    %dma_wait3A_982 = tpu.memref_slice %arg4[%add3A_962, %dma_wait3A_981] : memref<8192x2048xf32, #tpu.memory_space<hbm>> -> memref<8x2048xf32, #tpu.memory_space<hbm>>
    %dma_wait3A_983 = arith.constant 0 : i32
    %dma_wait3A_984 = tpu.memref_slice %arg4[%add3A_962, %dma_wait3A_983] : memref<8192x2048xf32, #tpu.memory_space<hbm>> -> memref<8x2048xf32, #tpu.memory_space<hbm>>
    %dma_wait3A_985 = arith.constant 0 : i32
    %dma_wait3A_986 = arith.constant 0 : i32
    %dma_wait3A_987 = tpu.memref_slice %arg6[%dma_wait3A_976, %dma_wait3A_985, %dma_wait3A_986] : memref<6x8x2048xf32, #tpu.memory_space<vmem>> -> memref<1x8x2048xf32, #tpu.memory_space<vmem>>
    %dma_wait3A_988 = tpu.memref_squeeze %dma_wait3A_987 : memref<1x8x2048xf32, #tpu.memory_space<vmem>> -> memref<8x2048xf32, #tpu.memory_space<vmem>>
    tpu.wait_dma2 semaphore(%arg13 : memref<!tpu.dma_semaphore, #tpu.memory_space<semaphore_mem>>) src(%dma_wait3A_988 : memref<8x2048xf32, #tpu.memory_space<vmem>>) dst(%dma_wait3A_984 : memref<8x2048xf32, #tpu.memory_space<hbm>>)
    %dma_start3A_989 = arith.constant 0 : i32
    %dma_start3A_990 = arith.constant 0 : i32
    %dma_start3A_991 = arith.constant 0 : i32
    %dma_start3A_992 = tpu.memref_slice %arg6[%dma_start3A_989, %dma_start3A_990, %dma_start3A_991] : memref<6x8x2048xf32, #tpu.memory_space<vmem>> -> memref<1x8x2048xf32, #tpu.memory_space<vmem>>
    %dma_start3A_993 = tpu.memref_squeeze %dma_start3A_992 : memref<1x8x2048xf32, #tpu.memory_space<vmem>> -> memref<8x2048xf32, #tpu.memory_space<vmem>>
    %dma_start3A_994 = arith.constant 192 : i32
    %dma_start3A_995 = tpu.memref_slice %arg5[%dma_start3A_994] : memref<256xi32, #tpu.memory_space<vmem>> -> memref<8xi32, #tpu.memory_space<vmem>>
    %dma_start3A_996 = arith.constant 0 : i32
    %dma_start3A_997 = arith.constant 0 : i32
    %dma_start3A_998 = tpu.memref_slice %arg3[%dma_start3A_996, %dma_start3A_997] : memref<100000x2048xf32, #tpu.memory_space<hbm>> -> memref<100000x2048xf32, #tpu.memory_space<hbm>>
    tpu.enqueue_indirect_dma source(%dma_start3A_998 : memref<100000x2048xf32, #tpu.memory_space<hbm>>) target(%dma_start3A_993 : memref<8x2048xf32, #tpu.memory_space<vmem>>) offsets(%dma_start3A_995 : memref<8xi32, #tpu.memory_space<vmem>>) semaphore(%arg7 : memref<!tpu.dma_semaphore, #tpu.memory_space<semaphore_mem>>)
    %dma_wait3A_999 = arith.constant 1 : i32
    %dma_wait3A_1000 = arith.constant 0 : i32
    %dma_wait3A_1001 = arith.constant 0 : i32
    %dma_wait3A_1002 = tpu.memref_slice %arg6[%dma_wait3A_999, %dma_wait3A_1000, %dma_wait3A_1001] : memref<6x8x2048xf32, #tpu.memory_space<vmem>> -> memref<1x8x2048xf32, #tpu.memory_space<vmem>>
    %dma_wait3A_1003 = tpu.memref_squeeze %dma_wait3A_1002 : memref<1x8x2048xf32, #tpu.memory_space<vmem>> -> memref<8x2048xf32, #tpu.memory_space<vmem>>
    %dma_wait3A_1004 = arith.constant 152 : i32
    %dma_wait3A_1005 = tpu.memref_slice %arg5[%dma_wait3A_1004] : memref<256xi32, #tpu.memory_space<vmem>> -> memref<8xi32, #tpu.memory_space<vmem>>
    %dma_wait3A_1006 = arith.constant 0 : i32
    %dma_wait3A_1007 = arith.constant 0 : i32
    %dma_wait3A_1008 = tpu.memref_slice %arg3[%dma_wait3A_1006, %dma_wait3A_1007] : memref<100000x2048xf32, #tpu.memory_space<hbm>> -> memref<100000x2048xf32, #tpu.memory_space<hbm>>
    tpu.wait_indirect_dma semaphore(%arg8 : memref<!tpu.dma_semaphore, #tpu.memory_space<semaphore_mem>>) src(%dma_wait3A_1008 : memref<100000x2048xf32, #tpu.memory_space<hbm>>) dst(%dma_wait3A_1003 : memref<8x2048xf32, #tpu.memory_space<vmem>>)
    %add3A_1009 = arith.constant 152 : i32
    %add3A_1010 = arith.addi %mul3A_2, %add3A_1009 : i32
    %dma_start3A_1011 = arith.constant 1 : i32
    %dma_start3A_1012 = arith.constant 0 : i32
    %dma_start3A_1013 = arith.constant 0 : i32
    %dma_start3A_1014 = tpu.memref_slice %arg6[%dma_start3A_1011, %dma_start3A_1012, %dma_start3A_1013] : memref<6x8x2048xf32, #tpu.memory_space<vmem>> -> memref<1x8x2048xf32, #tpu.memory_space<vmem>>
    %dma_start3A_1015 = tpu.memref_squeeze %dma_start3A_1014 : memref<1x8x2048xf32, #tpu.memory_space<vmem>> -> memref<8x2048xf32, #tpu.memory_space<vmem>>
    %dma_start3A_1016 = arith.constant 0 : i32
    %dma_start3A_1017 = tpu.memref_slice %arg4[%add3A_1010, %dma_start3A_1016] : memref<8192x2048xf32, #tpu.memory_space<hbm>> -> memref<8x2048xf32, #tpu.memory_space<hbm>>
    %dma_start3A_1018 = arith.constant 0 : i32
    %dma_start3A_1019 = tpu.memref_slice %arg4[%add3A_1010, %dma_start3A_1018] : memref<8192x2048xf32, #tpu.memory_space<hbm>> -> memref<8x2048xf32, #tpu.memory_space<hbm>>
    %dma_start3A_1020 = arith.constant 0 : i32
    %dma_start3A_1021 = arith.constant 0 : i32
    %dma_start3A_1022 = tpu.memref_slice %arg6[%dma_start3A_1011, %dma_start3A_1020, %dma_start3A_1021] : memref<6x8x2048xf32, #tpu.memory_space<vmem>> -> memref<1x8x2048xf32, #tpu.memory_space<vmem>>
    %dma_start3A_1023 = tpu.memref_squeeze %dma_start3A_1022 : memref<1x8x2048xf32, #tpu.memory_space<vmem>> -> memref<8x2048xf32, #tpu.memory_space<vmem>>
    tpu.enqueue_dma source(%dma_start3A_1023 : memref<8x2048xf32, #tpu.memory_space<vmem>>) target(%dma_start3A_1019 : memref<8x2048xf32, #tpu.memory_space<hbm>>) target_semaphore(%arg14 : memref<!tpu.dma_semaphore, #tpu.memory_space<semaphore_mem>>)
    %dma_wait3A_1024 = arith.constant 1 : i32
    %dma_wait3A_1025 = arith.constant 0 : i32
    %dma_wait3A_1026 = arith.constant 0 : i32
    %dma_wait3A_1027 = tpu.memref_slice %arg6[%dma_wait3A_1024, %dma_wait3A_1025, %dma_wait3A_1026] : memref<6x8x2048xf32, #tpu.memory_space<vmem>> -> memref<1x8x2048xf32, #tpu.memory_space<vmem>>
    %dma_wait3A_1028 = tpu.memref_squeeze %dma_wait3A_1027 : memref<1x8x2048xf32, #tpu.memory_space<vmem>> -> memref<8x2048xf32, #tpu.memory_space<vmem>>
    %dma_wait3A_1029 = arith.constant 0 : i32
    %dma_wait3A_1030 = tpu.memref_slice %arg4[%add3A_1010, %dma_wait3A_1029] : memref<8192x2048xf32, #tpu.memory_space<hbm>> -> memref<8x2048xf32, #tpu.memory_space<hbm>>
    %dma_wait3A_1031 = arith.constant 0 : i32
    %dma_wait3A_1032 = tpu.memref_slice %arg4[%add3A_1010, %dma_wait3A_1031] : memref<8192x2048xf32, #tpu.memory_space<hbm>> -> memref<8x2048xf32, #tpu.memory_space<hbm>>
    %dma_wait3A_1033 = arith.constant 0 : i32
    %dma_wait3A_1034 = arith.constant 0 : i32
    %dma_wait3A_1035 = tpu.memref_slice %arg6[%dma_wait3A_1024, %dma_wait3A_1033, %dma_wait3A_1034] : memref<6x8x2048xf32, #tpu.memory_space<vmem>> -> memref<1x8x2048xf32, #tpu.memory_space<vmem>>
    %dma_wait3A_1036 = tpu.memref_squeeze %dma_wait3A_1035 : memref<1x8x2048xf32, #tpu.memory_space<vmem>> -> memref<8x2048xf32, #tpu.memory_space<vmem>>
    tpu.wait_dma2 semaphore(%arg14 : memref<!tpu.dma_semaphore, #tpu.memory_space<semaphore_mem>>) src(%dma_wait3A_1036 : memref<8x2048xf32, #tpu.memory_space<vmem>>) dst(%dma_wait3A_1032 : memref<8x2048xf32, #tpu.memory_space<hbm>>)
    %dma_start3A_1037 = arith.constant 1 : i32
    %dma_start3A_1038 = arith.constant 0 : i32
    %dma_start3A_1039 = arith.constant 0 : i32
    %dma_start3A_1040 = tpu.memref_slice %arg6[%dma_start3A_1037, %dma_start3A_1038, %dma_start3A_1039] : memref<6x8x2048xf32, #tpu.memory_space<vmem>> -> memref<1x8x2048xf32, #tpu.memory_space<vmem>>
    %dma_start3A_1041 = tpu.memref_squeeze %dma_start3A_1040 : memref<1x8x2048xf32, #tpu.memory_space<vmem>> -> memref<8x2048xf32, #tpu.memory_space<vmem>>
    %dma_start3A_1042 = arith.constant 200 : i32
    %dma_start3A_1043 = tpu.memref_slice %arg5[%dma_start3A_1042] : memref<256xi32, #tpu.memory_space<vmem>> -> memref<8xi32, #tpu.memory_space<vmem>>
    %dma_start3A_1044 = arith.constant 0 : i32
    %dma_start3A_1045 = arith.constant 0 : i32
    %dma_start3A_1046 = tpu.memref_slice %arg3[%dma_start3A_1044, %dma_start3A_1045] : memref<100000x2048xf32, #tpu.memory_space<hbm>> -> memref<100000x2048xf32, #tpu.memory_space<hbm>>
    tpu.enqueue_indirect_dma source(%dma_start3A_1046 : memref<100000x2048xf32, #tpu.memory_space<hbm>>) target(%dma_start3A_1041 : memref<8x2048xf32, #tpu.memory_space<vmem>>) offsets(%dma_start3A_1043 : memref<8xi32, #tpu.memory_space<vmem>>) semaphore(%arg8 : memref<!tpu.dma_semaphore, #tpu.memory_space<semaphore_mem>>)
    %dma_wait3A_1047 = arith.constant 2 : i32
    %dma_wait3A_1048 = arith.constant 0 : i32
    %dma_wait3A_1049 = arith.constant 0 : i32
    %dma_wait3A_1050 = tpu.memref_slice %arg6[%dma_wait3A_1047, %dma_wait3A_1048, %dma_wait3A_1049] : memref<6x8x2048xf32, #tpu.memory_space<vmem>> -> memref<1x8x2048xf32, #tpu.memory_space<vmem>>
    %dma_wait3A_1051 = tpu.memref_squeeze %dma_wait3A_1050 : memref<1x8x2048xf32, #tpu.memory_space<vmem>> -> memref<8x2048xf32, #tpu.memory_space<vmem>>
    %dma_wait3A_1052 = arith.constant 160 : i32
    %dma_wait3A_1053 = tpu.memref_slice %arg5[%dma_wait3A_1052] : memref<256xi32, #tpu.memory_space<vmem>> -> memref<8xi32, #tpu.memory_space<vmem>>
    %dma_wait3A_1054 = arith.constant 0 : i32
    %dma_wait3A_1055 = arith.constant 0 : i32
    %dma_wait3A_1056 = tpu.memref_slice %arg3[%dma_wait3A_1054, %dma_wait3A_1055] : memref<100000x2048xf32, #tpu.memory_space<hbm>> -> memref<100000x2048xf32, #tpu.memory_space<hbm>>
    tpu.wait_indirect_dma semaphore(%arg9 : memref<!tpu.dma_semaphore, #tpu.memory_space<semaphore_mem>>) src(%dma_wait3A_1056 : memref<100000x2048xf32, #tpu.memory_space<hbm>>) dst(%dma_wait3A_1051 : memref<8x2048xf32, #tpu.memory_space<vmem>>)
    %add3A_1057 = arith.constant 160 : i32
    %add3A_1058 = arith.addi %mul3A_2, %add3A_1057 : i32
    %dma_start3A_1059 = arith.constant 2 : i32
    %dma_start3A_1060 = arith.constant 0 : i32
    %dma_start3A_1061 = arith.constant 0 : i32
    %dma_start3A_1062 = tpu.memref_slice %arg6[%dma_start3A_1059, %dma_start3A_1060, %dma_start3A_1061] : memref<6x8x2048xf32, #tpu.memory_space<vmem>> -> memref<1x8x2048xf32, #tpu.memory_space<vmem>>
    %dma_start3A_1063 = tpu.memref_squeeze %dma_start3A_1062 : memref<1x8x2048xf32, #tpu.memory_space<vmem>> -> memref<8x2048xf32, #tpu.memory_space<vmem>>
    %dma_start3A_1064 = arith.constant 0 : i32
    %dma_start3A_1065 = tpu.memref_slice %arg4[%add3A_1058, %dma_start3A_1064] : memref<8192x2048xf32, #tpu.memory_space<hbm>> -> memref<8x2048xf32, #tpu.memory_space<hbm>>
    %dma_start3A_1066 = arith.constant 0 : i32
    %dma_start3A_1067 = tpu.memref_slice %arg4[%add3A_1058, %dma_start3A_1066] : memref<8192x2048xf32, #tpu.memory_space<hbm>> -> memref<8x2048xf32, #tpu.memory_space<hbm>>
    %dma_start3A_1068 = arith.constant 0 : i32
    %dma_start3A_1069 = arith.constant 0 : i32
    %dma_start3A_1070 = tpu.memref_slice %arg6[%dma_start3A_1059, %dma_start3A_1068, %dma_start3A_1069] : memref<6x8x2048xf32, #tpu.memory_space<vmem>> -> memref<1x8x2048xf32, #tpu.memory_space<vmem>>
    %dma_start3A_1071 = tpu.memref_squeeze %dma_start3A_1070 : memref<1x8x2048xf32, #tpu.memory_space<vmem>> -> memref<8x2048xf32, #tpu.memory_space<vmem>>
    tpu.enqueue_dma source(%dma_start3A_1071 : memref<8x2048xf32, #tpu.memory_space<vmem>>) target(%dma_start3A_1067 : memref<8x2048xf32, #tpu.memory_space<hbm>>) target_semaphore(%arg15 : memref<!tpu.dma_semaphore, #tpu.memory_space<semaphore_mem>>)
    %dma_wait3A_1072 = arith.constant 2 : i32
    %dma_wait3A_1073 = arith.constant 0 : i32
    %dma_wait3A_1074 = arith.constant 0 : i32
    %dma_wait3A_1075 = tpu.memref_slice %arg6[%dma_wait3A_1072, %dma_wait3A_1073, %dma_wait3A_1074] : memref<6x8x2048xf32, #tpu.memory_space<vmem>> -> memref<1x8x2048xf32, #tpu.memory_space<vmem>>
    %dma_wait3A_1076 = tpu.memref_squeeze %dma_wait3A_1075 : memref<1x8x2048xf32, #tpu.memory_space<vmem>> -> memref<8x2048xf32, #tpu.memory_space<vmem>>
    %dma_wait3A_1077 = arith.constant 0 : i32
    %dma_wait3A_1078 = tpu.memref_slice %arg4[%add3A_1058, %dma_wait3A_1077] : memref<8192x2048xf32, #tpu.memory_space<hbm>> -> memref<8x2048xf32, #tpu.memory_space<hbm>>
    %dma_wait3A_1079 = arith.constant 0 : i32
    %dma_wait3A_1080 = tpu.memref_slice %arg4[%add3A_1058, %dma_wait3A_1079] : memref<8192x2048xf32, #tpu.memory_space<hbm>> -> memref<8x2048xf32, #tpu.memory_space<hbm>>
    %dma_wait3A_1081 = arith.constant 0 : i32
    %dma_wait3A_1082 = arith.constant 0 : i32
    %dma_wait3A_1083 = tpu.memref_slice %arg6[%dma_wait3A_1072, %dma_wait3A_1081, %dma_wait3A_1082] : memref<6x8x2048xf32, #tpu.memory_space<vmem>> -> memref<1x8x2048xf32, #tpu.memory_space<vmem>>
    %dma_wait3A_1084 = tpu.memref_squeeze %dma_wait3A_1083 : memref<1x8x2048xf32, #tpu.memory_space<vmem>> -> memref<8x2048xf32, #tpu.memory_space<vmem>>
    tpu.wait_dma2 semaphore(%arg15 : memref<!tpu.dma_semaphore, #tpu.memory_space<semaphore_mem>>) src(%dma_wait3A_1084 : memref<8x2048xf32, #tpu.memory_space<vmem>>) dst(%dma_wait3A_1080 : memref<8x2048xf32, #tpu.memory_space<hbm>>)
    %dma_start3A_1085 = arith.constant 2 : i32
    %dma_start3A_1086 = arith.constant 0 : i32
    %dma_start3A_1087 = arith.constant 0 : i32
    %dma_start3A_1088 = tpu.memref_slice %arg6[%dma_start3A_1085, %dma_start3A_1086, %dma_start3A_1087] : memref<6x8x2048xf32, #tpu.memory_space<vmem>> -> memref<1x8x2048xf32, #tpu.memory_space<vmem>>
    %dma_start3A_1089 = tpu.memref_squeeze %dma_start3A_1088 : memref<1x8x2048xf32, #tpu.memory_space<vmem>> -> memref<8x2048xf32, #tpu.memory_space<vmem>>
    %dma_start3A_1090 = arith.constant 208 : i32
    %dma_start3A_1091 = tpu.memref_slice %arg5[%dma_start3A_1090] : memref<256xi32, #tpu.memory_space<vmem>> -> memref<8xi32, #tpu.memory_space<vmem>>
    %dma_start3A_1092 = arith.constant 0 : i32
    %dma_start3A_1093 = arith.constant 0 : i32
    %dma_start3A_1094 = tpu.memref_slice %arg3[%dma_start3A_1092, %dma_start3A_1093] : memref<100000x2048xf32, #tpu.memory_space<hbm>> -> memref<100000x2048xf32, #tpu.memory_space<hbm>>
    tpu.enqueue_indirect_dma source(%dma_start3A_1094 : memref<100000x2048xf32, #tpu.memory_space<hbm>>) target(%dma_start3A_1089 : memref<8x2048xf32, #tpu.memory_space<vmem>>) offsets(%dma_start3A_1091 : memref<8xi32, #tpu.memory_space<vmem>>) semaphore(%arg9 : memref<!tpu.dma_semaphore, #tpu.memory_space<semaphore_mem>>)
    %dma_wait3A_1095 = arith.constant 3 : i32
    %dma_wait3A_1096 = arith.constant 0 : i32
    %dma_wait3A_1097 = arith.constant 0 : i32
    %dma_wait3A_1098 = tpu.memref_slice %arg6[%dma_wait3A_1095, %dma_wait3A_1096, %dma_wait3A_1097] : memref<6x8x2048xf32, #tpu.memory_space<vmem>> -> memref<1x8x2048xf32, #tpu.memory_space<vmem>>
    %dma_wait3A_1099 = tpu.memref_squeeze %dma_wait3A_1098 : memref<1x8x2048xf32, #tpu.memory_space<vmem>> -> memref<8x2048xf32, #tpu.memory_space<vmem>>
    %dma_wait3A_1100 = arith.constant 168 : i32
    %dma_wait3A_1101 = tpu.memref_slice %arg5[%dma_wait3A_1100] : memref<256xi32, #tpu.memory_space<vmem>> -> memref<8xi32, #tpu.memory_space<vmem>>
    %dma_wait3A_1102 = arith.constant 0 : i32
    %dma_wait3A_1103 = arith.constant 0 : i32
    %dma_wait3A_1104 = tpu.memref_slice %arg3[%dma_wait3A_1102, %dma_wait3A_1103] : memref<100000x2048xf32, #tpu.memory_space<hbm>> -> memref<100000x2048xf32, #tpu.memory_space<hbm>>
    tpu.wait_indirect_dma semaphore(%arg10 : memref<!tpu.dma_semaphore, #tpu.memory_space<semaphore_mem>>) src(%dma_wait3A_1104 : memref<100000x2048xf32, #tpu.memory_space<hbm>>) dst(%dma_wait3A_1099 : memref<8x2048xf32, #tpu.memory_space<vmem>>)
    %add3A_1105 = arith.constant 168 : i32
    %add3A_1106 = arith.addi %mul3A_2, %add3A_1105 : i32
    %dma_start3A_1107 = arith.constant 3 : i32
    %dma_start3A_1108 = arith.constant 0 : i32
    %dma_start3A_1109 = arith.constant 0 : i32
    %dma_start3A_1110 = tpu.memref_slice %arg6[%dma_start3A_1107, %dma_start3A_1108, %dma_start3A_1109] : memref<6x8x2048xf32, #tpu.memory_space<vmem>> -> memref<1x8x2048xf32, #tpu.memory_space<vmem>>
    %dma_start3A_1111 = tpu.memref_squeeze %dma_start3A_1110 : memref<1x8x2048xf32, #tpu.memory_space<vmem>> -> memref<8x2048xf32, #tpu.memory_space<vmem>>
    %dma_start3A_1112 = arith.constant 0 : i32
    %dma_start3A_1113 = tpu.memref_slice %arg4[%add3A_1106, %dma_start3A_1112] : memref<8192x2048xf32, #tpu.memory_space<hbm>> -> memref<8x2048xf32, #tpu.memory_space<hbm>>
    %dma_start3A_1114 = arith.constant 0 : i32
    %dma_start3A_1115 = tpu.memref_slice %arg4[%add3A_1106, %dma_start3A_1114] : memref<8192x2048xf32, #tpu.memory_space<hbm>> -> memref<8x2048xf32, #tpu.memory_space<hbm>>
    %dma_start3A_1116 = arith.constant 0 : i32
    %dma_start3A_1117 = arith.constant 0 : i32
    %dma_start3A_1118 = tpu.memref_slice %arg6[%dma_start3A_1107, %dma_start3A_1116, %dma_start3A_1117] : memref<6x8x2048xf32, #tpu.memory_space<vmem>> -> memref<1x8x2048xf32, #tpu.memory_space<vmem>>
    %dma_start3A_1119 = tpu.memref_squeeze %dma_start3A_1118 : memref<1x8x2048xf32, #tpu.memory_space<vmem>> -> memref<8x2048xf32, #tpu.memory_space<vmem>>
    tpu.enqueue_dma source(%dma_start3A_1119 : memref<8x2048xf32, #tpu.memory_space<vmem>>) target(%dma_start3A_1115 : memref<8x2048xf32, #tpu.memory_space<hbm>>) target_semaphore(%arg16 : memref<!tpu.dma_semaphore, #tpu.memory_space<semaphore_mem>>)
    %dma_wait3A_1120 = arith.constant 3 : i32
    %dma_wait3A_1121 = arith.constant 0 : i32
    %dma_wait3A_1122 = arith.constant 0 : i32
    %dma_wait3A_1123 = tpu.memref_slice %arg6[%dma_wait3A_1120, %dma_wait3A_1121, %dma_wait3A_1122] : memref<6x8x2048xf32, #tpu.memory_space<vmem>> -> memref<1x8x2048xf32, #tpu.memory_space<vmem>>
    %dma_wait3A_1124 = tpu.memref_squeeze %dma_wait3A_1123 : memref<1x8x2048xf32, #tpu.memory_space<vmem>> -> memref<8x2048xf32, #tpu.memory_space<vmem>>
    %dma_wait3A_1125 = arith.constant 0 : i32
    %dma_wait3A_1126 = tpu.memref_slice %arg4[%add3A_1106, %dma_wait3A_1125] : memref<8192x2048xf32, #tpu.memory_space<hbm>> -> memref<8x2048xf32, #tpu.memory_space<hbm>>
    %dma_wait3A_1127 = arith.constant 0 : i32
    %dma_wait3A_1128 = tpu.memref_slice %arg4[%add3A_1106, %dma_wait3A_1127] : memref<8192x2048xf32, #tpu.memory_space<hbm>> -> memref<8x2048xf32, #tpu.memory_space<hbm>>
    %dma_wait3A_1129 = arith.constant 0 : i32
    %dma_wait3A_1130 = arith.constant 0 : i32
    %dma_wait3A_1131 = tpu.memref_slice %arg6[%dma_wait3A_1120, %dma_wait3A_1129, %dma_wait3A_1130] : memref<6x8x2048xf32, #tpu.memory_space<vmem>> -> memref<1x8x2048xf32, #tpu.memory_space<vmem>>
    %dma_wait3A_1132 = tpu.memref_squeeze %dma_wait3A_1131 : memref<1x8x2048xf32, #tpu.memory_space<vmem>> -> memref<8x2048xf32, #tpu.memory_space<vmem>>
    tpu.wait_dma2 semaphore(%arg16 : memref<!tpu.dma_semaphore, #tpu.memory_space<semaphore_mem>>) src(%dma_wait3A_1132 : memref<8x2048xf32, #tpu.memory_space<vmem>>) dst(%dma_wait3A_1128 : memref<8x2048xf32, #tpu.memory_space<hbm>>)
    %dma_start3A_1133 = arith.constant 3 : i32
    %dma_start3A_1134 = arith.constant 0 : i32
    %dma_start3A_1135 = arith.constant 0 : i32
    %dma_start3A_1136 = tpu.memref_slice %arg6[%dma_start3A_1133, %dma_start3A_1134, %dma_start3A_1135] : memref<6x8x2048xf32, #tpu.memory_space<vmem>> -> memref<1x8x2048xf32, #tpu.memory_space<vmem>>
    %dma_start3A_1137 = tpu.memref_squeeze %dma_start3A_1136 : memref<1x8x2048xf32, #tpu.memory_space<vmem>> -> memref<8x2048xf32, #tpu.memory_space<vmem>>
    %dma_start3A_1138 = arith.constant 216 : i32
    %dma_start3A_1139 = tpu.memref_slice %arg5[%dma_start3A_1138] : memref<256xi32, #tpu.memory_space<vmem>> -> memref<8xi32, #tpu.memory_space<vmem>>
    %dma_start3A_1140 = arith.constant 0 : i32
    %dma_start3A_1141 = arith.constant 0 : i32
    %dma_start3A_1142 = tpu.memref_slice %arg3[%dma_start3A_1140, %dma_start3A_1141] : memref<100000x2048xf32, #tpu.memory_space<hbm>> -> memref<100000x2048xf32, #tpu.memory_space<hbm>>
    tpu.enqueue_indirect_dma source(%dma_start3A_1142 : memref<100000x2048xf32, #tpu.memory_space<hbm>>) target(%dma_start3A_1137 : memref<8x2048xf32, #tpu.memory_space<vmem>>) offsets(%dma_start3A_1139 : memref<8xi32, #tpu.memory_space<vmem>>) semaphore(%arg10 : memref<!tpu.dma_semaphore, #tpu.memory_space<semaphore_mem>>)
    %dma_wait3A_1143 = arith.constant 4 : i32
    %dma_wait3A_1144 = arith.constant 0 : i32
    %dma_wait3A_1145 = arith.constant 0 : i32
    %dma_wait3A_1146 = tpu.memref_slice %arg6[%dma_wait3A_1143, %dma_wait3A_1144, %dma_wait3A_1145] : memref<6x8x2048xf32, #tpu.memory_space<vmem>> -> memref<1x8x2048xf32, #tpu.memory_space<vmem>>
    %dma_wait3A_1147 = tpu.memref_squeeze %dma_wait3A_1146 : memref<1x8x2048xf32, #tpu.memory_space<vmem>> -> memref<8x2048xf32, #tpu.memory_space<vmem>>
    %dma_wait3A_1148 = arith.constant 176 : i32
    %dma_wait3A_1149 = tpu.memref_slice %arg5[%dma_wait3A_1148] : memref<256xi32, #tpu.memory_space<vmem>> -> memref<8xi32, #tpu.memory_space<vmem>>
    %dma_wait3A_1150 = arith.constant 0 : i32
    %dma_wait3A_1151 = arith.constant 0 : i32
    %dma_wait3A_1152 = tpu.memref_slice %arg3[%dma_wait3A_1150, %dma_wait3A_1151] : memref<100000x2048xf32, #tpu.memory_space<hbm>> -> memref<100000x2048xf32, #tpu.memory_space<hbm>>
    tpu.wait_indirect_dma semaphore(%arg11 : memref<!tpu.dma_semaphore, #tpu.memory_space<semaphore_mem>>) src(%dma_wait3A_1152 : memref<100000x2048xf32, #tpu.memory_space<hbm>>) dst(%dma_wait3A_1147 : memref<8x2048xf32, #tpu.memory_space<vmem>>)
    %add3A_1153 = arith.constant 176 : i32
    %add3A_1154 = arith.addi %mul3A_2, %add3A_1153 : i32
    %dma_start3A_1155 = arith.constant 4 : i32
    %dma_start3A_1156 = arith.constant 0 : i32
    %dma_start3A_1157 = arith.constant 0 : i32
    %dma_start3A_1158 = tpu.memref_slice %arg6[%dma_start3A_1155, %dma_start3A_1156, %dma_start3A_1157] : memref<6x8x2048xf32, #tpu.memory_space<vmem>> -> memref<1x8x2048xf32, #tpu.memory_space<vmem>>
    %dma_start3A_1159 = tpu.memref_squeeze %dma_start3A_1158 : memref<1x8x2048xf32, #tpu.memory_space<vmem>> -> memref<8x2048xf32, #tpu.memory_space<vmem>>
    %dma_start3A_1160 = arith.constant 0 : i32
    %dma_start3A_1161 = tpu.memref_slice %arg4[%add3A_1154, %dma_start3A_1160] : memref<8192x2048xf32, #tpu.memory_space<hbm>> -> memref<8x2048xf32, #tpu.memory_space<hbm>>
    %dma_start3A_1162 = arith.constant 0 : i32
    %dma_start3A_1163 = tpu.memref_slice %arg4[%add3A_1154, %dma_start3A_1162] : memref<8192x2048xf32, #tpu.memory_space<hbm>> -> memref<8x2048xf32, #tpu.memory_space<hbm>>
    %dma_start3A_1164 = arith.constant 0 : i32
    %dma_start3A_1165 = arith.constant 0 : i32
    %dma_start3A_1166 = tpu.memref_slice %arg6[%dma_start3A_1155, %dma_start3A_1164, %dma_start3A_1165] : memref<6x8x2048xf32, #tpu.memory_space<vmem>> -> memref<1x8x2048xf32, #tpu.memory_space<vmem>>
    %dma_start3A_1167 = tpu.memref_squeeze %dma_start3A_1166 : memref<1x8x2048xf32, #tpu.memory_space<vmem>> -> memref<8x2048xf32, #tpu.memory_space<vmem>>
    tpu.enqueue_dma source(%dma_start3A_1167 : memref<8x2048xf32, #tpu.memory_space<vmem>>) target(%dma_start3A_1163 : memref<8x2048xf32, #tpu.memory_space<hbm>>) target_semaphore(%arg17 : memref<!tpu.dma_semaphore, #tpu.memory_space<semaphore_mem>>)
    %dma_wait3A_1168 = arith.constant 4 : i32
    %dma_wait3A_1169 = arith.constant 0 : i32
    %dma_wait3A_1170 = arith.constant 0 : i32
    %dma_wait3A_1171 = tpu.memref_slice %arg6[%dma_wait3A_1168, %dma_wait3A_1169, %dma_wait3A_1170] : memref<6x8x2048xf32, #tpu.memory_space<vmem>> -> memref<1x8x2048xf32, #tpu.memory_space<vmem>>
    %dma_wait3A_1172 = tpu.memref_squeeze %dma_wait3A_1171 : memref<1x8x2048xf32, #tpu.memory_space<vmem>> -> memref<8x2048xf32, #tpu.memory_space<vmem>>
    %dma_wait3A_1173 = arith.constant 0 : i32
    %dma_wait3A_1174 = tpu.memref_slice %arg4[%add3A_1154, %dma_wait3A_1173] : memref<8192x2048xf32, #tpu.memory_space<hbm>> -> memref<8x2048xf32, #tpu.memory_space<hbm>>
    %dma_wait3A_1175 = arith.constant 0 : i32
    %dma_wait3A_1176 = tpu.memref_slice %arg4[%add3A_1154, %dma_wait3A_1175] : memref<8192x2048xf32, #tpu.memory_space<hbm>> -> memref<8x2048xf32, #tpu.memory_space<hbm>>
    %dma_wait3A_1177 = arith.constant 0 : i32
    %dma_wait3A_1178 = arith.constant 0 : i32
    %dma_wait3A_1179 = tpu.memref_slice %arg6[%dma_wait3A_1168, %dma_wait3A_1177, %dma_wait3A_1178] : memref<6x8x2048xf32, #tpu.memory_space<vmem>> -> memref<1x8x2048xf32, #tpu.memory_space<vmem>>
    %dma_wait3A_1180 = tpu.memref_squeeze %dma_wait3A_1179 : memref<1x8x2048xf32, #tpu.memory_space<vmem>> -> memref<8x2048xf32, #tpu.memory_space<vmem>>
    tpu.wait_dma2 semaphore(%arg17 : memref<!tpu.dma_semaphore, #tpu.memory_space<semaphore_mem>>) src(%dma_wait3A_1180 : memref<8x2048xf32, #tpu.memory_space<vmem>>) dst(%dma_wait3A_1176 : memref<8x2048xf32, #tpu.memory_space<hbm>>)
    %dma_start3A_1181 = arith.constant 4 : i32
    %dma_start3A_1182 = arith.constant 0 : i32
    %dma_start3A_1183 = arith.constant 0 : i32
    %dma_start3A_1184 = tpu.memref_slice %arg6[%dma_start3A_1181, %dma_start3A_1182, %dma_start3A_1183] : memref<6x8x2048xf32, #tpu.memory_space<vmem>> -> memref<1x8x2048xf32, #tpu.memory_space<vmem>>
    %dma_start3A_1185 = tpu.memref_squeeze %dma_start3A_1184 : memref<1x8x2048xf32, #tpu.memory_space<vmem>> -> memref<8x2048xf32, #tpu.memory_space<vmem>>
    %dma_start3A_1186 = arith.constant 224 : i32
    %dma_start3A_1187 = tpu.memref_slice %arg5[%dma_start3A_1186] : memref<256xi32, #tpu.memory_space<vmem>> -> memref<8xi32, #tpu.memory_space<vmem>>
    %dma_start3A_1188 = arith.constant 0 : i32
    %dma_start3A_1189 = arith.constant 0 : i32
    %dma_start3A_1190 = tpu.memref_slice %arg3[%dma_start3A_1188, %dma_start3A_1189] : memref<100000x2048xf32, #tpu.memory_space<hbm>> -> memref<100000x2048xf32, #tpu.memory_space<hbm>>
    tpu.enqueue_indirect_dma source(%dma_start3A_1190 : memref<100000x2048xf32, #tpu.memory_space<hbm>>) target(%dma_start3A_1185 : memref<8x2048xf32, #tpu.memory_space<vmem>>) offsets(%dma_start3A_1187 : memref<8xi32, #tpu.memory_space<vmem>>) semaphore(%arg11 : memref<!tpu.dma_semaphore, #tpu.memory_space<semaphore_mem>>)
    %dma_wait3A_1191 = arith.constant 5 : i32
    %dma_wait3A_1192 = arith.constant 0 : i32
    %dma_wait3A_1193 = arith.constant 0 : i32
    %dma_wait3A_1194 = tpu.memref_slice %arg6[%dma_wait3A_1191, %dma_wait3A_1192, %dma_wait3A_1193] : memref<6x8x2048xf32, #tpu.memory_space<vmem>> -> memref<1x8x2048xf32, #tpu.memory_space<vmem>>
    %dma_wait3A_1195 = tpu.memref_squeeze %dma_wait3A_1194 : memref<1x8x2048xf32, #tpu.memory_space<vmem>> -> memref<8x2048xf32, #tpu.memory_space<vmem>>
    %dma_wait3A_1196 = arith.constant 184 : i32
    %dma_wait3A_1197 = tpu.memref_slice %arg5[%dma_wait3A_1196] : memref<256xi32, #tpu.memory_space<vmem>> -> memref<8xi32, #tpu.memory_space<vmem>>
    %dma_wait3A_1198 = arith.constant 0 : i32
    %dma_wait3A_1199 = arith.constant 0 : i32
    %dma_wait3A_1200 = tpu.memref_slice %arg3[%dma_wait3A_1198, %dma_wait3A_1199] : memref<100000x2048xf32, #tpu.memory_space<hbm>> -> memref<100000x2048xf32, #tpu.memory_space<hbm>>
    tpu.wait_indirect_dma semaphore(%arg12 : memref<!tpu.dma_semaphore, #tpu.memory_space<semaphore_mem>>) src(%dma_wait3A_1200 : memref<100000x2048xf32, #tpu.memory_space<hbm>>) dst(%dma_wait3A_1195 : memref<8x2048xf32, #tpu.memory_space<vmem>>)
    %add3A_1201 = arith.constant 184 : i32
    %add3A_1202 = arith.addi %mul3A_2, %add3A_1201 : i32
    %dma_start3A_1203 = arith.constant 5 : i32
    %dma_start3A_1204 = arith.constant 0 : i32
    %dma_start3A_1205 = arith.constant 0 : i32
    %dma_start3A_1206 = tpu.memref_slice %arg6[%dma_start3A_1203, %dma_start3A_1204, %dma_start3A_1205] : memref<6x8x2048xf32, #tpu.memory_space<vmem>> -> memref<1x8x2048xf32, #tpu.memory_space<vmem>>
    %dma_start3A_1207 = tpu.memref_squeeze %dma_start3A_1206 : memref<1x8x2048xf32, #tpu.memory_space<vmem>> -> memref<8x2048xf32, #tpu.memory_space<vmem>>
    %dma_start3A_1208 = arith.constant 0 : i32
    %dma_start3A_1209 = tpu.memref_slice %arg4[%add3A_1202, %dma_start3A_1208] : memref<8192x2048xf32, #tpu.memory_space<hbm>> -> memref<8x2048xf32, #tpu.memory_space<hbm>>
    %dma_start3A_1210 = arith.constant 0 : i32
    %dma_start3A_1211 = tpu.memref_slice %arg4[%add3A_1202, %dma_start3A_1210] : memref<8192x2048xf32, #tpu.memory_space<hbm>> -> memref<8x2048xf32, #tpu.memory_space<hbm>>
    %dma_start3A_1212 = arith.constant 0 : i32
    %dma_start3A_1213 = arith.constant 0 : i32
    %dma_start3A_1214 = tpu.memref_slice %arg6[%dma_start3A_1203, %dma_start3A_1212, %dma_start3A_1213] : memref<6x8x2048xf32, #tpu.memory_space<vmem>> -> memref<1x8x2048xf32, #tpu.memory_space<vmem>>
    %dma_start3A_1215 = tpu.memref_squeeze %dma_start3A_1214 : memref<1x8x2048xf32, #tpu.memory_space<vmem>> -> memref<8x2048xf32, #tpu.memory_space<vmem>>
    tpu.enqueue_dma source(%dma_start3A_1215 : memref<8x2048xf32, #tpu.memory_space<vmem>>) target(%dma_start3A_1211 : memref<8x2048xf32, #tpu.memory_space<hbm>>) target_semaphore(%arg18 : memref<!tpu.dma_semaphore, #tpu.memory_space<semaphore_mem>>)
    %dma_wait3A_1216 = arith.constant 5 : i32
    %dma_wait3A_1217 = arith.constant 0 : i32
    %dma_wait3A_1218 = arith.constant 0 : i32
    %dma_wait3A_1219 = tpu.memref_slice %arg6[%dma_wait3A_1216, %dma_wait3A_1217, %dma_wait3A_1218] : memref<6x8x2048xf32, #tpu.memory_space<vmem>> -> memref<1x8x2048xf32, #tpu.memory_space<vmem>>
    %dma_wait3A_1220 = tpu.memref_squeeze %dma_wait3A_1219 : memref<1x8x2048xf32, #tpu.memory_space<vmem>> -> memref<8x2048xf32, #tpu.memory_space<vmem>>
    %dma_wait3A_1221 = arith.constant 0 : i32
    %dma_wait3A_1222 = tpu.memref_slice %arg4[%add3A_1202, %dma_wait3A_1221] : memref<8192x2048xf32, #tpu.memory_space<hbm>> -> memref<8x2048xf32, #tpu.memory_space<hbm>>
    %dma_wait3A_1223 = arith.constant 0 : i32
    %dma_wait3A_1224 = tpu.memref_slice %arg4[%add3A_1202, %dma_wait3A_1223] : memref<8192x2048xf32, #tpu.memory_space<hbm>> -> memref<8x2048xf32, #tpu.memory_space<hbm>>
    %dma_wait3A_1225 = arith.constant 0 : i32
    %dma_wait3A_1226 = arith.constant 0 : i32
    %dma_wait3A_1227 = tpu.memref_slice %arg6[%dma_wait3A_1216, %dma_wait3A_1225, %dma_wait3A_1226] : memref<6x8x2048xf32, #tpu.memory_space<vmem>> -> memref<1x8x2048xf32, #tpu.memory_space<vmem>>
    %dma_wait3A_1228 = tpu.memref_squeeze %dma_wait3A_1227 : memref<1x8x2048xf32, #tpu.memory_space<vmem>> -> memref<8x2048xf32, #tpu.memory_space<vmem>>
    tpu.wait_dma2 semaphore(%arg18 : memref<!tpu.dma_semaphore, #tpu.memory_space<semaphore_mem>>) src(%dma_wait3A_1228 : memref<8x2048xf32, #tpu.memory_space<vmem>>) dst(%dma_wait3A_1224 : memref<8x2048xf32, #tpu.memory_space<hbm>>)
    %dma_start3A_1229 = arith.constant 5 : i32
    %dma_start3A_1230 = arith.constant 0 : i32
    %dma_start3A_1231 = arith.constant 0 : i32
    %dma_start3A_1232 = tpu.memref_slice %arg6[%dma_start3A_1229, %dma_start3A_1230, %dma_start3A_1231] : memref<6x8x2048xf32, #tpu.memory_space<vmem>> -> memref<1x8x2048xf32, #tpu.memory_space<vmem>>
    %dma_start3A_1233 = tpu.memref_squeeze %dma_start3A_1232 : memref<1x8x2048xf32, #tpu.memory_space<vmem>> -> memref<8x2048xf32, #tpu.memory_space<vmem>>
    %dma_start3A_1234 = arith.constant 232 : i32
    %dma_start3A_1235 = tpu.memref_slice %arg5[%dma_start3A_1234] : memref<256xi32, #tpu.memory_space<vmem>> -> memref<8xi32, #tpu.memory_space<vmem>>
    %dma_start3A_1236 = arith.constant 0 : i32
    %dma_start3A_1237 = arith.constant 0 : i32
    %dma_start3A_1238 = tpu.memref_slice %arg3[%dma_start3A_1236, %dma_start3A_1237] : memref<100000x2048xf32, #tpu.memory_space<hbm>> -> memref<100000x2048xf32, #tpu.memory_space<hbm>>
    tpu.enqueue_indirect_dma source(%dma_start3A_1238 : memref<100000x2048xf32, #tpu.memory_space<hbm>>) target(%dma_start3A_1233 : memref<8x2048xf32, #tpu.memory_space<vmem>>) offsets(%dma_start3A_1235 : memref<8xi32, #tpu.memory_space<vmem>>) semaphore(%arg12 : memref<!tpu.dma_semaphore, #tpu.memory_space<semaphore_mem>>)
    %dma_wait3A_1239 = arith.constant 0 : i32
    %dma_wait3A_1240 = arith.constant 0 : i32
    %dma_wait3A_1241 = arith.constant 0 : i32
    %dma_wait3A_1242 = tpu.memref_slice %arg6[%dma_wait3A_1239, %dma_wait3A_1240, %dma_wait3A_1241] : memref<6x8x2048xf32, #tpu.memory_space<vmem>> -> memref<1x8x2048xf32, #tpu.memory_space<vmem>>
    %dma_wait3A_1243 = tpu.memref_squeeze %dma_wait3A_1242 : memref<1x8x2048xf32, #tpu.memory_space<vmem>> -> memref<8x2048xf32, #tpu.memory_space<vmem>>
    %dma_wait3A_1244 = arith.constant 192 : i32
    %dma_wait3A_1245 = tpu.memref_slice %arg5[%dma_wait3A_1244] : memref<256xi32, #tpu.memory_space<vmem>> -> memref<8xi32, #tpu.memory_space<vmem>>
    %dma_wait3A_1246 = arith.constant 0 : i32
    %dma_wait3A_1247 = arith.constant 0 : i32
    %dma_wait3A_1248 = tpu.memref_slice %arg3[%dma_wait3A_1246, %dma_wait3A_1247] : memref<100000x2048xf32, #tpu.memory_space<hbm>> -> memref<100000x2048xf32, #tpu.memory_space<hbm>>
    tpu.wait_indirect_dma semaphore(%arg7 : memref<!tpu.dma_semaphore, #tpu.memory_space<semaphore_mem>>) src(%dma_wait3A_1248 : memref<100000x2048xf32, #tpu.memory_space<hbm>>) dst(%dma_wait3A_1243 : memref<8x2048xf32, #tpu.memory_space<vmem>>)
    %add3A_1249 = arith.constant 192 : i32
    %add3A_1250 = arith.addi %mul3A_2, %add3A_1249 : i32
    %dma_start3A_1251 = arith.constant 0 : i32
    %dma_start3A_1252 = arith.constant 0 : i32
    %dma_start3A_1253 = arith.constant 0 : i32
    %dma_start3A_1254 = tpu.memref_slice %arg6[%dma_start3A_1251, %dma_start3A_1252, %dma_start3A_1253] : memref<6x8x2048xf32, #tpu.memory_space<vmem>> -> memref<1x8x2048xf32, #tpu.memory_space<vmem>>
    %dma_start3A_1255 = tpu.memref_squeeze %dma_start3A_1254 : memref<1x8x2048xf32, #tpu.memory_space<vmem>> -> memref<8x2048xf32, #tpu.memory_space<vmem>>
    %dma_start3A_1256 = arith.constant 0 : i32
    %dma_start3A_1257 = tpu.memref_slice %arg4[%add3A_1250, %dma_start3A_1256] : memref<8192x2048xf32, #tpu.memory_space<hbm>> -> memref<8x2048xf32, #tpu.memory_space<hbm>>
    %dma_start3A_1258 = arith.constant 0 : i32
    %dma_start3A_1259 = tpu.memref_slice %arg4[%add3A_1250, %dma_start3A_1258] : memref<8192x2048xf32, #tpu.memory_space<hbm>> -> memref<8x2048xf32, #tpu.memory_space<hbm>>
    %dma_start3A_1260 = arith.constant 0 : i32
    %dma_start3A_1261 = arith.constant 0 : i32
    %dma_start3A_1262 = tpu.memref_slice %arg6[%dma_start3A_1251, %dma_start3A_1260, %dma_start3A_1261] : memref<6x8x2048xf32, #tpu.memory_space<vmem>> -> memref<1x8x2048xf32, #tpu.memory_space<vmem>>
    %dma_start3A_1263 = tpu.memref_squeeze %dma_start3A_1262 : memref<1x8x2048xf32, #tpu.memory_space<vmem>> -> memref<8x2048xf32, #tpu.memory_space<vmem>>
    tpu.enqueue_dma source(%dma_start3A_1263 : memref<8x2048xf32, #tpu.memory_space<vmem>>) target(%dma_start3A_1259 : memref<8x2048xf32, #tpu.memory_space<hbm>>) target_semaphore(%arg13 : memref<!tpu.dma_semaphore, #tpu.memory_space<semaphore_mem>>)
    %dma_wait3A_1264 = arith.constant 0 : i32
    %dma_wait3A_1265 = arith.constant 0 : i32
    %dma_wait3A_1266 = arith.constant 0 : i32
    %dma_wait3A_1267 = tpu.memref_slice %arg6[%dma_wait3A_1264, %dma_wait3A_1265, %dma_wait3A_1266] : memref<6x8x2048xf32, #tpu.memory_space<vmem>> -> memref<1x8x2048xf32, #tpu.memory_space<vmem>>
    %dma_wait3A_1268 = tpu.memref_squeeze %dma_wait3A_1267 : memref<1x8x2048xf32, #tpu.memory_space<vmem>> -> memref<8x2048xf32, #tpu.memory_space<vmem>>
    %dma_wait3A_1269 = arith.constant 0 : i32
    %dma_wait3A_1270 = tpu.memref_slice %arg4[%add3A_1250, %dma_wait3A_1269] : memref<8192x2048xf32, #tpu.memory_space<hbm>> -> memref<8x2048xf32, #tpu.memory_space<hbm>>
    %dma_wait3A_1271 = arith.constant 0 : i32
    %dma_wait3A_1272 = tpu.memref_slice %arg4[%add3A_1250, %dma_wait3A_1271] : memref<8192x2048xf32, #tpu.memory_space<hbm>> -> memref<8x2048xf32, #tpu.memory_space<hbm>>
    %dma_wait3A_1273 = arith.constant 0 : i32
    %dma_wait3A_1274 = arith.constant 0 : i32
    %dma_wait3A_1275 = tpu.memref_slice %arg6[%dma_wait3A_1264, %dma_wait3A_1273, %dma_wait3A_1274] : memref<6x8x2048xf32, #tpu.memory_space<vmem>> -> memref<1x8x2048xf32, #tpu.memory_space<vmem>>
    %dma_wait3A_1276 = tpu.memref_squeeze %dma_wait3A_1275 : memref<1x8x2048xf32, #tpu.memory_space<vmem>> -> memref<8x2048xf32, #tpu.memory_space<vmem>>
    tpu.wait_dma2 semaphore(%arg13 : memref<!tpu.dma_semaphore, #tpu.memory_space<semaphore_mem>>) src(%dma_wait3A_1276 : memref<8x2048xf32, #tpu.memory_space<vmem>>) dst(%dma_wait3A_1272 : memref<8x2048xf32, #tpu.memory_space<hbm>>)
    %dma_start3A_1277 = arith.constant 0 : i32
    %dma_start3A_1278 = arith.constant 0 : i32
    %dma_start3A_1279 = arith.constant 0 : i32
    %dma_start3A_1280 = tpu.memref_slice %arg6[%dma_start3A_1277, %dma_start3A_1278, %dma_start3A_1279] : memref<6x8x2048xf32, #tpu.memory_space<vmem>> -> memref<1x8x2048xf32, #tpu.memory_space<vmem>>
    %dma_start3A_1281 = tpu.memref_squeeze %dma_start3A_1280 : memref<1x8x2048xf32, #tpu.memory_space<vmem>> -> memref<8x2048xf32, #tpu.memory_space<vmem>>
    %dma_start3A_1282 = arith.constant 240 : i32
    %dma_start3A_1283 = tpu.memref_slice %arg5[%dma_start3A_1282] : memref<256xi32, #tpu.memory_space<vmem>> -> memref<8xi32, #tpu.memory_space<vmem>>
    %dma_start3A_1284 = arith.constant 0 : i32
    %dma_start3A_1285 = arith.constant 0 : i32
    %dma_start3A_1286 = tpu.memref_slice %arg3[%dma_start3A_1284, %dma_start3A_1285] : memref<100000x2048xf32, #tpu.memory_space<hbm>> -> memref<100000x2048xf32, #tpu.memory_space<hbm>>
    tpu.enqueue_indirect_dma source(%dma_start3A_1286 : memref<100000x2048xf32, #tpu.memory_space<hbm>>) target(%dma_start3A_1281 : memref<8x2048xf32, #tpu.memory_space<vmem>>) offsets(%dma_start3A_1283 : memref<8xi32, #tpu.memory_space<vmem>>) semaphore(%arg7 : memref<!tpu.dma_semaphore, #tpu.memory_space<semaphore_mem>>)
    %dma_wait3A_1287 = arith.constant 1 : i32
    %dma_wait3A_1288 = arith.constant 0 : i32
    %dma_wait3A_1289 = arith.constant 0 : i32
    %dma_wait3A_1290 = tpu.memref_slice %arg6[%dma_wait3A_1287, %dma_wait3A_1288, %dma_wait3A_1289] : memref<6x8x2048xf32, #tpu.memory_space<vmem>> -> memref<1x8x2048xf32, #tpu.memory_space<vmem>>
    %dma_wait3A_1291 = tpu.memref_squeeze %dma_wait3A_1290 : memref<1x8x2048xf32, #tpu.memory_space<vmem>> -> memref<8x2048xf32, #tpu.memory_space<vmem>>
    %dma_wait3A_1292 = arith.constant 200 : i32
    %dma_wait3A_1293 = tpu.memref_slice %arg5[%dma_wait3A_1292] : memref<256xi32, #tpu.memory_space<vmem>> -> memref<8xi32, #tpu.memory_space<vmem>>
    %dma_wait3A_1294 = arith.constant 0 : i32
    %dma_wait3A_1295 = arith.constant 0 : i32
    %dma_wait3A_1296 = tpu.memref_slice %arg3[%dma_wait3A_1294, %dma_wait3A_1295] : memref<100000x2048xf32, #tpu.memory_space<hbm>> -> memref<100000x2048xf32, #tpu.memory_space<hbm>>
    tpu.wait_indirect_dma semaphore(%arg8 : memref<!tpu.dma_semaphore, #tpu.memory_space<semaphore_mem>>) src(%dma_wait3A_1296 : memref<100000x2048xf32, #tpu.memory_space<hbm>>) dst(%dma_wait3A_1291 : memref<8x2048xf32, #tpu.memory_space<vmem>>)
    %add3A_1297 = arith.constant 200 : i32
    %add3A_1298 = arith.addi %mul3A_2, %add3A_1297 : i32
    %dma_start3A_1299 = arith.constant 1 : i32
    %dma_start3A_1300 = arith.constant 0 : i32
    %dma_start3A_1301 = arith.constant 0 : i32
    %dma_start3A_1302 = tpu.memref_slice %arg6[%dma_start3A_1299, %dma_start3A_1300, %dma_start3A_1301] : memref<6x8x2048xf32, #tpu.memory_space<vmem>> -> memref<1x8x2048xf32, #tpu.memory_space<vmem>>
    %dma_start3A_1303 = tpu.memref_squeeze %dma_start3A_1302 : memref<1x8x2048xf32, #tpu.memory_space<vmem>> -> memref<8x2048xf32, #tpu.memory_space<vmem>>
    %dma_start3A_1304 = arith.constant 0 : i32
    %dma_start3A_1305 = tpu.memref_slice %arg4[%add3A_1298, %dma_start3A_1304] : memref<8192x2048xf32, #tpu.memory_space<hbm>> -> memref<8x2048xf32, #tpu.memory_space<hbm>>
    %dma_start3A_1306 = arith.constant 0 : i32
    %dma_start3A_1307 = tpu.memref_slice %arg4[%add3A_1298, %dma_start3A_1306] : memref<8192x2048xf32, #tpu.memory_space<hbm>> -> memref<8x2048xf32, #tpu.memory_space<hbm>>
    %dma_start3A_1308 = arith.constant 0 : i32
    %dma_start3A_1309 = arith.constant 0 : i32
    %dma_start3A_1310 = tpu.memref_slice %arg6[%dma_start3A_1299, %dma_start3A_1308, %dma_start3A_1309] : memref<6x8x2048xf32, #tpu.memory_space<vmem>> -> memref<1x8x2048xf32, #tpu.memory_space<vmem>>
    %dma_start3A_1311 = tpu.memref_squeeze %dma_start3A_1310 : memref<1x8x2048xf32, #tpu.memory_space<vmem>> -> memref<8x2048xf32, #tpu.memory_space<vmem>>
    tpu.enqueue_dma source(%dma_start3A_1311 : memref<8x2048xf32, #tpu.memory_space<vmem>>) target(%dma_start3A_1307 : memref<8x2048xf32, #tpu.memory_space<hbm>>) target_semaphore(%arg14 : memref<!tpu.dma_semaphore, #tpu.memory_space<semaphore_mem>>)
    %dma_wait3A_1312 = arith.constant 1 : i32
    %dma_wait3A_1313 = arith.constant 0 : i32
    %dma_wait3A_1314 = arith.constant 0 : i32
    %dma_wait3A_1315 = tpu.memref_slice %arg6[%dma_wait3A_1312, %dma_wait3A_1313, %dma_wait3A_1314] : memref<6x8x2048xf32, #tpu.memory_space<vmem>> -> memref<1x8x2048xf32, #tpu.memory_space<vmem>>
    %dma_wait3A_1316 = tpu.memref_squeeze %dma_wait3A_1315 : memref<1x8x2048xf32, #tpu.memory_space<vmem>> -> memref<8x2048xf32, #tpu.memory_space<vmem>>
    %dma_wait3A_1317 = arith.constant 0 : i32
    %dma_wait3A_1318 = tpu.memref_slice %arg4[%add3A_1298, %dma_wait3A_1317] : memref<8192x2048xf32, #tpu.memory_space<hbm>> -> memref<8x2048xf32, #tpu.memory_space<hbm>>
    %dma_wait3A_1319 = arith.constant 0 : i32
    %dma_wait3A_1320 = tpu.memref_slice %arg4[%add3A_1298, %dma_wait3A_1319] : memref<8192x2048xf32, #tpu.memory_space<hbm>> -> memref<8x2048xf32, #tpu.memory_space<hbm>>
    %dma_wait3A_1321 = arith.constant 0 : i32
    %dma_wait3A_1322 = arith.constant 0 : i32
    %dma_wait3A_1323 = tpu.memref_slice %arg6[%dma_wait3A_1312, %dma_wait3A_1321, %dma_wait3A_1322] : memref<6x8x2048xf32, #tpu.memory_space<vmem>> -> memref<1x8x2048xf32, #tpu.memory_space<vmem>>
    %dma_wait3A_1324 = tpu.memref_squeeze %dma_wait3A_1323 : memref<1x8x2048xf32, #tpu.memory_space<vmem>> -> memref<8x2048xf32, #tpu.memory_space<vmem>>
    tpu.wait_dma2 semaphore(%arg14 : memref<!tpu.dma_semaphore, #tpu.memory_space<semaphore_mem>>) src(%dma_wait3A_1324 : memref<8x2048xf32, #tpu.memory_space<vmem>>) dst(%dma_wait3A_1320 : memref<8x2048xf32, #tpu.memory_space<hbm>>)
    %dma_start3A_1325 = arith.constant 1 : i32
    %dma_start3A_1326 = arith.constant 0 : i32
    %dma_start3A_1327 = arith.constant 0 : i32
    %dma_start3A_1328 = tpu.memref_slice %arg6[%dma_start3A_1325, %dma_start3A_1326, %dma_start3A_1327] : memref<6x8x2048xf32, #tpu.memory_space<vmem>> -> memref<1x8x2048xf32, #tpu.memory_space<vmem>>
    %dma_start3A_1329 = tpu.memref_squeeze %dma_start3A_1328 : memref<1x8x2048xf32, #tpu.memory_space<vmem>> -> memref<8x2048xf32, #tpu.memory_space<vmem>>
    %dma_start3A_1330 = arith.constant 248 : i32
    %dma_start3A_1331 = tpu.memref_slice %arg5[%dma_start3A_1330] : memref<256xi32, #tpu.memory_space<vmem>> -> memref<8xi32, #tpu.memory_space<vmem>>
    %dma_start3A_1332 = arith.constant 0 : i32
    %dma_start3A_1333 = arith.constant 0 : i32
    %dma_start3A_1334 = tpu.memref_slice %arg3[%dma_start3A_1332, %dma_start3A_1333] : memref<100000x2048xf32, #tpu.memory_space<hbm>> -> memref<100000x2048xf32, #tpu.memory_space<hbm>>
    tpu.enqueue_indirect_dma source(%dma_start3A_1334 : memref<100000x2048xf32, #tpu.memory_space<hbm>>) target(%dma_start3A_1329 : memref<8x2048xf32, #tpu.memory_space<vmem>>) offsets(%dma_start3A_1331 : memref<8xi32, #tpu.memory_space<vmem>>) semaphore(%arg8 : memref<!tpu.dma_semaphore, #tpu.memory_space<semaphore_mem>>)
    %dma_wait3A_1335 = arith.constant 2 : i32
    %dma_wait3A_1336 = arith.constant 0 : i32
    %dma_wait3A_1337 = arith.constant 0 : i32
    %dma_wait3A_1338 = tpu.memref_slice %arg6[%dma_wait3A_1335, %dma_wait3A_1336, %dma_wait3A_1337] : memref<6x8x2048xf32, #tpu.memory_space<vmem>> -> memref<1x8x2048xf32, #tpu.memory_space<vmem>>
    %dma_wait3A_1339 = tpu.memref_squeeze %dma_wait3A_1338 : memref<1x8x2048xf32, #tpu.memory_space<vmem>> -> memref<8x2048xf32, #tpu.memory_space<vmem>>
    %dma_wait3A_1340 = arith.constant 208 : i32
    %dma_wait3A_1341 = tpu.memref_slice %arg5[%dma_wait3A_1340] : memref<256xi32, #tpu.memory_space<vmem>> -> memref<8xi32, #tpu.memory_space<vmem>>
    %dma_wait3A_1342 = arith.constant 0 : i32
    %dma_wait3A_1343 = arith.constant 0 : i32
    %dma_wait3A_1344 = tpu.memref_slice %arg3[%dma_wait3A_1342, %dma_wait3A_1343] : memref<100000x2048xf32, #tpu.memory_space<hbm>> -> memref<100000x2048xf32, #tpu.memory_space<hbm>>
    tpu.wait_indirect_dma semaphore(%arg9 : memref<!tpu.dma_semaphore, #tpu.memory_space<semaphore_mem>>) src(%dma_wait3A_1344 : memref<100000x2048xf32, #tpu.memory_space<hbm>>) dst(%dma_wait3A_1339 : memref<8x2048xf32, #tpu.memory_space<vmem>>)
    %add3A_1345 = arith.constant 208 : i32
    %add3A_1346 = arith.addi %mul3A_2, %add3A_1345 : i32
    %dma_start3A_1347 = arith.constant 2 : i32
    %dma_start3A_1348 = arith.constant 0 : i32
    %dma_start3A_1349 = arith.constant 0 : i32
    %dma_start3A_1350 = tpu.memref_slice %arg6[%dma_start3A_1347, %dma_start3A_1348, %dma_start3A_1349] : memref<6x8x2048xf32, #tpu.memory_space<vmem>> -> memref<1x8x2048xf32, #tpu.memory_space<vmem>>
    %dma_start3A_1351 = tpu.memref_squeeze %dma_start3A_1350 : memref<1x8x2048xf32, #tpu.memory_space<vmem>> -> memref<8x2048xf32, #tpu.memory_space<vmem>>
    %dma_start3A_1352 = arith.constant 0 : i32
    %dma_start3A_1353 = tpu.memref_slice %arg4[%add3A_1346, %dma_start3A_1352] : memref<8192x2048xf32, #tpu.memory_space<hbm>> -> memref<8x2048xf32, #tpu.memory_space<hbm>>
    %dma_start3A_1354 = arith.constant 0 : i32
    %dma_start3A_1355 = tpu.memref_slice %arg4[%add3A_1346, %dma_start3A_1354] : memref<8192x2048xf32, #tpu.memory_space<hbm>> -> memref<8x2048xf32, #tpu.memory_space<hbm>>
    %dma_start3A_1356 = arith.constant 0 : i32
    %dma_start3A_1357 = arith.constant 0 : i32
    %dma_start3A_1358 = tpu.memref_slice %arg6[%dma_start3A_1347, %dma_start3A_1356, %dma_start3A_1357] : memref<6x8x2048xf32, #tpu.memory_space<vmem>> -> memref<1x8x2048xf32, #tpu.memory_space<vmem>>
    %dma_start3A_1359 = tpu.memref_squeeze %dma_start3A_1358 : memref<1x8x2048xf32, #tpu.memory_space<vmem>> -> memref<8x2048xf32, #tpu.memory_space<vmem>>
    tpu.enqueue_dma source(%dma_start3A_1359 : memref<8x2048xf32, #tpu.memory_space<vmem>>) target(%dma_start3A_1355 : memref<8x2048xf32, #tpu.memory_space<hbm>>) target_semaphore(%arg15 : memref<!tpu.dma_semaphore, #tpu.memory_space<semaphore_mem>>)
    %dma_wait3A_1360 = arith.constant 3 : i32
    %dma_wait3A_1361 = arith.constant 0 : i32
    %dma_wait3A_1362 = arith.constant 0 : i32
    %dma_wait3A_1363 = tpu.memref_slice %arg6[%dma_wait3A_1360, %dma_wait3A_1361, %dma_wait3A_1362] : memref<6x8x2048xf32, #tpu.memory_space<vmem>> -> memref<1x8x2048xf32, #tpu.memory_space<vmem>>
    %dma_wait3A_1364 = tpu.memref_squeeze %dma_wait3A_1363 : memref<1x8x2048xf32, #tpu.memory_space<vmem>> -> memref<8x2048xf32, #tpu.memory_space<vmem>>
    %dma_wait3A_1365 = arith.constant 216 : i32
    %dma_wait3A_1366 = tpu.memref_slice %arg5[%dma_wait3A_1365] : memref<256xi32, #tpu.memory_space<vmem>> -> memref<8xi32, #tpu.memory_space<vmem>>
    %dma_wait3A_1367 = arith.constant 0 : i32
    %dma_wait3A_1368 = arith.constant 0 : i32
    %dma_wait3A_1369 = tpu.memref_slice %arg3[%dma_wait3A_1367, %dma_wait3A_1368] : memref<100000x2048xf32, #tpu.memory_space<hbm>> -> memref<100000x2048xf32, #tpu.memory_space<hbm>>
    tpu.wait_indirect_dma semaphore(%arg10 : memref<!tpu.dma_semaphore, #tpu.memory_space<semaphore_mem>>) src(%dma_wait3A_1369 : memref<100000x2048xf32, #tpu.memory_space<hbm>>) dst(%dma_wait3A_1364 : memref<8x2048xf32, #tpu.memory_space<vmem>>)
    %add3A_1370 = arith.constant 216 : i32
    %add3A_1371 = arith.addi %mul3A_2, %add3A_1370 : i32
    %dma_start3A_1372 = arith.constant 3 : i32
    %dma_start3A_1373 = arith.constant 0 : i32
    %dma_start3A_1374 = arith.constant 0 : i32
    %dma_start3A_1375 = tpu.memref_slice %arg6[%dma_start3A_1372, %dma_start3A_1373, %dma_start3A_1374] : memref<6x8x2048xf32, #tpu.memory_space<vmem>> -> memref<1x8x2048xf32, #tpu.memory_space<vmem>>
    %dma_start3A_1376 = tpu.memref_squeeze %dma_start3A_1375 : memref<1x8x2048xf32, #tpu.memory_space<vmem>> -> memref<8x2048xf32, #tpu.memory_space<vmem>>
    %dma_start3A_1377 = arith.constant 0 : i32
    %dma_start3A_1378 = tpu.memref_slice %arg4[%add3A_1371, %dma_start3A_1377] : memref<8192x2048xf32, #tpu.memory_space<hbm>> -> memref<8x2048xf32, #tpu.memory_space<hbm>>
    %dma_start3A_1379 = arith.constant 0 : i32
    %dma_start3A_1380 = tpu.memref_slice %arg4[%add3A_1371, %dma_start3A_1379] : memref<8192x2048xf32, #tpu.memory_space<hbm>> -> memref<8x2048xf32, #tpu.memory_space<hbm>>
    %dma_start3A_1381 = arith.constant 0 : i32
    %dma_start3A_1382 = arith.constant 0 : i32
    %dma_start3A_1383 = tpu.memref_slice %arg6[%dma_start3A_1372, %dma_start3A_1381, %dma_start3A_1382] : memref<6x8x2048xf32, #tpu.memory_space<vmem>> -> memref<1x8x2048xf32, #tpu.memory_space<vmem>>
    %dma_start3A_1384 = tpu.memref_squeeze %dma_start3A_1383 : memref<1x8x2048xf32, #tpu.memory_space<vmem>> -> memref<8x2048xf32, #tpu.memory_space<vmem>>
    tpu.enqueue_dma source(%dma_start3A_1384 : memref<8x2048xf32, #tpu.memory_space<vmem>>) target(%dma_start3A_1380 : memref<8x2048xf32, #tpu.memory_space<hbm>>) target_semaphore(%arg16 : memref<!tpu.dma_semaphore, #tpu.memory_space<semaphore_mem>>)
    %dma_wait3A_1385 = arith.constant 4 : i32
    %dma_wait3A_1386 = arith.constant 0 : i32
    %dma_wait3A_1387 = arith.constant 0 : i32
    %dma_wait3A_1388 = tpu.memref_slice %arg6[%dma_wait3A_1385, %dma_wait3A_1386, %dma_wait3A_1387] : memref<6x8x2048xf32, #tpu.memory_space<vmem>> -> memref<1x8x2048xf32, #tpu.memory_space<vmem>>
    %dma_wait3A_1389 = tpu.memref_squeeze %dma_wait3A_1388 : memref<1x8x2048xf32, #tpu.memory_space<vmem>> -> memref<8x2048xf32, #tpu.memory_space<vmem>>
    %dma_wait3A_1390 = arith.constant 224 : i32
    %dma_wait3A_1391 = tpu.memref_slice %arg5[%dma_wait3A_1390] : memref<256xi32, #tpu.memory_space<vmem>> -> memref<8xi32, #tpu.memory_space<vmem>>
    %dma_wait3A_1392 = arith.constant 0 : i32
    %dma_wait3A_1393 = arith.constant 0 : i32
    %dma_wait3A_1394 = tpu.memref_slice %arg3[%dma_wait3A_1392, %dma_wait3A_1393] : memref<100000x2048xf32, #tpu.memory_space<hbm>> -> memref<100000x2048xf32, #tpu.memory_space<hbm>>
    tpu.wait_indirect_dma semaphore(%arg11 : memref<!tpu.dma_semaphore, #tpu.memory_space<semaphore_mem>>) src(%dma_wait3A_1394 : memref<100000x2048xf32, #tpu.memory_space<hbm>>) dst(%dma_wait3A_1389 : memref<8x2048xf32, #tpu.memory_space<vmem>>)
    %add3A_1395 = arith.constant 224 : i32
    %add3A_1396 = arith.addi %mul3A_2, %add3A_1395 : i32
    %dma_start3A_1397 = arith.constant 4 : i32
    %dma_start3A_1398 = arith.constant 0 : i32
    %dma_start3A_1399 = arith.constant 0 : i32
    %dma_start3A_1400 = tpu.memref_slice %arg6[%dma_start3A_1397, %dma_start3A_1398, %dma_start3A_1399] : memref<6x8x2048xf32, #tpu.memory_space<vmem>> -> memref<1x8x2048xf32, #tpu.memory_space<vmem>>
    %dma_start3A_1401 = tpu.memref_squeeze %dma_start3A_1400 : memref<1x8x2048xf32, #tpu.memory_space<vmem>> -> memref<8x2048xf32, #tpu.memory_space<vmem>>
    %dma_start3A_1402 = arith.constant 0 : i32
    %dma_start3A_1403 = tpu.memref_slice %arg4[%add3A_1396, %dma_start3A_1402] : memref<8192x2048xf32, #tpu.memory_space<hbm>> -> memref<8x2048xf32, #tpu.memory_space<hbm>>
    %dma_start3A_1404 = arith.constant 0 : i32
    %dma_start3A_1405 = tpu.memref_slice %arg4[%add3A_1396, %dma_start3A_1404] : memref<8192x2048xf32, #tpu.memory_space<hbm>> -> memref<8x2048xf32, #tpu.memory_space<hbm>>
    %dma_start3A_1406 = arith.constant 0 : i32
    %dma_start3A_1407 = arith.constant 0 : i32
    %dma_start3A_1408 = tpu.memref_slice %arg6[%dma_start3A_1397, %dma_start3A_1406, %dma_start3A_1407] : memref<6x8x2048xf32, #tpu.memory_space<vmem>> -> memref<1x8x2048xf32, #tpu.memory_space<vmem>>
    %dma_start3A_1409 = tpu.memref_squeeze %dma_start3A_1408 : memref<1x8x2048xf32, #tpu.memory_space<vmem>> -> memref<8x2048xf32, #tpu.memory_space<vmem>>
    tpu.enqueue_dma source(%dma_start3A_1409 : memref<8x2048xf32, #tpu.memory_space<vmem>>) target(%dma_start3A_1405 : memref<8x2048xf32, #tpu.memory_space<hbm>>) target_semaphore(%arg17 : memref<!tpu.dma_semaphore, #tpu.memory_space<semaphore_mem>>)
    %dma_wait3A_1410 = arith.constant 5 : i32
    %dma_wait3A_1411 = arith.constant 0 : i32
    %dma_wait3A_1412 = arith.constant 0 : i32
    %dma_wait3A_1413 = tpu.memref_slice %arg6[%dma_wait3A_1410, %dma_wait3A_1411, %dma_wait3A_1412] : memref<6x8x2048xf32, #tpu.memory_space<vmem>> -> memref<1x8x2048xf32, #tpu.memory_space<vmem>>
    %dma_wait3A_1414 = tpu.memref_squeeze %dma_wait3A_1413 : memref<1x8x2048xf32, #tpu.memory_space<vmem>> -> memref<8x2048xf32, #tpu.memory_space<vmem>>
    %dma_wait3A_1415 = arith.constant 232 : i32
    %dma_wait3A_1416 = tpu.memref_slice %arg5[%dma_wait3A_1415] : memref<256xi32, #tpu.memory_space<vmem>> -> memref<8xi32, #tpu.memory_space<vmem>>
    %dma_wait3A_1417 = arith.constant 0 : i32
    %dma_wait3A_1418 = arith.constant 0 : i32
    %dma_wait3A_1419 = tpu.memref_slice %arg3[%dma_wait3A_1417, %dma_wait3A_1418] : memref<100000x2048xf32, #tpu.memory_space<hbm>> -> memref<100000x2048xf32, #tpu.memory_space<hbm>>
    tpu.wait_indirect_dma semaphore(%arg12 : memref<!tpu.dma_semaphore, #tpu.memory_space<semaphore_mem>>) src(%dma_wait3A_1419 : memref<100000x2048xf32, #tpu.memory_space<hbm>>) dst(%dma_wait3A_1414 : memref<8x2048xf32, #tpu.memory_space<vmem>>)
    %add3A_1420 = arith.constant 232 : i32
    %add3A_1421 = arith.addi %mul3A_2, %add3A_1420 : i32
    %dma_start3A_1422 = arith.constant 5 : i32
    %dma_start3A_1423 = arith.constant 0 : i32
    %dma_start3A_1424 = arith.constant 0 : i32
    %dma_start3A_1425 = tpu.memref_slice %arg6[%dma_start3A_1422, %dma_start3A_1423, %dma_start3A_1424] : memref<6x8x2048xf32, #tpu.memory_space<vmem>> -> memref<1x8x2048xf32, #tpu.memory_space<vmem>>
    %dma_start3A_1426 = tpu.memref_squeeze %dma_start3A_1425 : memref<1x8x2048xf32, #tpu.memory_space<vmem>> -> memref<8x2048xf32, #tpu.memory_space<vmem>>
    %dma_start3A_1427 = arith.constant 0 : i32
    %dma_start3A_1428 = tpu.memref_slice %arg4[%add3A_1421, %dma_start3A_1427] : memref<8192x2048xf32, #tpu.memory_space<hbm>> -> memref<8x2048xf32, #tpu.memory_space<hbm>>
    %dma_start3A_1429 = arith.constant 0 : i32
    %dma_start3A_1430 = tpu.memref_slice %arg4[%add3A_1421, %dma_start3A_1429] : memref<8192x2048xf32, #tpu.memory_space<hbm>> -> memref<8x2048xf32, #tpu.memory_space<hbm>>
    %dma_start3A_1431 = arith.constant 0 : i32
    %dma_start3A_1432 = arith.constant 0 : i32
    %dma_start3A_1433 = tpu.memref_slice %arg6[%dma_start3A_1422, %dma_start3A_1431, %dma_start3A_1432] : memref<6x8x2048xf32, #tpu.memory_space<vmem>> -> memref<1x8x2048xf32, #tpu.memory_space<vmem>>
    %dma_start3A_1434 = tpu.memref_squeeze %dma_start3A_1433 : memref<1x8x2048xf32, #tpu.memory_space<vmem>> -> memref<8x2048xf32, #tpu.memory_space<vmem>>
    tpu.enqueue_dma source(%dma_start3A_1434 : memref<8x2048xf32, #tpu.memory_space<vmem>>) target(%dma_start3A_1430 : memref<8x2048xf32, #tpu.memory_space<hbm>>) target_semaphore(%arg18 : memref<!tpu.dma_semaphore, #tpu.memory_space<semaphore_mem>>)
    %dma_wait3A_1435 = arith.constant 0 : i32
    %dma_wait3A_1436 = arith.constant 0 : i32
    %dma_wait3A_1437 = arith.constant 0 : i32
    %dma_wait3A_1438 = tpu.memref_slice %arg6[%dma_wait3A_1435, %dma_wait3A_1436, %dma_wait3A_1437] : memref<6x8x2048xf32, #tpu.memory_space<vmem>> -> memref<1x8x2048xf32, #tpu.memory_space<vmem>>
    %dma_wait3A_1439 = tpu.memref_squeeze %dma_wait3A_1438 : memref<1x8x2048xf32, #tpu.memory_space<vmem>> -> memref<8x2048xf32, #tpu.memory_space<vmem>>
    %dma_wait3A_1440 = arith.constant 240 : i32
    %dma_wait3A_1441 = tpu.memref_slice %arg5[%dma_wait3A_1440] : memref<256xi32, #tpu.memory_space<vmem>> -> memref<8xi32, #tpu.memory_space<vmem>>
    %dma_wait3A_1442 = arith.constant 0 : i32
    %dma_wait3A_1443 = arith.constant 0 : i32
    %dma_wait3A_1444 = tpu.memref_slice %arg3[%dma_wait3A_1442, %dma_wait3A_1443] : memref<100000x2048xf32, #tpu.memory_space<hbm>> -> memref<100000x2048xf32, #tpu.memory_space<hbm>>
    tpu.wait_indirect_dma semaphore(%arg7 : memref<!tpu.dma_semaphore, #tpu.memory_space<semaphore_mem>>) src(%dma_wait3A_1444 : memref<100000x2048xf32, #tpu.memory_space<hbm>>) dst(%dma_wait3A_1439 : memref<8x2048xf32, #tpu.memory_space<vmem>>)
    %add3A_1445 = arith.constant 240 : i32
    %add3A_1446 = arith.addi %mul3A_2, %add3A_1445 : i32
    %dma_start3A_1447 = arith.constant 0 : i32
    %dma_start3A_1448 = arith.constant 0 : i32
    %dma_start3A_1449 = arith.constant 0 : i32
    %dma_start3A_1450 = tpu.memref_slice %arg6[%dma_start3A_1447, %dma_start3A_1448, %dma_start3A_1449] : memref<6x8x2048xf32, #tpu.memory_space<vmem>> -> memref<1x8x2048xf32, #tpu.memory_space<vmem>>
    %dma_start3A_1451 = tpu.memref_squeeze %dma_start3A_1450 : memref<1x8x2048xf32, #tpu.memory_space<vmem>> -> memref<8x2048xf32, #tpu.memory_space<vmem>>
    %dma_start3A_1452 = arith.constant 0 : i32
    %dma_start3A_1453 = tpu.memref_slice %arg4[%add3A_1446, %dma_start3A_1452] : memref<8192x2048xf32, #tpu.memory_space<hbm>> -> memref<8x2048xf32, #tpu.memory_space<hbm>>
    %dma_start3A_1454 = arith.constant 0 : i32
    %dma_start3A_1455 = tpu.memref_slice %arg4[%add3A_1446, %dma_start3A_1454] : memref<8192x2048xf32, #tpu.memory_space<hbm>> -> memref<8x2048xf32, #tpu.memory_space<hbm>>
    %dma_start3A_1456 = arith.constant 0 : i32
    %dma_start3A_1457 = arith.constant 0 : i32
    %dma_start3A_1458 = tpu.memref_slice %arg6[%dma_start3A_1447, %dma_start3A_1456, %dma_start3A_1457] : memref<6x8x2048xf32, #tpu.memory_space<vmem>> -> memref<1x8x2048xf32, #tpu.memory_space<vmem>>
    %dma_start3A_1459 = tpu.memref_squeeze %dma_start3A_1458 : memref<1x8x2048xf32, #tpu.memory_space<vmem>> -> memref<8x2048xf32, #tpu.memory_space<vmem>>
    tpu.enqueue_dma source(%dma_start3A_1459 : memref<8x2048xf32, #tpu.memory_space<vmem>>) target(%dma_start3A_1455 : memref<8x2048xf32, #tpu.memory_space<hbm>>) target_semaphore(%arg13 : memref<!tpu.dma_semaphore, #tpu.memory_space<semaphore_mem>>)
    %dma_wait3A_1460 = arith.constant 1 : i32
    %dma_wait3A_1461 = arith.constant 0 : i32
    %dma_wait3A_1462 = arith.constant 0 : i32
    %dma_wait3A_1463 = tpu.memref_slice %arg6[%dma_wait3A_1460, %dma_wait3A_1461, %dma_wait3A_1462] : memref<6x8x2048xf32, #tpu.memory_space<vmem>> -> memref<1x8x2048xf32, #tpu.memory_space<vmem>>
    %dma_wait3A_1464 = tpu.memref_squeeze %dma_wait3A_1463 : memref<1x8x2048xf32, #tpu.memory_space<vmem>> -> memref<8x2048xf32, #tpu.memory_space<vmem>>
    %dma_wait3A_1465 = arith.constant 248 : i32
    %dma_wait3A_1466 = tpu.memref_slice %arg5[%dma_wait3A_1465] : memref<256xi32, #tpu.memory_space<vmem>> -> memref<8xi32, #tpu.memory_space<vmem>>
    %dma_wait3A_1467 = arith.constant 0 : i32
    %dma_wait3A_1468 = arith.constant 0 : i32
    %dma_wait3A_1469 = tpu.memref_slice %arg3[%dma_wait3A_1467, %dma_wait3A_1468] : memref<100000x2048xf32, #tpu.memory_space<hbm>> -> memref<100000x2048xf32, #tpu.memory_space<hbm>>
    tpu.wait_indirect_dma semaphore(%arg8 : memref<!tpu.dma_semaphore, #tpu.memory_space<semaphore_mem>>) src(%dma_wait3A_1469 : memref<100000x2048xf32, #tpu.memory_space<hbm>>) dst(%dma_wait3A_1464 : memref<8x2048xf32, #tpu.memory_space<vmem>>)
    %add3A_1470 = arith.constant 248 : i32
    %add3A_1471 = arith.addi %mul3A_2, %add3A_1470 : i32
    %dma_start3A_1472 = arith.constant 1 : i32
    %dma_start3A_1473 = arith.constant 0 : i32
    %dma_start3A_1474 = arith.constant 0 : i32
    %dma_start3A_1475 = tpu.memref_slice %arg6[%dma_start3A_1472, %dma_start3A_1473, %dma_start3A_1474] : memref<6x8x2048xf32, #tpu.memory_space<vmem>> -> memref<1x8x2048xf32, #tpu.memory_space<vmem>>
    %dma_start3A_1476 = tpu.memref_squeeze %dma_start3A_1475 : memref<1x8x2048xf32, #tpu.memory_space<vmem>> -> memref<8x2048xf32, #tpu.memory_space<vmem>>
    %dma_start3A_1477 = arith.constant 0 : i32
    %dma_start3A_1478 = tpu.memref_slice %arg4[%add3A_1471, %dma_start3A_1477] : memref<8192x2048xf32, #tpu.memory_space<hbm>> -> memref<8x2048xf32, #tpu.memory_space<hbm>>
    %dma_start3A_1479 = arith.constant 0 : i32
    %dma_start3A_1480 = tpu.memref_slice %arg4[%add3A_1471, %dma_start3A_1479] : memref<8192x2048xf32, #tpu.memory_space<hbm>> -> memref<8x2048xf32, #tpu.memory_space<hbm>>
    %dma_start3A_1481 = arith.constant 0 : i32
    %dma_start3A_1482 = arith.constant 0 : i32
    %dma_start3A_1483 = tpu.memref_slice %arg6[%dma_start3A_1472, %dma_start3A_1481, %dma_start3A_1482] : memref<6x8x2048xf32, #tpu.memory_space<vmem>> -> memref<1x8x2048xf32, #tpu.memory_space<vmem>>
    %dma_start3A_1484 = tpu.memref_squeeze %dma_start3A_1483 : memref<1x8x2048xf32, #tpu.memory_space<vmem>> -> memref<8x2048xf32, #tpu.memory_space<vmem>>
    tpu.enqueue_dma source(%dma_start3A_1484 : memref<8x2048xf32, #tpu.memory_space<vmem>>) target(%dma_start3A_1480 : memref<8x2048xf32, #tpu.memory_space<hbm>>) target_semaphore(%arg14 : memref<!tpu.dma_semaphore, #tpu.memory_space<semaphore_mem>>)
    %dma_wait3A_1485 = arith.constant 2 : i32
    %dma_wait3A_1486 = arith.constant 0 : i32
    %dma_wait3A_1487 = arith.constant 0 : i32
    %dma_wait3A_1488 = tpu.memref_slice %arg6[%dma_wait3A_1485, %dma_wait3A_1486, %dma_wait3A_1487] : memref<6x8x2048xf32, #tpu.memory_space<vmem>> -> memref<1x8x2048xf32, #tpu.memory_space<vmem>>
    %dma_wait3A_1489 = tpu.memref_squeeze %dma_wait3A_1488 : memref<1x8x2048xf32, #tpu.memory_space<vmem>> -> memref<8x2048xf32, #tpu.memory_space<vmem>>
    %dma_wait3A_1490 = arith.constant 0 : i32
    %dma_wait3A_1491 = tpu.memref_slice %arg4[%add3A_1346, %dma_wait3A_1490] : memref<8192x2048xf32, #tpu.memory_space<hbm>> -> memref<8x2048xf32, #tpu.memory_space<hbm>>
    %dma_wait3A_1492 = arith.constant 0 : i32
    %dma_wait3A_1493 = tpu.memref_slice %arg4[%add3A_1346, %dma_wait3A_1492] : memref<8192x2048xf32, #tpu.memory_space<hbm>> -> memref<8x2048xf32, #tpu.memory_space<hbm>>
    %dma_wait3A_1494 = arith.constant 0 : i32
    %dma_wait3A_1495 = arith.constant 0 : i32
    %dma_wait3A_1496 = tpu.memref_slice %arg6[%dma_wait3A_1485, %dma_wait3A_1494, %dma_wait3A_1495] : memref<6x8x2048xf32, #tpu.memory_space<vmem>> -> memref<1x8x2048xf32, #tpu.memory_space<vmem>>
    %dma_wait3A_1497 = tpu.memref_squeeze %dma_wait3A_1496 : memref<1x8x2048xf32, #tpu.memory_space<vmem>> -> memref<8x2048xf32, #tpu.memory_space<vmem>>
    tpu.wait_dma2 semaphore(%arg15 : memref<!tpu.dma_semaphore, #tpu.memory_space<semaphore_mem>>) src(%dma_wait3A_1497 : memref<8x2048xf32, #tpu.memory_space<vmem>>) dst(%dma_wait3A_1493 : memref<8x2048xf32, #tpu.memory_space<hbm>>)
    %dma_wait3A_1498 = arith.constant 3 : i32
    %dma_wait3A_1499 = arith.constant 0 : i32
    %dma_wait3A_1500 = arith.constant 0 : i32
    %dma_wait3A_1501 = tpu.memref_slice %arg6[%dma_wait3A_1498, %dma_wait3A_1499, %dma_wait3A_1500] : memref<6x8x2048xf32, #tpu.memory_space<vmem>> -> memref<1x8x2048xf32, #tpu.memory_space<vmem>>
    %dma_wait3A_1502 = tpu.memref_squeeze %dma_wait3A_1501 : memref<1x8x2048xf32, #tpu.memory_space<vmem>> -> memref<8x2048xf32, #tpu.memory_space<vmem>>
    %dma_wait3A_1503 = arith.constant 0 : i32
    %dma_wait3A_1504 = tpu.memref_slice %arg4[%add3A_1371, %dma_wait3A_1503] : memref<8192x2048xf32, #tpu.memory_space<hbm>> -> memref<8x2048xf32, #tpu.memory_space<hbm>>
    %dma_wait3A_1505 = arith.constant 0 : i32
    %dma_wait3A_1506 = tpu.memref_slice %arg4[%add3A_1371, %dma_wait3A_1505] : memref<8192x2048xf32, #tpu.memory_space<hbm>> -> memref<8x2048xf32, #tpu.memory_space<hbm>>
    %dma_wait3A_1507 = arith.constant 0 : i32
    %dma_wait3A_1508 = arith.constant 0 : i32
    %dma_wait3A_1509 = tpu.memref_slice %arg6[%dma_wait3A_1498, %dma_wait3A_1507, %dma_wait3A_1508] : memref<6x8x2048xf32, #tpu.memory_space<vmem>> -> memref<1x8x2048xf32, #tpu.memory_space<vmem>>
    %dma_wait3A_1510 = tpu.memref_squeeze %dma_wait3A_1509 : memref<1x8x2048xf32, #tpu.memory_space<vmem>> -> memref<8x2048xf32, #tpu.memory_space<vmem>>
    tpu.wait_dma2 semaphore(%arg16 : memref<!tpu.dma_semaphore, #tpu.memory_space<semaphore_mem>>) src(%dma_wait3A_1510 : memref<8x2048xf32, #tpu.memory_space<vmem>>) dst(%dma_wait3A_1506 : memref<8x2048xf32, #tpu.memory_space<hbm>>)
    %dma_wait3A_1511 = arith.constant 4 : i32
    %dma_wait3A_1512 = arith.constant 0 : i32
    %dma_wait3A_1513 = arith.constant 0 : i32
    %dma_wait3A_1514 = tpu.memref_slice %arg6[%dma_wait3A_1511, %dma_wait3A_1512, %dma_wait3A_1513] : memref<6x8x2048xf32, #tpu.memory_space<vmem>> -> memref<1x8x2048xf32, #tpu.memory_space<vmem>>
    %dma_wait3A_1515 = tpu.memref_squeeze %dma_wait3A_1514 : memref<1x8x2048xf32, #tpu.memory_space<vmem>> -> memref<8x2048xf32, #tpu.memory_space<vmem>>
    %dma_wait3A_1516 = arith.constant 0 : i32
    %dma_wait3A_1517 = tpu.memref_slice %arg4[%add3A_1396, %dma_wait3A_1516] : memref<8192x2048xf32, #tpu.memory_space<hbm>> -> memref<8x2048xf32, #tpu.memory_space<hbm>>
    %dma_wait3A_1518 = arith.constant 0 : i32
    %dma_wait3A_1519 = tpu.memref_slice %arg4[%add3A_1396, %dma_wait3A_1518] : memref<8192x2048xf32, #tpu.memory_space<hbm>> -> memref<8x2048xf32, #tpu.memory_space<hbm>>
    %dma_wait3A_1520 = arith.constant 0 : i32
    %dma_wait3A_1521 = arith.constant 0 : i32
    %dma_wait3A_1522 = tpu.memref_slice %arg6[%dma_wait3A_1511, %dma_wait3A_1520, %dma_wait3A_1521] : memref<6x8x2048xf32, #tpu.memory_space<vmem>> -> memref<1x8x2048xf32, #tpu.memory_space<vmem>>
    %dma_wait3A_1523 = tpu.memref_squeeze %dma_wait3A_1522 : memref<1x8x2048xf32, #tpu.memory_space<vmem>> -> memref<8x2048xf32, #tpu.memory_space<vmem>>
    tpu.wait_dma2 semaphore(%arg17 : memref<!tpu.dma_semaphore, #tpu.memory_space<semaphore_mem>>) src(%dma_wait3A_1523 : memref<8x2048xf32, #tpu.memory_space<vmem>>) dst(%dma_wait3A_1519 : memref<8x2048xf32, #tpu.memory_space<hbm>>)
    %dma_wait3A_1524 = arith.constant 5 : i32
    %dma_wait3A_1525 = arith.constant 0 : i32
    %dma_wait3A_1526 = arith.constant 0 : i32
    %dma_wait3A_1527 = tpu.memref_slice %arg6[%dma_wait3A_1524, %dma_wait3A_1525, %dma_wait3A_1526] : memref<6x8x2048xf32, #tpu.memory_space<vmem>> -> memref<1x8x2048xf32, #tpu.memory_space<vmem>>
    %dma_wait3A_1528 = tpu.memref_squeeze %dma_wait3A_1527 : memref<1x8x2048xf32, #tpu.memory_space<vmem>> -> memref<8x2048xf32, #tpu.memory_space<vmem>>
    %dma_wait3A_1529 = arith.constant 0 : i32
    %dma_wait3A_1530 = tpu.memref_slice %arg4[%add3A_1421, %dma_wait3A_1529] : memref<8192x2048xf32, #tpu.memory_space<hbm>> -> memref<8x2048xf32, #tpu.memory_space<hbm>>
    %dma_wait3A_1531 = arith.constant 0 : i32
    %dma_wait3A_1532 = tpu.memref_slice %arg4[%add3A_1421, %dma_wait3A_1531] : memref<8192x2048xf32, #tpu.memory_space<hbm>> -> memref<8x2048xf32, #tpu.memory_space<hbm>>
    %dma_wait3A_1533 = arith.constant 0 : i32
    %dma_wait3A_1534 = arith.constant 0 : i32
    %dma_wait3A_1535 = tpu.memref_slice %arg6[%dma_wait3A_1524, %dma_wait3A_1533, %dma_wait3A_1534] : memref<6x8x2048xf32, #tpu.memory_space<vmem>> -> memref<1x8x2048xf32, #tpu.memory_space<vmem>>
    %dma_wait3A_1536 = tpu.memref_squeeze %dma_wait3A_1535 : memref<1x8x2048xf32, #tpu.memory_space<vmem>> -> memref<8x2048xf32, #tpu.memory_space<vmem>>
    tpu.wait_dma2 semaphore(%arg18 : memref<!tpu.dma_semaphore, #tpu.memory_space<semaphore_mem>>) src(%dma_wait3A_1536 : memref<8x2048xf32, #tpu.memory_space<vmem>>) dst(%dma_wait3A_1532 : memref<8x2048xf32, #tpu.memory_space<hbm>>)
    %dma_wait3A_1537 = arith.constant 0 : i32
    %dma_wait3A_1538 = arith.constant 0 : i32
    %dma_wait3A_1539 = arith.constant 0 : i32
    %dma_wait3A_1540 = tpu.memref_slice %arg6[%dma_wait3A_1537, %dma_wait3A_1538, %dma_wait3A_1539] : memref<6x8x2048xf32, #tpu.memory_space<vmem>> -> memref<1x8x2048xf32, #tpu.memory_space<vmem>>
    %dma_wait3A_1541 = tpu.memref_squeeze %dma_wait3A_1540 : memref<1x8x2048xf32, #tpu.memory_space<vmem>> -> memref<8x2048xf32, #tpu.memory_space<vmem>>
    %dma_wait3A_1542 = arith.constant 0 : i32
    %dma_wait3A_1543 = tpu.memref_slice %arg4[%add3A_1446, %dma_wait3A_1542] : memref<8192x2048xf32, #tpu.memory_space<hbm>> -> memref<8x2048xf32, #tpu.memory_space<hbm>>
    %dma_wait3A_1544 = arith.constant 0 : i32
    %dma_wait3A_1545 = tpu.memref_slice %arg4[%add3A_1446, %dma_wait3A_1544] : memref<8192x2048xf32, #tpu.memory_space<hbm>> -> memref<8x2048xf32, #tpu.memory_space<hbm>>
    %dma_wait3A_1546 = arith.constant 0 : i32
    %dma_wait3A_1547 = arith.constant 0 : i32
    %dma_wait3A_1548 = tpu.memref_slice %arg6[%dma_wait3A_1537, %dma_wait3A_1546, %dma_wait3A_1547] : memref<6x8x2048xf32, #tpu.memory_space<vmem>> -> memref<1x8x2048xf32, #tpu.memory_space<vmem>>
    %dma_wait3A_1549 = tpu.memref_squeeze %dma_wait3A_1548 : memref<1x8x2048xf32, #tpu.memory_space<vmem>> -> memref<8x2048xf32, #tpu.memory_space<vmem>>
    tpu.wait_dma2 semaphore(%arg13 : memref<!tpu.dma_semaphore, #tpu.memory_space<semaphore_mem>>) src(%dma_wait3A_1549 : memref<8x2048xf32, #tpu.memory_space<vmem>>) dst(%dma_wait3A_1545 : memref<8x2048xf32, #tpu.memory_space<hbm>>)
    %dma_wait3A_1550 = arith.constant 1 : i32
    %dma_wait3A_1551 = arith.constant 0 : i32
    %dma_wait3A_1552 = arith.constant 0 : i32
    %dma_wait3A_1553 = tpu.memref_slice %arg6[%dma_wait3A_1550, %dma_wait3A_1551, %dma_wait3A_1552] : memref<6x8x2048xf32, #tpu.memory_space<vmem>> -> memref<1x8x2048xf32, #tpu.memory_space<vmem>>
    %dma_wait3A_1554 = tpu.memref_squeeze %dma_wait3A_1553 : memref<1x8x2048xf32, #tpu.memory_space<vmem>> -> memref<8x2048xf32, #tpu.memory_space<vmem>>
    %dma_wait3A_1555 = arith.constant 0 : i32
    %dma_wait3A_1556 = tpu.memref_slice %arg4[%add3A_1471, %dma_wait3A_1555] : memref<8192x2048xf32, #tpu.memory_space<hbm>> -> memref<8x2048xf32, #tpu.memory_space<hbm>>
    %dma_wait3A_1557 = arith.constant 0 : i32
    %dma_wait3A_1558 = tpu.memref_slice %arg4[%add3A_1471, %dma_wait3A_1557] : memref<8192x2048xf32, #tpu.memory_space<hbm>> -> memref<8x2048xf32, #tpu.memory_space<hbm>>
    %dma_wait3A_1559 = arith.constant 0 : i32
    %dma_wait3A_1560 = arith.constant 0 : i32
    %dma_wait3A_1561 = tpu.memref_slice %arg6[%dma_wait3A_1550, %dma_wait3A_1559, %dma_wait3A_1560] : memref<6x8x2048xf32, #tpu.memory_space<vmem>> -> memref<1x8x2048xf32, #tpu.memory_space<vmem>>
    %dma_wait3A_1562 = tpu.memref_squeeze %dma_wait3A_1561 : memref<1x8x2048xf32, #tpu.memory_space<vmem>> -> memref<8x2048xf32, #tpu.memory_space<vmem>>
    tpu.wait_dma2 semaphore(%arg14 : memref<!tpu.dma_semaphore, #tpu.memory_space<semaphore_mem>>) src(%dma_wait3A_1562 : memref<8x2048xf32, #tpu.memory_space<vmem>>) dst(%dma_wait3A_1558 : memref<8x2048xf32, #tpu.memory_space<hbm>>)
    return
  }
}

</mosaic_0001>

<sc_bundles>
// kernel: kernel.3.cloned.1.call-start
scs
__scs_entry_jumppad:
0x0: {  	(pc) =	sbr.rel $0x88, $3  }
0x1: {  	(tag) =	ssettag $0x0;
	lr =	simm.s32 $0x1  }
0x2: {  	[smem:$0x3F9F] =	sst lr;
	_ =	strace $0xD0000000  }
0x3: {  	_ = 	snop  }
0x4: {  	_ = 	snop  }
0x5: {  	_ = 	snop  }
0x6: {  	_ = 	snop  }
0x7: {  	_ = 	snop  }
__scs_overlays_trampoline_lowered:
0x8: {  	[smem:$0x3FAE] =	sst s0  }
0x9: {  	[smem:$0x3FAF] =	sst s1  }
0xa: {  	[smem:$0x3FB0] =	sst s2  }
0xb: {  	[smem:$0x3FB1] =	sst s3  }
0xc: {  	[smem:$0x3FB2] =	sst s4  }
0xd: {  	[smem:$0x3FB3] =	sst s5  }
0xe: {  	[smem:$0x3FB4] =	sst s6  }
0xf: {  	[smem:$0x3FB5] =	sst s7  }
0x10: {  	[smem:$0x3FB6] =	sst s8  }
0x11: {  	[smem:$0x3FB7] =	sst s9;
	s0 =	simm.s32 @!p0 $0x0  }
0x12: {  	s1 =	sld [smem:$0x3F9D];
	s0 =	simm.s32 @p0 $0x1  }
0x13: {  	[smem:$0x3FB8] =	sst s0;
	s0 =	simm.s32 @!p1 $0x0  }
0x14: {  	s2 =	sld [smem:$0x3F9C];
	s0 =	simm.s32 @p1 $0x1  }
0x15: {  	[smem:$0x3FB9] =	sst s0;
	s0 =	simm.s32 @!p2 $0x0  }
0x16: {  	s3 =	sld [smem:$0x3FDB];
	s0 =	simm.s32 @p2 $0x1  }
0x17: {  	s4 =	simm.s32 $0x1BF5;
	[smem:$0x3FBB] =	sst s0  }
0x18: {  	s0 =	sld [smem:$0x3F9E];
	_ =	swait.ge [sflag:s4], $0x0  }
0x19: {  	s7 =	sld [smem:$0x3F9F]  }
0x1a: {  	s8 =	sadd.s32 $0xFFFFE003, lr  }
0x1b: {  	s9 =	sadd.s32 $0xFFFFFEF7, lr;
	s5 =	simm.s32 $0xFFFFFFFF;
	p2 =	slt.u32 s8, $0xFFFFF086  }
0x1c: {  	p1 =	slt.u32 s9, $0xF7A;
	s5 =	simm.s32 @!p2 $0x0  }
0x1d: {  	s5 =	simm.s32 @p1 $0x1;
	p0 =	seq.s32 s7, s2  }
0x1e: {  	s7 =	smul.u32 @!p0 $0xF7A, s2;
	p2 =	seq.s32 @!p0 s5, $0x0  }
0x1f: {  	s9 =	smul.u32 $0xF7A, s1;
	s8 =	simm.s32 @!p0 $0x1BF5;
	p2 =	por !p2, p0  }
0x20: {  	[sflag:s8] =	ssyncset.s32 @!p0 $0xFFFFF086;
	s6 =	sadd.s32 @!p0 s3, s7;
	s7 =	simm.s32 @!p0 $0x108  }
0x21: {  	s3 =	sadd.s32 s3, s9;
	s6 =	sadd.s32 @!p0 $0x88, s6;
	s7 =	simm.s32 @p2 $0x1082  }
0x22: {  	[simem:s7], [sflag:s8] =	dma.local @!p0 [hbm:s6], $0xF7A  }
0x23: {  	s9 =	sor.u32 $0xD0000000, s2;
	s6 =	simm.s32 $0x108;
	_ =	swait.ge @!p0 [sflag:s8], $0x0  }
0x24: {  	s3 =	sadd.s32 $0x88, s3;
	s6 =	simm.s32 @!p1 $0x1082;
	[sflag:s4] =	ssyncset.s32 $0xFFFFF086  }
0x25: {  	[simem:s6], [sflag:s4] =	dma.local [hbm:s3], $0xF7A  }
0x26: {  	[smem:$0x3F9F] =	sst s1;
	(tag) =	ssettag s2;
	_ =	strace s9  }
0x27: {  	s1 =	sld [smem:$0x3FAF]  }
0x28: {  	s2 =	sld [smem:$0x3FB0]  }
0x29: {  	s4 =	sld [smem:$0x3FB2]  }
0x2a: {  	p0 =	seq.s32 s5, $0x0;
	s5 =	sld [smem:$0x3FB3]  }
0x2b: {  	s6 =	sld [smem:$0x3FB4]  }
0x2c: {  	s7 =	sld [smem:$0x3FB5]  }
0x2d: {  	s3 =	simm.s32 $0x108;
	s8 =	sld [smem:$0x3FB6]  }
0x2e: {  	s3 =	simm.s32 @!p0 $0x1082;
	s9 =	sld [smem:$0x3FB7]  }
0x2f: {  	lr =	sadd.s32 s0, s3;
	s0 =	sld [smem:$0x3FAE]  }
0x30: {  	s3 =	sld [smem:$0x3FB1]  }
0x31: {  	[smem:$0x3FBA] =	sst s10  }
0x32: {  	s10 =	sld [smem:$0x3FB8];
	_ =	sdelay $0x3  }
0x33: {  	p0 =	seq.s32 s10, $0x1;
	s10 =	sld [smem:$0x3FBA];
	_ =	sdelay $0x3  }
0x34: {  	[smem:$0x3FBA] =	sst s10  }
0x35: {  	s10 =	sld [smem:$0x3FB9];
	_ =	sdelay $0x3  }
0x36: {  	p1 =	seq.s32 s10, $0x1;
	s10 =	sld [smem:$0x3FBA];
	_ =	sdelay $0x3  }
0x37: {  	[smem:$0x3FBA] =	sst s10  }
0x38: {  	s10 =	sld [smem:$0x3FBB]  }
0x39: {  	_ = 	snop;
	(pc) =	sbr.ind lr, $3  }
0x3a: {  	_ = 	snop  }
0x3b: {  	_ = 	snop  }
0x3c: {  	p2 =	seq.s32 s10, $0x1;
	s10 =	sld [smem:$0x3FBA]  }
0x3d: {  	_ =	shalt  }
0x3e: {  	_ =	shalt  }
0x3f: {  	_ =	shalt  }
0x40: {  	_ =	shalt  }
0x41: {  	_ =	shalt  }
0x42: {  	_ =	shalt  }
0x43: {  	_ =	shalt  }
0x44: {  	_ =	shalt  }
0x45: {  	_ =	shalt  }
0x46: {  	_ =	shalt  }
0x47: {  	_ =	shalt  }
0x48: {  	_ =	shalt  }
0x49: {  	_ =	shalt  }
0x4a: {  	_ =	shalt  }
0x4b: {  	_ =	shalt  }
0x4c: {  	_ =	shalt  }
0x4d: {  	_ =	shalt  }
0x4e: {  	_ =	shalt  }
0x4f: {  	_ =	shalt  }
0x50: {  	_ =	shalt  }
0x51: {  	_ =	shalt  }
0x52: {  	_ =	shalt  }
0x53: {  	_ =	shalt  }
0x54: {  	_ =	shalt  }
0x55: {  	_ =	shalt  }
0x56: {  	_ =	shalt  }
0x57: {  	_ =	shalt  }
0x58: {  	_ =	shalt  }
0x59: {  	_ =	shalt  }
0x5a: {  	_ =	shalt  }
0x5b: {  	_ =	shalt  }
0x5c: {  	_ =	shalt  }
0x5d: {  	_ =	shalt  }
0x5e: {  	_ =	shalt  }
0x5f: {  	_ =	shalt  }
0x60: {  	_ =	shalt  }
0x61: {  	_ =	shalt  }
0x62: {  	_ =	shalt  }
0x63: {  	_ =	shalt  }
0x64: {  	_ =	shalt  }
0x65: {  	_ =	shalt  }
0x66: {  	_ =	shalt  }
0x67: {  	_ =	shalt  }
0x68: {  	_ =	shalt  }
0x69: {  	_ =	shalt  }
0x6a: {  	_ =	shalt  }
0x6b: {  	_ =	shalt  }
0x6c: {  	_ =	shalt  }
0x6d: {  	_ =	shalt  }
0x6e: {  	_ =	shalt  }
0x6f: {  	_ =	shalt  }
0x70: {  	_ =	shalt  }
0x71: {  	_ =	shalt  }
0x72: {  	_ =	shalt  }
0x73: {  	_ =	shalt  }
0x74: {  	_ =	shalt  }
0x75: {  	_ =	shalt  }
0x76: {  	_ =	shalt  }
0x77: {  	_ =	shalt  }
0x78: {  	_ =	shalt  }
0x79: {  	_ =	shalt  }
0x7a: {  	_ =	shalt  }
0x7b: {  	_ =	shalt  }
0x7c: {  	_ =	shalt  }
0x7d: {  	_ =	shalt  }
0x7e: {  	_ =	shalt  }
0x7f: {  	_ =	shalt  }
0x80: {  	_ =	shalt  }
0x81: {  	_ =	shalt  }
0x82: {  	_ =	shalt  }
0x83: {  	_ =	shalt  }
0x84: {  	_ =	shalt  }
0x85: {  	_ =	shalt  }
0x86: {  	_ =	shalt  }
0x87: {  	_ =	shalt  }
.Lfunc_end0:
.L_simem_size_0:
called_computation_lowered:
.L_overlay_start_0:
0x88: {  	s2 =	sld [smem:$0x3FD9]  }
0x89: {  	s3 =	sld [smem:$0x3FFE];
	_ =	sdelay $0x1  }
0x8a: {  	s1 =	srdreg.scid  }
0x8b: {  	s0 =	sand.u32 $0x1, s1  }
0x8c: {  	s17 =	sshll.u32 s0, $0xA;
	s2 =	sadd.s32 s3, s2  }
0x8d: {  	s2 =	sadd.s32 s2, s17  }
0x8e: {  	[smem:$0x3FC6] =	sst s2  }
0x8f: {  	_ = 	snop  }
0x90: {  	s2 =	sld [smem:$0x3FC8]  }
0x91: {  	s18 =	sld [smem:$0x3FD0];
	(tm) =	ssettm $0x1  }
0x92: {  	s4 =	sld [smem:$0x3FFB];
	_ =	sdelay $0x3  }
0x93: {  	_ =	strace s4  }
0x94: {  	s4 =	sld [smem:$0x3FFC];
	_ =	sdelay $0x3  }
0x95: {  	_ =	strace s4  }
0x96: {  	s4 =	sld [smem:$0x3FFD];
	_ =	sdelay $0x3  }
0x97: {  	_ =	strace s4  }
0x98: {  	_ =	strace $0x8FFFFFFF  }
0x99: {  	s19 =	sld [smem:$0x3FDB];
	_ =	sdelay $0x1  }
0x9a: {  	s5 =	simm.s32 $_scs_section_size  }
0x9b: {  	s6 =	simm.s32 $_size__tile_overlayer_lowered;
	s7 =	simm.s32 $_tile_overlayer_lowered  }
0x9c: {  	s22 =	simm.s32 $0x1BFF;
	s21 =	sshll.u32 s7, $0x1;
	s4 =	sadd.s32 s5, s19  }
0x9d: {  	s8 =	simm.s32 $0x0;
	s20 =	sshll.u32 s6, $0x1;
	s6 =	sadd.s32 s21, s4  }
0x9e: {  	[timem:s8], [sflag:s22] =	dma.local [hbm:s6], s20  }
0x9f: {  	_ =	swait.ge [sflag:s22], s20  }
0xa0: {  	s5 =	ssub.s32 $0x0, s20;
	[sflag:s22] =	ssyncset.done $0x0  }
0xa1: {  	[sflag:s22] =	ssyncadd.s32 s5;
	_ =	sdelay $0x1  }
0xa2: {  	s23 =	simm.s32 $0x1B8B  }
0xa3: {  	_ =	swait.ge [sflag:s23], $0x1  }
0xa4: {  	[sflag:s23] =	ssyncset.done $0x0  }
0xa5: {  	s25 =	simm.s32 $0x1B8E;
	s24 =	sld [smem:$0x3FFE];
	[sflag:s23] =	ssyncadd.s32 $0xFFFFFFFF  }
0xa6: {  	s26 =	simm.s32 $execute0_lowered;
	[smem:$0x3FD2] =	sst s25  }
0xa7: {  	s6 =	sshll.u32 s26, $0x1;
	_ =	strace $0x80000046;
	[dreg:$0x1] =	wrdreg $0xFFFFFFFF  }
0xa8: {  	s28 =	simm.s32 $_size_execute0_lowered;
	s4 =	sadd.s32 s4, s6;
	[dreg:$0x0] =	wrdreg $0x0  }
0xa9: {  	s6 =	sshll.u32 s28, $0x1;
	[dreg:$0x2] =	wrdreg s4  }
0xaa: {  	[dreg:$0x3] =	wrdreg s6  }
0xab: {  	[dreg:$0x4] =	wrdreg $0xC0  }
0xac: {  	_ =	task [dreg:s8], $0x5FFFF  }
0xad: {  	[dreg:$0x1] =	wrdreg $0xFFFFFFFF  }
0xae: {  	[dreg:$0x0] =	wrdreg $0x60  }
0xaf: {  	[dreg:$0x2] =	wrdreg s24  }
0xb0: {  	[dreg:$0x3] =	wrdreg s2  }
0xb1: {  	[dreg:$0x4] =	wrdreg s18  }
0xb2: {  	[dreg:$0x5] =	wrdreg $0x9  }
0xb3: {  	_ =	task.clear_ibuf [dreg:s8], $0x6FFFF;
	_ =	strace $0x90000046  }
0xb4: {  	s29 =	simm.s32 $0x9;
	_ =	strace $0x80000048  }
0xb5: {  	_ =	swait.ge [sflag:s29], $0x1  }
0xb6: {  	[sflag:s29] =	ssyncadd.s32 $0xFFFFFFFF  }
0xb7: {  	_ =	strace $0x90000048  }
0xb8: {  	_ =	sfence  }
0xb9: {  	s30 =	sld [smem:$0x0];
	_ =	sdelay $0x2  }
0xba: {  	s31 =	sshll.u32 s1, $0xD;
	s1 =	sshrl.u32 s1, $0x2  }
0xbb: {  	s3 =	sand.u32 $0x4000, s31;
	s1 =	sadd.s32 s1, s30  }
0xbc: {  	s0 =	sor.u32 s3, s0;
	s1 =	sshll.u32 s1, $0x11  }
0xbd: {  	s0 =	sor.u32 s1, s0  }
0xbe: {  	s0 =	sadd.s32 $0x8F2B, s0  }
0xbf: {  	[sflag:s0] =	ssyncadd.remote.s32 $0x1  }
0xc0: {  	_ =	sfence.sel $0xFFFF  }
0xc1: {  	[dreg:$0x0] =	wrdreg $0xFFFFFFFF;
	(pc) =	sbr.abs _section_cstart, $3  }
0xc2: {  	[dreg:$0x1] =	wrdreg $0xFFFFFFFF  }
0xc3: {  	_ =	task.clear_ibuf [dreg:s8], $0x2FFFF;
	_ =	strace $0x9FFFFFFF  }
0xc4: {  	(tm) =	ssettm $0x7FFFFFFF  }
0xc5: {  	_ =	shalt  }
tec
execute0_lowered:
.L_overlay_start_1:
0x0: {  	(tag) =	ssettag $0x1  }
0x1: {  	s0 =	rddreg [dreg:$0x0]  }
0x2: {  	s1 =	rddreg [dreg:$0x1];
	s4 =	srdreg.scid  }
0x3: {  	s2 =	rddreg [dreg:$0x2];
	s6 =	stileid.u32;
	s4 =	sand.u32 $0x1, s4  }
0x4: {  	s3 =	simm.s32 $0x0;
	s6 =	sshll.u32 s6, $0x8;
	s5 =	sshll.u32 s4, $0xC  }
0x5: {  	[smem:$0x7FF] =	sst s3;
	s5 =	sor.u32 s6, s5  }
0x6: {  	s0 =	sadd.s32 $0x400, s0;
	_ =	strace $0x80000047;
	s6 =	sshrl.u32 s5, $0x3  }
0x7: {  	s7 =	sor.u32 $0x30, s5;
	s5 =	sshll.u32 s5, $0x8;
	s6 =	sadd.s32 s0, s6  }
0x8: {  	s8 =	sshrl.u32 s7, $0x3;
	s12 =	sadd.s32 s2, s5;
	[dreg:$0x4] =	wrdreg s6  }
0x9: {  	s0 =	sadd.s32 s0, s8;
	[smem:$0x7FB] =	sst s12  }
0xa: {  	s23 =	sadd.s32 $0x800, s12;
	[dreg:$0x5] =	wrdreg s0  }
0xb: {  	s24 =	sadd.s32 $0x1000, s12;
	[dreg:$0x6] =	wrdreg s23  }
0xc: {  	s25 =	sadd.s32 $0x1800, s12;
	[dreg:$0x7] =	wrdreg s24  }
0xd: {  	s26 =	sadd.s32 $0x2000, s12;
	[dreg:$0x8] =	wrdreg s25  }
0xe: {  	s29 =	sshll.u32 s7, $0x8;
	s28 =	sadd.s32 $0x2800, s12;
	[dreg:$0x9] =	wrdreg s26  }
0xf: {  	s30 =	sadd.s32 s2, s29;
	[dreg:$0xa] =	wrdreg s28  }
0x10: {  	s31 =	sadd.s32 $0x3800, s12;
	[dreg:$0xb] =	wrdreg s30  }
0x11: {  	s2 =	sadd.s32 $0x4000, s12;
	[dreg:$0xc] =	wrdreg s31  }
0x12: {  	s5 =	sadd.s32 $0x4800, s12;
	[dreg:$0xd] =	wrdreg s2  }
0x13: {  	s6 =	sadd.s32 $0x5000, s12;
	[dreg:$0xe] =	wrdreg s5  }
0x14: {  	s7 =	sadd.s32 $0x5800, s12;
	[dreg:$0xf] =	wrdreg s6  }
0x15: {  	s8 =	sadd.s32 $0x6000, s12;
	[dreg:$0x10] =	wrdreg s7  }
0x16: {  	s9 =	sadd.s32 $0x6800, s12;
	[dreg:$0x11] =	wrdreg s8  }
0x17: {  	s10 =	sadd.s32 $0x7000, s12;
	[dreg:$0x12] =	wrdreg s9  }
0x18: {  	s11 =	sadd.s32 $0x7800, s12;
	[dreg:$0x13] =	wrdreg s10  }
0x19: {  	s13 =	sadd.s32 $0x8000, s12;
	[dreg:$0x14] =	wrdreg s11  }
0x1a: {  	s14 =	sadd.s32 $0x8800, s12;
	[dreg:$0x15] =	wrdreg s13  }
0x1b: {  	s15 =	sadd.s32 $0x9000, s12;
	[dreg:$0x16] =	wrdreg s14  }
0x1c: {  	s16 =	sadd.s32 $0x9800, s12;
	[dreg:$0x17] =	wrdreg s15  }
0x1d: {  	s17 =	sadd.s32 $0xA000, s12;
	[dreg:$0x18] =	wrdreg s16  }
0x1e: {  	s19 =	ssub.s32 $0x2, s4;
	s18 =	sadd.s32 $0xA800, s12;
	[dreg:$0x19] =	wrdreg s17  }
0x1f: {  	s4 =	sshrl.u32 s19, $0x1;
	s20 =	sadd.s32 $0xB000, s12;
	[dreg:$0x1a] =	wrdreg s18  }
0x20: {  	s21 =	sadd.s32 $0xB800, s12;
	s22 =	sadd.s32 $0xC000, s12;
	[dreg:$0x1b] =	wrdreg s20  }
0x21: {  	s29 =	sadd.s32 $0xF000, s12;
	s2 =	ssub.s32 s19, s4;
	[dreg:$0x1c] =	wrdreg s21  }
0x22: {  	s5 =	sadd.s32 $0x100, s1;
	[dreg:$0x1d] =	wrdreg s22;
	s23 =	sadd.s32 $0xC800, s12  }
0x23: {  	s6 =	sadd.s32 $0x200, s1;
	s24 =	sadd.s32 $0xD000, s12;
	s7 =	sadd.s32 $0x300, s1  }
0x24: {  	s25 =	sadd.s32 $0xD800, s12;
	s8 =	sadd.s32 $0x400, s1;
	s26 =	sadd.s32 $0xE000, s12  }
0x25: {  	s9 =	sadd.s32 $0x500, s1;
	s28 =	sadd.s32 $0xE800, s12;
	[smem:$0x7FA] =	sst s29  }
0x26: {  	s10 =	sadd.s32 $0x600, s1;
	s11 =	sadd.s32 $0x700, s1;
	[dreg:$0x1e] =	wrdreg s23  }
0x27: {  	s30 =	sadd.s32 $0xF800, s12;
	s31 =	simm.s32 $0x30;
	[dreg:$0x1f] =	wrdreg s24  }
0x28: {  	s13 =	simm.s32 $0x1;
	s15 =	simm.s32 $0x7;
	[smem:$0x7F7] =	sst s25  }
0x29: {  	s16 =	simm.s32 $0x2;
	s17 =	simm.s32 $0x8;
	[smem:$0x7F8] =	sst s26  }
0x2a: {  	s18 =	simm.s32 $0x3;
	s19 =	simm.s32 $0x9;
	[smem:$0x7F9] =	sst s28  }
0x2b: {  	v0 =	vlaneseq.u32;
	s20 =	simm.s32 $0x4;
	s21 =	simm.s32 $0xA;
	[smem:$0x7FC] =	sst s30  }
0x2c: {  	v1 =	vshrl.u32 v0, $0x3;
	s2 =	smax.u32 s2, $0x1;
	[smem:$0x7FD] =	sst s31;
	s23 =	simm.s32 $0x5  }
0x2d: {  	vm0 =	vmmov $0xffff;
	v0 =	vand.u32 $0x7, v0;
	v1 =	vmul.u32 $0x8, v1;
	s24 =	simm.s32 $0xB;
	s25 =	simm.s32 $0x6;
	s26 =	simm.s32 $0xC  }
.LBB2_1:
0x2e: {  	s28 =	rddreg [dreg:$0x4]  }
0x2f: {  	s30 =	sld [smem:$0x7FD]  }
0x30: {  	[tilespmem:s3], [sflag:$0xD] =	stream.linear.gather [hbm4b:s28+s3], $0x30, $0x38;
	[tilespmem:$0x18100] =	vst v63  }
0x31: {  	s29 =	rddreg [dreg:$0x5];
	s4 =	simm.s32 $0xD  }
0x32: {  	[tilespmem:s30], [sflag:$0xE] =	stream.linear.gather [hbm4b:s29+s3], $0xD0, $0x38;
	[tilespmem:$0x18100] =	vst v63  }
0x33: {  	_ =	swait.ge [sflag:s4], $0x30  }
0x34: {  	[sflag:s4] =	ssyncset.done $0x0  }
0x35: {  	[sflag:s4] =	ssyncadd.s32 $0xFFFFFFD0  }
0x36: {  	v2 =	vld.msk [tilespmem:$0x0], $0xff;
	_ =	sdelay $0x4  }
0x37: {  	v3 =	vshll.u32 v2, $0x4  }
0x38: {  	v2 =	vand.u32 $0x7, v2;
	v3 =	vand.u32 $0xFFFFFF80, v3  }
0x39: {  	v2 =	vor.u32 v2, v3  }
0x3a: {  	v2 =	vperm.xlane v2, v0;
	_ =	sdelay $0x1  }
0x3b: {  	v2 =	vadd.s32 v1, v2;
	_ =	sdelay $0x3  }
0x3c: {  	s0 =	simm.s32 $0x100  }
0x3d: {  	[tilespmem:s0], [sflag:$0x1] =	stream.indirect_vreg.gather [hbm4b:s1+s3], $0x80, v2, vm0, $0xb8;
	[tilespmem:$0x18100] =	vst v63  }
0x3e: {  	s12 =	simm.s32 $0x900  }
0x3f: {  	[tilespmem:s12], [sflag:$0x1] =	stream.indirect_vreg.gather [hbm4b:s5+s3], $0x80, v2, vm0, $0xb8;
	[tilespmem:$0x18100] =	vst v63  }
0x40: {  	s14 =	simm.s32 $0x1100  }
0x41: {  	[tilespmem:s14], [sflag:$0x1] =	stream.indirect_vreg.gather [hbm4b:s6+s3], $0x80, v2, vm0, $0xb8;
	[tilespmem:$0x18100] =	vst v63  }
0x42: {  	s22 =	simm.s32 $0x1900  }
0x43: {  	[tilespmem:s22], [sflag:$0x1] =	stream.indirect_vreg.gather [hbm4b:s7+s3], $0x80, v2, vm0, $0xb8;
	[tilespmem:$0x18100] =	vst v63  }
0x44: {  	s28 =	simm.s32 $0x2100  }
0x45: {  	[tilespmem:s28], [sflag:$0x1] =	stream.indirect_vreg.gather [hbm4b:s8+s3], $0x80, v2, vm0, $0xb8;
	[tilespmem:$0x18100] =	vst v63  }
0x46: {  	s29 =	simm.s32 $0x2900  }
0x47: {  	[tilespmem:s29], [sflag:$0x1] =	stream.indirect_vreg.gather [hbm4b:s9+s3], $0x80, v2, vm0, $0xb8;
	[tilespmem:$0x18100] =	vst v63  }
0x48: {  	s30 =	simm.s32 $0x3100  }
0x49: {  	[tilespmem:s30], [sflag:$0x1] =	stream.indirect_vreg.gather [hbm4b:s10+s3], $0x80, v2, vm0, $0xb8;
	[tilespmem:$0x18100] =	vst v63  }
0x4a: {  	s31 =	simm.s32 $0x3900  }
0x4b: {  	[tilespmem:s31], [sflag:$0x1] =	stream.indirect_vreg.gather [hbm4b:s11+s3], $0x80, v2, vm0, $0xb8;
	[tilespmem:$0x18100] =	vst v63  }
0x4c: {  	v2 =	vld.msk [tilespmem:$0x8], $0xff;
	_ =	sdelay $0x4  }
0x4d: {  	v3 =	vshll.u32 v2, $0x4  }
0x4e: {  	v2 =	vand.u32 $0x7, v2;
	v3 =	vand.u32 $0xFFFFFF80, v3  }
0x4f: {  	v2 =	vor.u32 v2, v3  }
0x50: {  	v2 =	vperm.xlane v2, v0;
	_ =	sdelay $0x1  }
0x51: {  	v2 =	vadd.s32 v1, v2;
	_ =	sdelay $0x3  }
0x52: {  	s4 =	simm.s32 $0x4100  }
0x53: {  	[tilespmem:s4], [sflag:$0x2] =	stream.indirect_vreg.gather [hbm4b:s1+s3], $0x80, v2, vm0, $0xb8;
	[tilespmem:$0x18100] =	vst v63  }
0x54: {  	s14 =	simm.s32 $0x4900  }
0x55: {  	[tilespmem:s14], [sflag:$0x2] =	stream.indirect_vreg.gather [hbm4b:s5+s3], $0x80, v2, vm0, $0xb8;
	[tilespmem:$0x18100] =	vst v63  }
0x56: {  	s22 =	simm.s32 $0x5100  }
0x57: {  	[tilespmem:s22], [sflag:$0x2] =	stream.indirect_vreg.gather [hbm4b:s6+s3], $0x80, v2, vm0, $0xb8;
	[tilespmem:$0x18100] =	vst v63  }
0x58: {  	s29 =	simm.s32 $0x5900  }
0x59: {  	[tilespmem:s29], [sflag:$0x2] =	stream.indirect_vreg.gather [hbm4b:s7+s3], $0x80, v2, vm0, $0xb8;
	[tilespmem:$0x18100] =	vst v63  }
0x5a: {  	s30 =	simm.s32 $0x6100  }
0x5b: {  	[tilespmem:s30], [sflag:$0x2] =	stream.indirect_vreg.gather [hbm4b:s8+s3], $0x80, v2, vm0, $0xb8;
	[tilespmem:$0x18100] =	vst v63  }
0x5c: {  	s0 =	simm.s32 $0x6900  }
0x5d: {  	[tilespmem:s0], [sflag:$0x2] =	stream.indirect_vreg.gather [hbm4b:s9+s3], $0x80, v2, vm0, $0xb8;
	[tilespmem:$0x18100] =	vst v63  }
0x5e: {  	s4 =	simm.s32 $0x7100  }
0x5f: {  	[tilespmem:s4], [sflag:$0x2] =	stream.indirect_vreg.gather [hbm4b:s10+s3], $0x80, v2, vm0, $0xb8;
	[tilespmem:$0x18100] =	vst v63  }
0x60: {  	s14 =	simm.s32 $0x7900  }
0x61: {  	[tilespmem:s14], [sflag:$0x2] =	stream.indirect_vreg.gather [hbm4b:s11+s3], $0x80, v2, vm0, $0xb8;
	[tilespmem:$0x18100] =	vst v63  }
0x62: {  	v2 =	vld.msk [tilespmem:$0x10], $0xff;
	_ =	sdelay $0x4  }
0x63: {  	v3 =	vshll.u32 v2, $0x4  }
0x64: {  	v2 =	vand.u32 $0x7, v2;
	v3 =	vand.u32 $0xFFFFFF80, v3  }
0x65: {  	v2 =	vor.u32 v2, v3  }
0x66: {  	v2 =	vperm.xlane v2, v0;
	_ =	sdelay $0x1  }
0x67: {  	v2 =	vadd.s32 v1, v2;
	_ =	sdelay $0x3  }
0x68: {  	s4 =	simm.s32 $0x8100  }
0x69: {  	[tilespmem:s4], [sflag:$0x3] =	stream.indirect_vreg.gather [hbm4b:s1+s3], $0x80, v2, vm0, $0xb8;
	[tilespmem:$0x18100] =	vst v63  }
0x6a: {  	s22 =	simm.s32 $0x8900  }
0x6b: {  	[tilespmem:s22], [sflag:$0x3] =	stream.indirect_vreg.gather [hbm4b:s5+s3], $0x80, v2, vm0, $0xb8;
	[tilespmem:$0x18100] =	vst v63  }
0x6c: {  	s28 =	simm.s32 $0x9100  }
0x6d: {  	[tilespmem:s28], [sflag:$0x3] =	stream.indirect_vreg.gather [hbm4b:s6+s3], $0x80, v2, vm0, $0xb8;
	[tilespmem:$0x18100] =	vst v63  }
0x6e: {  	s29 =	simm.s32 $0x9900  }
0x6f: {  	[tilespmem:s29], [sflag:$0x3] =	stream.indirect_vreg.gather [hbm4b:s7+s3], $0x80, v2, vm0, $0xb8;
	[tilespmem:$0x18100] =	vst v63  }
0x70: {  	s30 =	simm.s32 $0xA100  }
0x71: {  	[tilespmem:s30], [sflag:$0x3] =	stream.indirect_vreg.gather [hbm4b:s8+s3], $0x80, v2, vm0, $0xb8;
	[tilespmem:$0x18100] =	vst v63  }
0x72: {  	s4 =	simm.s32 $0xA900  }
0x73: {  	[tilespmem:s4], [sflag:$0x3] =	stream.indirect_vreg.gather [hbm4b:s9+s3], $0x80, v2, vm0, $0xb8;
	[tilespmem:$0x18100] =	vst v63  }
0x74: {  	s14 =	simm.s32 $0xB100  }
0x75: {  	[tilespmem:s14], [sflag:$0x3] =	stream.indirect_vreg.gather [hbm4b:s10+s3], $0x80, v2, vm0, $0xb8;
	[tilespmem:$0x18100] =	vst v63  }
0x76: {  	s22 =	simm.s32 $0xB900  }
0x77: {  	[tilespmem:s22], [sflag:$0x3] =	stream.indirect_vreg.gather [hbm4b:s11+s3], $0x80, v2, vm0, $0xb8;
	[tilespmem:$0x18100] =	vst v63  }
0x78: {  	v2 =	vld.msk [tilespmem:$0x18], $0xff;
	_ =	sdelay $0x4  }
0x79: {  	v3 =	vshll.u32 v2, $0x4  }
0x7a: {  	v2 =	vand.u32 $0x7, v2;
	v3 =	vand.u32 $0xFFFFFF80, v3  }
0x7b: {  	v2 =	vor.u32 v2, v3  }
0x7c: {  	v2 =	vperm.xlane v2, v0;
	_ =	sdelay $0x1  }
0x7d: {  	v2 =	vadd.s32 v1, v2;
	_ =	sdelay $0x3  }
0x7e: {  	s28 =	simm.s32 $0xC100  }
0x7f: {  	[tilespmem:s28], [sflag:$0x4] =	stream.indirect_vreg.gather [hbm4b:s1+s3], $0x80, v2, vm0, $0xb8;
	[tilespmem:$0x18100] =	vst v63  }
0x80: {  	s29 =	simm.s32 $0xC900  }
0x81: {  	[tilespmem:s29], [sflag:$0x4] =	stream.indirect_vreg.gather [hbm4b:s5+s3], $0x80, v2, vm0, $0xb8;
	[tilespmem:$0x18100] =	vst v63  }
0x82: {  	s30 =	simm.s32 $0xD100  }
0x83: {  	[tilespmem:s30], [sflag:$0x4] =	stream.indirect_vreg.gather [hbm4b:s6+s3], $0x80, v2, vm0, $0xb8;
	[tilespmem:$0x18100] =	vst v63  }
0x84: {  	s4 =	simm.s32 $0xD900  }
0x85: {  	[tilespmem:s4], [sflag:$0x4] =	stream.indirect_vreg.gather [hbm4b:s7+s3], $0x80, v2, vm0, $0xb8;
	[tilespmem:$0x18100] =	vst v63  }
0x86: {  	s14 =	simm.s32 $0xE100  }
0x87: {  	[tilespmem:s14], [sflag:$0x4] =	stream.indirect_vreg.gather [hbm4b:s8+s3], $0x80, v2, vm0, $0xb8;
	[tilespmem:$0x18100] =	vst v63  }
0x88: {  	s28 =	simm.s32 $0xE900  }
0x89: {  	[tilespmem:s28], [sflag:$0x4] =	stream.indirect_vreg.gather [hbm4b:s9+s3], $0x80, v2, vm0, $0xb8;
	[tilespmem:$0x18100] =	vst v63  }
0x8a: {  	s4 =	simm.s32 $0xF100  }
0x8b: {  	[tilespmem:s4], [sflag:$0x4] =	stream.indirect_vreg.gather [hbm4b:s10+s3], $0x80, v2, vm0, $0xb8;
	[tilespmem:$0x18100] =	vst v63  }
0x8c: {  	s14 =	simm.s32 $0xF900  }
0x8d: {  	[tilespmem:s14], [sflag:$0x4] =	stream.indirect_vreg.gather [hbm4b:s11+s3], $0x80, v2, vm0, $0xb8;
	[tilespmem:$0x18100] =	vst v63  }
0x8e: {  	v2 =	vld.msk [tilespmem:$0x20], $0xff;
	_ =	sdelay $0x4  }
0x8f: {  	v3 =	vshll.u32 v2, $0x4  }
0x90: {  	v2 =	vand.u32 $0x7, v2;
	v3 =	vand.u32 $0xFFFFFF80, v3  }
0x91: {  	v2 =	vor.u32 v2, v3  }
0x92: {  	v2 =	vperm.xlane v2, v0;
	_ =	sdelay $0x1  }
0x93: {  	v2 =	vadd.s32 v1, v2;
	_ =	sdelay $0x3  }
0x94: {  	s28 =	simm.s32 $0x10100  }
0x95: {  	[tilespmem:s28], [sflag:$0x5] =	stream.indirect_vreg.gather [hbm4b:s1+s3], $0x80, v2, vm0, $0xb8;
	[tilespmem:$0x18100] =	vst v63  }
0x96: {  	s14 =	simm.s32 $0x10900  }
0x97: {  	[tilespmem:s14], [sflag:$0x5] =	stream.indirect_vreg.gather [hbm4b:s5+s3], $0x80, v2, vm0, $0xb8;
	[tilespmem:$0x18100] =	vst v63  }
0x98: {  	s4 =	simm.s32 $0x11100  }
0x99: {  	[tilespmem:s4], [sflag:$0x5] =	stream.indirect_vreg.gather [hbm4b:s6+s3], $0x80, v2, vm0, $0xb8;
	[tilespmem:$0x18100] =	vst v63  }
0x9a: {  	s28 =	simm.s32 $0x11900  }
0x9b: {  	[tilespmem:s28], [sflag:$0x5] =	stream.indirect_vreg.gather [hbm4b:s7+s3], $0x80, v2, vm0, $0xb8;
	[tilespmem:$0x18100] =	vst v63  }
0x9c: {  	s0 =	simm.s32 $0x12100  }
0x9d: {  	[tilespmem:s0], [sflag:$0x5] =	stream.indirect_vreg.gather [hbm4b:s8+s3], $0x80, v2, vm0, $0xb8;
	[tilespmem:$0x18100] =	vst v63  }
0x9e: {  	s4 =	simm.s32 $0x12900  }
0x9f: {  	[tilespmem:s4], [sflag:$0x5] =	stream.indirect_vreg.gather [hbm4b:s9+s3], $0x80, v2, vm0, $0xb8;
	[tilespmem:$0x18100] =	vst v63  }
0xa0: {  	s28 =	simm.s32 $0x13100  }
0xa1: {  	[tilespmem:s28], [sflag:$0x5] =	stream.indirect_vreg.gather [hbm4b:s10+s3], $0x80, v2, vm0, $0xb8;
	[tilespmem:$0x18100] =	vst v63  }
0xa2: {  	s0 =	simm.s32 $0x13900  }
0xa3: {  	[tilespmem:s0], [sflag:$0x5] =	stream.indirect_vreg.gather [hbm4b:s11+s3], $0x80, v2, vm0, $0xb8;
	[tilespmem:$0x18100] =	vst v63  }
0xa4: {  	v2 =	vld.msk [tilespmem:$0x28], $0xff;
	_ =	sdelay $0x4  }
0xa5: {  	v3 =	vshll.u32 v2, $0x4  }
0xa6: {  	v2 =	vand.u32 $0x7, v2;
	v3 =	vand.u32 $0xFFFFFF80, v3  }
0xa7: {  	v2 =	vor.u32 v2, v3  }
0xa8: {  	v2 =	vperm.xlane v2, v0;
	_ =	sdelay $0x1  }
0xa9: {  	v2 =	vadd.s32 v1, v2;
	_ =	sdelay $0x3  }
0xaa: {  	s4 =	simm.s32 $0x14100  }
0xab: {  	[tilespmem:s4], [sflag:$0x6] =	stream.indirect_vreg.gather [hbm4b:s1+s3], $0x80, v2, vm0, $0xb8;
	[tilespmem:$0x18100] =	vst v63  }
0xac: {  	s14 =	simm.s32 $0x14900  }
0xad: {  	[tilespmem:s14], [sflag:$0x6] =	stream.indirect_vreg.gather [hbm4b:s5+s3], $0x80, v2, vm0, $0xb8;
	[tilespmem:$0x18100] =	vst v63  }
0xae: {  	s0 =	simm.s32 $0x15100  }
0xaf: {  	[tilespmem:s0], [sflag:$0x6] =	stream.indirect_vreg.gather [hbm4b:s6+s3], $0x80, v2, vm0, $0xb8;
	[tilespmem:$0x18100] =	vst v63  }
0xb0: {  	s4 =	simm.s32 $0x15900  }
0xb1: {  	[tilespmem:s4], [sflag:$0x6] =	stream.indirect_vreg.gather [hbm4b:s7+s3], $0x80, v2, vm0, $0xb8;
	[tilespmem:$0x18100] =	vst v63  }
0xb2: {  	s14 =	simm.s32 $0x16100  }
0xb3: {  	[tilespmem:s14], [sflag:$0x6] =	stream.indirect_vreg.gather [hbm4b:s8+s3], $0x80, v2, vm0, $0xb8;
	[tilespmem:$0x18100] =	vst v63  }
0xb4: {  	s0 =	simm.s32 $0x16900  }
0xb5: {  	[tilespmem:s0], [sflag:$0x6] =	stream.indirect_vreg.gather [hbm4b:s9+s3], $0x80, v2, vm0, $0xb8;
	[tilespmem:$0x18100] =	vst v63  }
0xb6: {  	s4 =	simm.s32 $0x17100  }
0xb7: {  	[tilespmem:s4], [sflag:$0x6] =	stream.indirect_vreg.gather [hbm4b:s10+s3], $0x80, v2, vm0, $0xb8;
	[tilespmem:$0x18100] =	vst v63  }
0xb8: {  	s14 =	simm.s32 $0x17900;
	s0 =	simm.s32 $0xE  }
0xb9: {  	[tilespmem:s14], [sflag:$0x6] =	stream.indirect_vreg.gather [hbm4b:s11+s3], $0x80, v2, vm0, $0xb8;
	[tilespmem:$0x18100] =	vst v63  }
0xba: {  	_ =	swait.ge [sflag:s0], $0xD0  }
0xbb: {  	[sflag:s0] =	ssyncset.done $0x0  }
0xbc: {  	[sflag:s0] =	ssyncadd.s32 $0xFFFFFF30  }
0xbd: {  	_ =	swait.ge [sflag:s13], $0x4000  }
0xbe: {  	s4 =	sld [smem:$0x7FB]  }
0xbf: {  	[sflag:s13] =	ssyncset.done $0x0  }
0xc0: {  	s14 =	simm.s32 $0x100;
	[sflag:s13] =	ssyncadd.s32 $0xFFFFC000  }
0xc1: {  	[hbm4b:s4+s3] =	stream.linear.scatter [tilespmem:s14], [sflag:$0x7], $0x4000, $0x38;
	[tilespmem:$0x18100] =	vst v63  }
0xc2: {  	_ =	swait.ge [sflag:s15], $0x4000  }
0xc3: {  	[sflag:s15] =	ssyncset.done $0x0  }
0xc4: {  	[sflag:s15] =	ssyncadd.s32 $0xFFFFC000  }
0xc5: {  	v2 =	vld.msk [tilespmem:$0x30], $0xff;
	_ =	sdelay $0x4  }
0xc6: {  	v3 =	vshll.u32 v2, $0x4  }
0xc7: {  	v2 =	vand.u32 $0x7, v2;
	v3 =	vand.u32 $0xFFFFFF80, v3  }
0xc8: {  	v2 =	vor.u32 v2, v3  }
0xc9: {  	v2 =	vperm.xlane v2, v0;
	_ =	sdelay $0x1  }
0xca: {  	v2 =	vadd.s32 v1, v2;
	_ =	sdelay $0x4  }
0xcb: {  	[tilespmem:s14], [sflag:$0x1] =	stream.indirect_vreg.gather [hbm4b:s1+s3], $0x80, v2, vm0, $0xb8;
	[tilespmem:$0x18100] =	vst v63  }
0xcc: {  	s4 =	simm.s32 $0x900  }
0xcd: {  	[tilespmem:s4], [sflag:$0x1] =	stream.indirect_vreg.gather [hbm4b:s5+s3], $0x80, v2, vm0, $0xb8;
	[tilespmem:$0x18100] =	vst v63  }
0xce: {  	s12 =	simm.s32 $0x1100  }
0xcf: {  	[tilespmem:s12], [sflag:$0x1] =	stream.indirect_vreg.gather [hbm4b:s6+s3], $0x80, v2, vm0, $0xb8;
	[tilespmem:$0x18100] =	vst v63  }
0xd0: {  	s12 =	simm.s32 $0x1900  }
0xd1: {  	[tilespmem:s12], [sflag:$0x1] =	stream.indirect_vreg.gather [hbm4b:s7+s3], $0x80, v2, vm0, $0xb8;
	[tilespmem:$0x18100] =	vst v63  }
0xd2: {  	s14 =	simm.s32 $0x2100  }
0xd3: {  	[tilespmem:s14], [sflag:$0x1] =	stream.indirect_vreg.gather [hbm4b:s8+s3], $0x80, v2, vm0, $0xb8;
	[tilespmem:$0x18100] =	vst v63  }
0xd4: {  	s28 =	simm.s32 $0x2900  }
0xd5: {  	[tilespmem:s28], [sflag:$0x1] =	stream.indirect_vreg.gather [hbm4b:s9+s3], $0x80, v2, vm0, $0xb8;
	[tilespmem:$0x18100] =	vst v63  }
0xd6: {  	s4 =	simm.s32 $0x3100  }
0xd7: {  	[tilespmem:s4], [sflag:$0x1] =	stream.indirect_vreg.gather [hbm4b:s10+s3], $0x80, v2, vm0, $0xb8;
	[tilespmem:$0x18100] =	vst v63  }
0xd8: {  	s31 =	simm.s32 $0x3900  }
0xd9: {  	[tilespmem:s31], [sflag:$0x1] =	stream.indirect_vreg.gather [hbm4b:s11+s3], $0x80, v2, vm0, $0xb8;
	[tilespmem:$0x18100] =	vst v63  }
0xda: {  	_ =	swait.ge [sflag:s16], $0x4000  }
0xdb: {  	[sflag:s16] =	ssyncset.done $0x0  }
0xdc: {  	s14 =	simm.s32 $0x4100;
	s12 =	rddreg [dreg:$0x6];
	[sflag:s16] =	ssyncadd.s32 $0xFFFFC000  }
0xdd: {  	[hbm4b:s12+s3] =	stream.linear.scatter [tilespmem:s14], [sflag:$0x8], $0x4000, $0x38;
	[tilespmem:$0x18100] =	vst v63  }
0xde: {  	_ =	swait.ge [sflag:s17], $0x4000  }
0xdf: {  	[sflag:s17] =	ssyncset.done $0x0  }
0xe0: {  	[sflag:s17] =	ssyncadd.s32 $0xFFFFC000  }
0xe1: {  	v2 =	vld.msk [tilespmem:$0x38], $0xff;
	_ =	sdelay $0x4  }
0xe2: {  	v3 =	vshll.u32 v2, $0x4  }
0xe3: {  	v2 =	vand.u32 $0x7, v2;
	v3 =	vand.u32 $0xFFFFFF80, v3  }
0xe4: {  	v2 =	vor.u32 v2, v3  }
0xe5: {  	v2 =	vperm.xlane v2, v0;
	_ =	sdelay $0x1  }
0xe6: {  	v2 =	vadd.s32 v1, v2;
	_ =	sdelay $0x4  }
0xe7: {  	[tilespmem:s14], [sflag:$0x2] =	stream.indirect_vreg.gather [hbm4b:s1+s3], $0x80, v2, vm0, $0xb8;
	[tilespmem:$0x18100] =	vst v63  }
0xe8: {  	s31 =	simm.s32 $0x4900  }
0xe9: {  	[tilespmem:s31], [sflag:$0x2] =	stream.indirect_vreg.gather [hbm4b:s5+s3], $0x80, v2, vm0, $0xb8;
	[tilespmem:$0x18100] =	vst v63  }
0xea: {  	s4 =	simm.s32 $0x5100  }
0xeb: {  	[tilespmem:s4], [sflag:$0x2] =	stream.indirect_vreg.gather [hbm4b:s6+s3], $0x80, v2, vm0, $0xb8;
	[tilespmem:$0x18100] =	vst v63  }
0xec: {  	s12 =	simm.s32 $0x5900  }
0xed: {  	[tilespmem:s12], [sflag:$0x2] =	stream.indirect_vreg.gather [hbm4b:s7+s3], $0x80, v2, vm0, $0xb8;
	[tilespmem:$0x18100] =	vst v63  }
0xee: {  	s14 =	simm.s32 $0x6100  }
0xef: {  	[tilespmem:s14], [sflag:$0x2] =	stream.indirect_vreg.gather [hbm4b:s8+s3], $0x80, v2, vm0, $0xb8;
	[tilespmem:$0x18100] =	vst v63  }
0xf0: {  	s28 =	simm.s32 $0x6900  }
0xf1: {  	[tilespmem:s28], [sflag:$0x2] =	stream.indirect_vreg.gather [hbm4b:s9+s3], $0x80, v2, vm0, $0xb8;
	[tilespmem:$0x18100] =	vst v63  }
0xf2: {  	s31 =	simm.s32 $0x7100  }
0xf3: {  	[tilespmem:s31], [sflag:$0x2] =	stream.indirect_vreg.gather [hbm4b:s10+s3], $0x80, v2, vm0, $0xb8;
	[tilespmem:$0x18100] =	vst v63  }
0xf4: {  	s4 =	simm.s32 $0x7900  }
0xf5: {  	[tilespmem:s4], [sflag:$0x2] =	stream.indirect_vreg.gather [hbm4b:s11+s3], $0x80, v2, vm0, $0xb8;
	[tilespmem:$0x18100] =	vst v63  }
0xf6: {  	_ =	swait.ge [sflag:s18], $0x4000  }
0xf7: {  	[sflag:s18] =	ssyncset.done $0x0  }
0xf8: {  	s14 =	simm.s32 $0x8100;
	s12 =	rddreg [dreg:$0x7];
	[sflag:s18] =	ssyncadd.s32 $0xFFFFC000  }
0xf9: {  	[hbm4b:s12+s3] =	stream.linear.scatter [tilespmem:s14], [sflag:$0x9], $0x4000, $0x38;
	[tilespmem:$0x18100] =	vst v63  }
0xfa: {  	_ =	swait.ge [sflag:s19], $0x4000  }
0xfb: {  	[sflag:s19] =	ssyncset.done $0x0  }
0xfc: {  	[sflag:s19] =	ssyncadd.s32 $0xFFFFC000  }
0xfd: {  	v2 =	vld.msk [tilespmem:$0x40], $0xff;
	_ =	sdelay $0x4  }
0xfe: {  	v3 =	vshll.u32 v2, $0x4  }
0xff: {  	v2 =	vand.u32 $0x7, v2;
	v3 =	vand.u32 $0xFFFFFF80, v3  }
0x100: {  	v2 =	vor.u32 v2, v3  }
0x101: {  	v2 =	vperm.xlane v2, v0;
	_ =	sdelay $0x1  }
0x102: {  	v2 =	vadd.s32 v1, v2;
	_ =	sdelay $0x4  }
0x103: {  	[tilespmem:s14], [sflag:$0x3] =	stream.indirect_vreg.gather [hbm4b:s1+s3], $0x80, v2, vm0, $0xb8;
	[tilespmem:$0x18100] =	vst v63  }
0x104: {  	s14 =	simm.s32 $0x8900  }
0x105: {  	[tilespmem:s14], [sflag:$0x3] =	stream.indirect_vreg.gather [hbm4b:s5+s3], $0x80, v2, vm0, $0xb8;
	[tilespmem:$0x18100] =	vst v63  }
0x106: {  	s28 =	simm.s32 $0x9100  }
0x107: {  	[tilespmem:s28], [sflag:$0x3] =	stream.indirect_vreg.gather [hbm4b:s6+s3], $0x80, v2, vm0, $0xb8;
	[tilespmem:$0x18100] =	vst v63  }
0x108: {  	s31 =	simm.s32 $0x9900  }
0x109: {  	[tilespmem:s31], [sflag:$0x3] =	stream.indirect_vreg.gather [hbm4b:s7+s3], $0x80, v2, vm0, $0xb8;
	[tilespmem:$0x18100] =	vst v63  }
0x10a: {  	s4 =	simm.s32 $0xA100  }
0x10b: {  	[tilespmem:s4], [sflag:$0x3] =	stream.indirect_vreg.gather [hbm4b:s8+s3], $0x80, v2, vm0, $0xb8;
	[tilespmem:$0x18100] =	vst v63  }
0x10c: {  	s12 =	simm.s32 $0xA900  }
0x10d: {  	[tilespmem:s12], [sflag:$0x3] =	stream.indirect_vreg.gather [hbm4b:s9+s3], $0x80, v2, vm0, $0xb8;
	[tilespmem:$0x18100] =	vst v63  }
0x10e: {  	s28 =	simm.s32 $0xB100  }
0x10f: {  	[tilespmem:s28], [sflag:$0x3] =	stream.indirect_vreg.gather [hbm4b:s10+s3], $0x80, v2, vm0, $0xb8;
	[tilespmem:$0x18100] =	vst v63  }
0x110: {  	s31 =	simm.s32 $0xB900  }
0x111: {  	[tilespmem:s31], [sflag:$0x3] =	stream.indirect_vreg.gather [hbm4b:s11+s3], $0x80, v2, vm0, $0xb8;
	[tilespmem:$0x18100] =	vst v63  }
0x112: {  	_ =	swait.ge [sflag:s20], $0x4000  }
0x113: {  	[sflag:s20] =	ssyncset.done $0x0  }
0x114: {  	s12 =	simm.s32 $0xC100;
	s4 =	rddreg [dreg:$0x8];
	[sflag:s20] =	ssyncadd.s32 $0xFFFFC000  }
0x115: {  	[hbm4b:s4+s3] =	stream.linear.scatter [tilespmem:s12], [sflag:$0xA], $0x4000, $0x38;
	[tilespmem:$0x18100] =	vst v63  }
0x116: {  	_ =	swait.ge [sflag:s21], $0x4000  }
0x117: {  	[sflag:s21] =	ssyncset.done $0x0  }
0x118: {  	[sflag:s21] =	ssyncadd.s32 $0xFFFFC000  }
0x119: {  	v2 =	vld.msk [tilespmem:$0x48], $0xff;
	_ =	sdelay $0x4  }
0x11a: {  	v3 =	vshll.u32 v2, $0x4  }
0x11b: {  	v2 =	vand.u32 $0x7, v2;
	v3 =	vand.u32 $0xFFFFFF80, v3  }
0x11c: {  	v2 =	vor.u32 v2, v3  }
0x11d: {  	v2 =	vperm.xlane v2, v0;
	_ =	sdelay $0x1  }
0x11e: {  	v2 =	vadd.s32 v1, v2;
	_ =	sdelay $0x4  }
0x11f: {  	[tilespmem:s12], [sflag:$0x4] =	stream.indirect_vreg.gather [hbm4b:s1+s3], $0x80, v2, vm0, $0xb8;
	[tilespmem:$0x18100] =	vst v63  }
0x120: {  	s22 =	simm.s32 $0xC900  }
0x121: {  	[tilespmem:s22], [sflag:$0x4] =	stream.indirect_vreg.gather [hbm4b:s5+s3], $0x80, v2, vm0, $0xb8;
	[tilespmem:$0x18100] =	vst v63  }
0x122: {  	s29 =	simm.s32 $0xD100  }
0x123: {  	[tilespmem:s29], [sflag:$0x4] =	stream.indirect_vreg.gather [hbm4b:s6+s3], $0x80, v2, vm0, $0xb8;
	[tilespmem:$0x18100] =	vst v63  }
0x124: {  	s4 =	simm.s32 $0xD900  }
0x125: {  	[tilespmem:s4], [sflag:$0x4] =	stream.indirect_vreg.gather [hbm4b:s7+s3], $0x80, v2, vm0, $0xb8;
	[tilespmem:$0x18100] =	vst v63  }
0x126: {  	s30 =	simm.s32 $0xE100  }
0x127: {  	[tilespmem:s30], [sflag:$0x4] =	stream.indirect_vreg.gather [hbm4b:s8+s3], $0x80, v2, vm0, $0xb8;
	[tilespmem:$0x18100] =	vst v63  }
0x128: {  	s12 =	simm.s32 $0xE900  }
0x129: {  	[tilespmem:s12], [sflag:$0x4] =	stream.indirect_vreg.gather [hbm4b:s9+s3], $0x80, v2, vm0, $0xb8;
	[tilespmem:$0x18100] =	vst v63  }
0x12a: {  	s22 =	simm.s32 $0xF100  }
0x12b: {  	[tilespmem:s22], [sflag:$0x4] =	stream.indirect_vreg.gather [hbm4b:s10+s3], $0x80, v2, vm0, $0xb8;
	[tilespmem:$0x18100] =	vst v63  }
0x12c: {  	s28 =	simm.s32 $0xF900  }
0x12d: {  	[tilespmem:s28], [sflag:$0x4] =	stream.indirect_vreg.gather [hbm4b:s11+s3], $0x80, v2, vm0, $0xb8;
	[tilespmem:$0x18100] =	vst v63  }
0x12e: {  	_ =	swait.ge [sflag:s23], $0x4000  }
0x12f: {  	[sflag:s23] =	ssyncset.done $0x0  }
0x130: {  	s30 =	simm.s32 $0x10100;
	s29 =	rddreg [dreg:$0x9];
	[sflag:s23] =	ssyncadd.s32 $0xFFFFC000  }
0x131: {  	[hbm4b:s29+s3] =	stream.linear.scatter [tilespmem:s30], [sflag:$0xB], $0x4000, $0x38;
	[tilespmem:$0x18100] =	vst v63  }
0x132: {  	_ =	swait.ge [sflag:s24], $0x4000  }
0x133: {  	[sflag:s24] =	ssyncset.done $0x0  }
0x134: {  	[sflag:s24] =	ssyncadd.s32 $0xFFFFC000  }
0x135: {  	v2 =	vld.msk [tilespmem:$0x50], $0xff;
	_ =	sdelay $0x4  }
0x136: {  	v3 =	vshll.u32 v2, $0x4  }
0x137: {  	v2 =	vand.u32 $0x7, v2;
	v3 =	vand.u32 $0xFFFFFF80, v3  }
0x138: {  	v2 =	vor.u32 v2, v3  }
0x139: {  	v2 =	vperm.xlane v2, v0;
	_ =	sdelay $0x1  }
0x13a: {  	v2 =	vadd.s32 v1, v2;
	_ =	sdelay $0x4  }
0x13b: {  	[tilespmem:s30], [sflag:$0x5] =	stream.indirect_vreg.gather [hbm4b:s1+s3], $0x80, v2, vm0, $0xb8;
	[tilespmem:$0x18100] =	vst v63  }
0x13c: {  	s31 =	simm.s32 $0x10900  }
0x13d: {  	[tilespmem:s31], [sflag:$0x5] =	stream.indirect_vreg.gather [hbm4b:s5+s3], $0x80, v2, vm0, $0xb8;
	[tilespmem:$0x18100] =	vst v63  }
0x13e: {  	s31 =	simm.s32 $0x11100  }
0x13f: {  	[tilespmem:s31], [sflag:$0x5] =	stream.indirect_vreg.gather [hbm4b:s6+s3], $0x80, v2, vm0, $0xb8;
	[tilespmem:$0x18100] =	vst v63  }
0x140: {  	s30 =	simm.s32 $0x11900  }
0x141: {  	[tilespmem:s30], [sflag:$0x5] =	stream.indirect_vreg.gather [hbm4b:s7+s3], $0x80, v2, vm0, $0xb8;
	[tilespmem:$0x18100] =	vst v63  }
0x142: {  	s29 =	simm.s32 $0x12100  }
0x143: {  	[tilespmem:s29], [sflag:$0x5] =	stream.indirect_vreg.gather [hbm4b:s8+s3], $0x80, v2, vm0, $0xb8;
	[tilespmem:$0x18100] =	vst v63  }
0x144: {  	s22 =	simm.s32 $0x12900  }
0x145: {  	[tilespmem:s22], [sflag:$0x5] =	stream.indirect_vreg.gather [hbm4b:s9+s3], $0x80, v2, vm0, $0xb8;
	[tilespmem:$0x18100] =	vst v63  }
0x146: {  	s22 =	simm.s32 $0x13100  }
0x147: {  	[tilespmem:s22], [sflag:$0x5] =	stream.indirect_vreg.gather [hbm4b:s10+s3], $0x80, v2, vm0, $0xb8;
	[tilespmem:$0x18100] =	vst v63  }
0x148: {  	s28 =	simm.s32 $0x13900  }
0x149: {  	[tilespmem:s28], [sflag:$0x5] =	stream.indirect_vreg.gather [hbm4b:s11+s3], $0x80, v2, vm0, $0xb8;
	[tilespmem:$0x18100] =	vst v63  }
0x14a: {  	_ =	swait.ge [sflag:s25], $0x4000  }
0x14b: {  	[sflag:s25] =	ssyncset.done $0x0  }
0x14c: {  	s0 =	simm.s32 $0x14100;
	s28 =	rddreg [dreg:$0xa];
	[sflag:s25] =	ssyncadd.s32 $0xFFFFC000  }
0x14d: {  	[hbm4b:s28+s3] =	stream.linear.scatter [tilespmem:s0], [sflag:$0xC], $0x4000, $0x38;
	[tilespmem:$0x18100] =	vst v63  }
0x14e: {  	_ =	swait.ge [sflag:s26], $0x4000  }
0x14f: {  	[sflag:s26] =	ssyncset.done $0x0  }
0x150: {  	[sflag:s26] =	ssyncadd.s32 $0xFFFFC000  }
0x151: {  	v2 =	vld.msk [tilespmem:$0x58], $0xff;
	_ =	sdelay $0x4  }
0x152: {  	v3 =	vshll.u32 v2, $0x4  }
0x153: {  	v2 =	vand.u32 $0x7, v2;
	v3 =	vand.u32 $0xFFFFFF80, v3  }
0x154: {  	v2 =	vor.u32 v2, v3  }
0x155: {  	v2 =	vperm.xlane v2, v0;
	_ =	sdelay $0x1  }
0x156: {  	v2 =	vadd.s32 v1, v2;
	_ =	sdelay $0x4  }
0x157: {  	[tilespmem:s0], [sflag:$0x6] =	stream.indirect_vreg.gather [hbm4b:s1+s3], $0x80, v2, vm0, $0xb8;
	[tilespmem:$0x18100] =	vst v63  }
0x158: {  	s28 =	simm.s32 $0x14900  }
0x159: {  	[tilespmem:s28], [sflag:$0x6] =	stream.indirect_vreg.gather [hbm4b:s5+s3], $0x80, v2, vm0, $0xb8;
	[tilespmem:$0x18100] =	vst v63  }
0x15a: {  	s28 =	simm.s32 $0x15100  }
0x15b: {  	[tilespmem:s28], [sflag:$0x6] =	stream.indirect_vreg.gather [hbm4b:s6+s3], $0x80, v2, vm0, $0xb8;
	[tilespmem:$0x18100] =	vst v63  }
0x15c: {  	s28 =	simm.s32 $0x15900  }
0x15d: {  	[tilespmem:s28], [sflag:$0x6] =	stream.indirect_vreg.gather [hbm4b:s7+s3], $0x80, v2, vm0, $0xb8;
	[tilespmem:$0x18100] =	vst v63  }
0x15e: {  	s28 =	simm.s32 $0x16100  }
0x15f: {  	[tilespmem:s28], [sflag:$0x6] =	stream.indirect_vreg.gather [hbm4b:s8+s3], $0x80, v2, vm0, $0xb8;
	[tilespmem:$0x18100] =	vst v63  }
0x160: {  	s28 =	simm.s32 $0x16900  }
0x161: {  	[tilespmem:s28], [sflag:$0x6] =	stream.indirect_vreg.gather [hbm4b:s9+s3], $0x80, v2, vm0, $0xb8;
	[tilespmem:$0x18100] =	vst v63  }
0x162: {  	s28 =	simm.s32 $0x17100  }
0x163: {  	[tilespmem:s28], [sflag:$0x6] =	stream.indirect_vreg.gather [hbm4b:s10+s3], $0x80, v2, vm0, $0xb8;
	[tilespmem:$0x18100] =	vst v63  }
0x164: {  	s28 =	simm.s32 $0x17900  }
0x165: {  	[tilespmem:s28], [sflag:$0x6] =	stream.indirect_vreg.gather [hbm4b:s11+s3], $0x80, v2, vm0, $0xb8;
	[tilespmem:$0x18100] =	vst v63  }
0x166: {  	_ =	swait.ge [sflag:s13], $0x4000  }
0x167: {  	[sflag:s13] =	ssyncset.done $0x0  }
0x168: {  	s0 =	simm.s32 $0x100;
	s28 =	rddreg [dreg:$0xb];
	[sflag:s13] =	ssyncadd.s32 $0xFFFFC000  }
0x169: {  	[hbm4b:s28+s3] =	stream.linear.scatter [tilespmem:s0], [sflag:$0x7], $0x4000, $0x38;
	[tilespmem:$0x18100] =	vst v63  }
0x16a: {  	_ =	swait.ge [sflag:s15], $0x4000  }
0x16b: {  	[sflag:s15] =	ssyncset.done $0x0  }
0x16c: {  	[sflag:s15] =	ssyncadd.s32 $0xFFFFC000  }
0x16d: {  	v2 =	vld.msk [tilespmem:$0x60], $0xff;
	_ =	sdelay $0x4  }
0x16e: {  	v3 =	vshll.u32 v2, $0x4  }
0x16f: {  	v2 =	vand.u32 $0x7, v2;
	v3 =	vand.u32 $0xFFFFFF80, v3  }
0x170: {  	v2 =	vor.u32 v2, v3  }
0x171: {  	v2 =	vperm.xlane v2, v0;
	_ =	sdelay $0x1  }
0x172: {  	v2 =	vadd.s32 v1, v2;
	_ =	sdelay $0x4  }
0x173: {  	[tilespmem:s0], [sflag:$0x1] =	stream.indirect_vreg.gather [hbm4b:s1+s3], $0x80, v2, vm0, $0xb8;
	[tilespmem:$0x18100] =	vst v63  }
0x174: {  	s28 =	simm.s32 $0x900  }
0x175: {  	[tilespmem:s28], [sflag:$0x1] =	stream.indirect_vreg.gather [hbm4b:s5+s3], $0x80, v2, vm0, $0xb8;
	[tilespmem:$0x18100] =	vst v63  }
0x176: {  	s28 =	simm.s32 $0x1100  }
0x177: {  	[tilespmem:s28], [sflag:$0x1] =	stream.indirect_vreg.gather [hbm4b:s6+s3], $0x80, v2, vm0, $0xb8;
	[tilespmem:$0x18100] =	vst v63  }
0x178: {  	s28 =	simm.s32 $0x1900  }
0x179: {  	[tilespmem:s28], [sflag:$0x1] =	stream.indirect_vreg.gather [hbm4b:s7+s3], $0x80, v2, vm0, $0xb8;
	[tilespmem:$0x18100] =	vst v63  }
0x17a: {  	s28 =	simm.s32 $0x2100  }
0x17b: {  	[tilespmem:s28], [sflag:$0x1] =	stream.indirect_vreg.gather [hbm4b:s8+s3], $0x80, v2, vm0, $0xb8;
	[tilespmem:$0x18100] =	vst v63  }
0x17c: {  	s28 =	simm.s32 $0x2900  }
0x17d: {  	[tilespmem:s28], [sflag:$0x1] =	stream.indirect_vreg.gather [hbm4b:s9+s3], $0x80, v2, vm0, $0xb8;
	[tilespmem:$0x18100] =	vst v63  }
0x17e: {  	s28 =	simm.s32 $0x3100  }
0x17f: {  	[tilespmem:s28], [sflag:$0x1] =	stream.indirect_vreg.gather [hbm4b:s10+s3], $0x80, v2, vm0, $0xb8;
	[tilespmem:$0x18100] =	vst v63  }
0x180: {  	s28 =	simm.s32 $0x3900  }
0x181: {  	[tilespmem:s28], [sflag:$0x1] =	stream.indirect_vreg.gather [hbm4b:s11+s3], $0x80, v2, vm0, $0xb8;
	[tilespmem:$0x18100] =	vst v63  }
0x182: {  	_ =	swait.ge [sflag:s16], $0x4000  }
0x183: {  	[sflag:s16] =	ssyncset.done $0x0  }
0x184: {  	s0 =	simm.s32 $0x4100;
	s28 =	rddreg [dreg:$0xc];
	[sflag:s16] =	ssyncadd.s32 $0xFFFFC000  }
0x185: {  	[hbm4b:s28+s3] =	stream.linear.scatter [tilespmem:s0], [sflag:$0x8], $0x4000, $0x38;
	[tilespmem:$0x18100] =	vst v63  }
0x186: {  	_ =	swait.ge [sflag:s17], $0x4000  }
0x187: {  	[sflag:s17] =	ssyncset.done $0x0  }
0x188: {  	[sflag:s17] =	ssyncadd.s32 $0xFFFFC000  }
0x189: {  	v2 =	vld.msk [tilespmem:$0x68], $0xff;
	_ =	sdelay $0x4  }
0x18a: {  	v3 =	vshll.u32 v2, $0x4  }
0x18b: {  	v2 =	vand.u32 $0x7, v2;
	v3 =	vand.u32 $0xFFFFFF80, v3  }
0x18c: {  	v2 =	vor.u32 v2, v3  }
0x18d: {  	v2 =	vperm.xlane v2, v0;
	_ =	sdelay $0x1  }
0x18e: {  	v2 =	vadd.s32 v1, v2;
	_ =	sdelay $0x4  }
0x18f: {  	[tilespmem:s0], [sflag:$0x2] =	stream.indirect_vreg.gather [hbm4b:s1+s3], $0x80, v2, vm0, $0xb8;
	[tilespmem:$0x18100] =	vst v63  }
0x190: {  	s28 =	simm.s32 $0x4900  }
0x191: {  	[tilespmem:s28], [sflag:$0x2] =	stream.indirect_vreg.gather [hbm4b:s5+s3], $0x80, v2, vm0, $0xb8;
	[tilespmem:$0x18100] =	vst v63  }
0x192: {  	s28 =	simm.s32 $0x5100  }
0x193: {  	[tilespmem:s28], [sflag:$0x2] =	stream.indirect_vreg.gather [hbm4b:s6+s3], $0x80, v2, vm0, $0xb8;
	[tilespmem:$0x18100] =	vst v63  }
0x194: {  	s28 =	simm.s32 $0x5900  }
0x195: {  	[tilespmem:s28], [sflag:$0x2] =	stream.indirect_vreg.gather [hbm4b:s7+s3], $0x80, v2, vm0, $0xb8;
	[tilespmem:$0x18100] =	vst v63  }
0x196: {  	s28 =	simm.s32 $0x6100  }
0x197: {  	[tilespmem:s28], [sflag:$0x2] =	stream.indirect_vreg.gather [hbm4b:s8+s3], $0x80, v2, vm0, $0xb8;
	[tilespmem:$0x18100] =	vst v63  }
0x198: {  	s28 =	simm.s32 $0x6900  }
0x199: {  	[tilespmem:s28], [sflag:$0x2] =	stream.indirect_vreg.gather [hbm4b:s9+s3], $0x80, v2, vm0, $0xb8;
	[tilespmem:$0x18100] =	vst v63  }
0x19a: {  	s28 =	simm.s32 $0x7100  }
0x19b: {  	[tilespmem:s28], [sflag:$0x2] =	stream.indirect_vreg.gather [hbm4b:s10+s3], $0x80, v2, vm0, $0xb8;
	[tilespmem:$0x18100] =	vst v63  }
0x19c: {  	s28 =	simm.s32 $0x7900  }
0x19d: {  	[tilespmem:s28], [sflag:$0x2] =	stream.indirect_vreg.gather [hbm4b:s11+s3], $0x80, v2, vm0, $0xb8;
	[tilespmem:$0x18100] =	vst v63  }
0x19e: {  	_ =	swait.ge [sflag:s18], $0x4000  }
0x19f: {  	[sflag:s18] =	ssyncset.done $0x0  }
0x1a0: {  	s0 =	simm.s32 $0x8100;
	s28 =	rddreg [dreg:$0xd];
	[sflag:s18] =	ssyncadd.s32 $0xFFFFC000  }
0x1a1: {  	[hbm4b:s28+s3] =	stream.linear.scatter [tilespmem:s0], [sflag:$0x9], $0x4000, $0x38;
	[tilespmem:$0x18100] =	vst v63  }
0x1a2: {  	_ =	swait.ge [sflag:s19], $0x4000  }
0x1a3: {  	[sflag:s19] =	ssyncset.done $0x0  }
0x1a4: {  	[sflag:s19] =	ssyncadd.s32 $0xFFFFC000  }
0x1a5: {  	v2 =	vld.msk [tilespmem:$0x70], $0xff;
	_ =	sdelay $0x4  }
0x1a6: {  	v3 =	vshll.u32 v2, $0x4  }
0x1a7: {  	v2 =	vand.u32 $0x7, v2;
	v3 =	vand.u32 $0xFFFFFF80, v3  }
0x1a8: {  	v2 =	vor.u32 v2, v3  }
0x1a9: {  	v2 =	vperm.xlane v2, v0;
	_ =	sdelay $0x1  }
0x1aa: {  	v2 =	vadd.s32 v1, v2;
	_ =	sdelay $0x4  }
0x1ab: {  	[tilespmem:s0], [sflag:$0x3] =	stream.indirect_vreg.gather [hbm4b:s1+s3], $0x80, v2, vm0, $0xb8;
	[tilespmem:$0x18100] =	vst v63  }
0x1ac: {  	_ = 	snop  }
0x1ad: {  	[tilespmem:s14], [sflag:$0x3] =	stream.indirect_vreg.gather [hbm4b:s5+s3], $0x80, v2, vm0, $0xb8;
	[tilespmem:$0x18100] =	vst v63  }
0x1ae: {  	s14 =	simm.s32 $0x9100  }
0x1af: {  	[tilespmem:s14], [sflag:$0x3] =	stream.indirect_vreg.gather [hbm4b:s6+s3], $0x80, v2, vm0, $0xb8;
	[tilespmem:$0x18100] =	vst v63  }
0x1b0: {  	s28 =	simm.s32 $0x9900  }
0x1b1: {  	[tilespmem:s28], [sflag:$0x3] =	stream.indirect_vreg.gather [hbm4b:s7+s3], $0x80, v2, vm0, $0xb8;
	[tilespmem:$0x18100] =	vst v63  }
0x1b2: {  	s14 =	simm.s32 $0xA100  }
0x1b3: {  	[tilespmem:s14], [sflag:$0x3] =	stream.indirect_vreg.gather [hbm4b:s8+s3], $0x80, v2, vm0, $0xb8;
	[tilespmem:$0x18100] =	vst v63  }
0x1b4: {  	s28 =	simm.s32 $0xA900  }
0x1b5: {  	[tilespmem:s28], [sflag:$0x3] =	stream.indirect_vreg.gather [hbm4b:s9+s3], $0x80, v2, vm0, $0xb8;
	[tilespmem:$0x18100] =	vst v63  }
0x1b6: {  	s14 =	simm.s32 $0xB100  }
0x1b7: {  	[tilespmem:s14], [sflag:$0x3] =	stream.indirect_vreg.gather [hbm4b:s10+s3], $0x80, v2, vm0, $0xb8;
	[tilespmem:$0x18100] =	vst v63  }
0x1b8: {  	s28 =	simm.s32 $0xB900  }
0x1b9: {  	[tilespmem:s28], [sflag:$0x3] =	stream.indirect_vreg.gather [hbm4b:s11+s3], $0x80, v2, vm0, $0xb8;
	[tilespmem:$0x18100] =	vst v63  }
0x1ba: {  	_ =	swait.ge [sflag:s20], $0x4000  }
0x1bb: {  	[sflag:s20] =	ssyncset.done $0x0  }
0x1bc: {  	s14 =	simm.s32 $0xC100;
	s0 =	rddreg [dreg:$0xe];
	[sflag:s20] =	ssyncadd.s32 $0xFFFFC000  }
0x1bd: {  	[hbm4b:s0+s3] =	stream.linear.scatter [tilespmem:s14], [sflag:$0xA], $0x4000, $0x38;
	[tilespmem:$0x18100] =	vst v63  }
0x1be: {  	_ =	swait.ge [sflag:s21], $0x4000  }
0x1bf: {  	[sflag:s21] =	ssyncset.done $0x0  }
0x1c0: {  	[sflag:s21] =	ssyncadd.s32 $0xFFFFC000  }
0x1c1: {  	v2 =	vld.msk [tilespmem:$0x78], $0xff;
	_ =	sdelay $0x4  }
0x1c2: {  	v3 =	vshll.u32 v2, $0x4  }
0x1c3: {  	v2 =	vand.u32 $0x7, v2;
	v3 =	vand.u32 $0xFFFFFF80, v3  }
0x1c4: {  	v2 =	vor.u32 v2, v3  }
0x1c5: {  	v2 =	vperm.xlane v2, v0;
	_ =	sdelay $0x1  }
0x1c6: {  	v2 =	vadd.s32 v1, v2;
	_ =	sdelay $0x4  }
0x1c7: {  	[tilespmem:s14], [sflag:$0x4] =	stream.indirect_vreg.gather [hbm4b:s1+s3], $0x80, v2, vm0, $0xb8;
	[tilespmem:$0x18100] =	vst v63  }
0x1c8: {  	s14 =	simm.s32 $0xC900  }
0x1c9: {  	[tilespmem:s14], [sflag:$0x4] =	stream.indirect_vreg.gather [hbm4b:s5+s3], $0x80, v2, vm0, $0xb8;
	[tilespmem:$0x18100] =	vst v63  }
0x1ca: {  	s28 =	simm.s32 $0xD100  }
0x1cb: {  	[tilespmem:s28], [sflag:$0x4] =	stream.indirect_vreg.gather [hbm4b:s6+s3], $0x80, v2, vm0, $0xb8;
	[tilespmem:$0x18100] =	vst v63  }
0x1cc: {  	_ = 	snop  }
0x1cd: {  	[tilespmem:s4], [sflag:$0x4] =	stream.indirect_vreg.gather [hbm4b:s7+s3], $0x80, v2, vm0, $0xb8;
	[tilespmem:$0x18100] =	vst v63  }
0x1ce: {  	s14 =	simm.s32 $0xE100  }
0x1cf: {  	[tilespmem:s14], [sflag:$0x4] =	stream.indirect_vreg.gather [hbm4b:s8+s3], $0x80, v2, vm0, $0xb8;
	[tilespmem:$0x18100] =	vst v63  }
0x1d0: {  	_ = 	snop  }
0x1d1: {  	[tilespmem:s12], [sflag:$0x4] =	stream.indirect_vreg.gather [hbm4b:s9+s3], $0x80, v2, vm0, $0xb8;
	[tilespmem:$0x18100] =	vst v63  }
0x1d2: {  	s12 =	simm.s32 $0xF100  }
0x1d3: {  	[tilespmem:s12], [sflag:$0x4] =	stream.indirect_vreg.gather [hbm4b:s10+s3], $0x80, v2, vm0, $0xb8;
	[tilespmem:$0x18100] =	vst v63  }
0x1d4: {  	s28 =	simm.s32 $0xF900  }
0x1d5: {  	[tilespmem:s28], [sflag:$0x4] =	stream.indirect_vreg.gather [hbm4b:s11+s3], $0x80, v2, vm0, $0xb8;
	[tilespmem:$0x18100] =	vst v63  }
0x1d6: {  	_ =	swait.ge [sflag:s23], $0x4000  }
0x1d7: {  	[sflag:s23] =	ssyncset.done $0x0  }
0x1d8: {  	s12 =	simm.s32 $0x10100;
	s4 =	rddreg [dreg:$0xf];
	[sflag:s23] =	ssyncadd.s32 $0xFFFFC000  }
0x1d9: {  	[hbm4b:s4+s3] =	stream.linear.scatter [tilespmem:s12], [sflag:$0xB], $0x4000, $0x38;
	[tilespmem:$0x18100] =	vst v63  }
0x1da: {  	_ =	swait.ge [sflag:s24], $0x4000  }
0x1db: {  	[sflag:s24] =	ssyncset.done $0x0  }
0x1dc: {  	[sflag:s24] =	ssyncadd.s32 $0xFFFFC000  }
0x1dd: {  	v2 =	vld.msk [tilespmem:$0x80], $0xff;
	_ =	sdelay $0x4  }
0x1de: {  	v3 =	vshll.u32 v2, $0x4  }
0x1df: {  	v2 =	vand.u32 $0x7, v2;
	v3 =	vand.u32 $0xFFFFFF80, v3  }
0x1e0: {  	v2 =	vor.u32 v2, v3  }
0x1e1: {  	v2 =	vperm.xlane v2, v0;
	_ =	sdelay $0x1  }
0x1e2: {  	v2 =	vadd.s32 v1, v2;
	_ =	sdelay $0x4  }
0x1e3: {  	[tilespmem:s12], [sflag:$0x5] =	stream.indirect_vreg.gather [hbm4b:s1+s3], $0x80, v2, vm0, $0xb8;
	[tilespmem:$0x18100] =	vst v63  }
0x1e4: {  	s28 =	simm.s32 $0x10900  }
0x1e5: {  	[tilespmem:s28], [sflag:$0x5] =	stream.indirect_vreg.gather [hbm4b:s5+s3], $0x80, v2, vm0, $0xb8;
	[tilespmem:$0x18100] =	vst v63  }
0x1e6: {  	_ = 	snop  }
0x1e7: {  	[tilespmem:s31], [sflag:$0x5] =	stream.indirect_vreg.gather [hbm4b:s6+s3], $0x80, v2, vm0, $0xb8;
	[tilespmem:$0x18100] =	vst v63  }
0x1e8: {  	_ = 	snop  }
0x1e9: {  	[tilespmem:s30], [sflag:$0x5] =	stream.indirect_vreg.gather [hbm4b:s7+s3], $0x80, v2, vm0, $0xb8;
	[tilespmem:$0x18100] =	vst v63  }
0x1ea: {  	_ = 	snop  }
0x1eb: {  	[tilespmem:s29], [sflag:$0x5] =	stream.indirect_vreg.gather [hbm4b:s8+s3], $0x80, v2, vm0, $0xb8;
	[tilespmem:$0x18100] =	vst v63  }
0x1ec: {  	s29 =	simm.s32 $0x12900  }
0x1ed: {  	[tilespmem:s29], [sflag:$0x5] =	stream.indirect_vreg.gather [hbm4b:s9+s3], $0x80, v2, vm0, $0xb8;
	[tilespmem:$0x18100] =	vst v63  }
0x1ee: {  	_ = 	snop  }
0x1ef: {  	[tilespmem:s22], [sflag:$0x5] =	stream.indirect_vreg.gather [hbm4b:s10+s3], $0x80, v2, vm0, $0xb8;
	[tilespmem:$0x18100] =	vst v63  }
0x1f0: {  	s22 =	simm.s32 $0x13900  }
0x1f1: {  	[tilespmem:s22], [sflag:$0x5] =	stream.indirect_vreg.gather [hbm4b:s11+s3], $0x80, v2, vm0, $0xb8;
	[tilespmem:$0x18100] =	vst v63  }
0x1f2: {  	_ =	swait.ge [sflag:s25], $0x4000  }
0x1f3: {  	[sflag:s25] =	ssyncset.done $0x0  }
0x1f4: {  	s31 =	simm.s32 $0x14100;
	s30 =	rddreg [dreg:$0x10];
	[sflag:s25] =	ssyncadd.s32 $0xFFFFC000  }
0x1f5: {  	[hbm4b:s30+s3] =	stream.linear.scatter [tilespmem:s31], [sflag:$0xC], $0x4000, $0x38;
	[tilespmem:$0x18100] =	vst v63  }
0x1f6: {  	_ =	swait.ge [sflag:s26], $0x4000  }
0x1f7: {  	[sflag:s26] =	ssyncset.done $0x0  }
0x1f8: {  	[sflag:s26] =	ssyncadd.s32 $0xFFFFC000  }
0x1f9: {  	v2 =	vld.msk [tilespmem:$0x88], $0xff;
	_ =	sdelay $0x4  }
0x1fa: {  	v3 =	vshll.u32 v2, $0x4  }
0x1fb: {  	v2 =	vand.u32 $0x7, v2;
	v3 =	vand.u32 $0xFFFFFF80, v3  }
0x1fc: {  	v2 =	vor.u32 v2, v3  }
0x1fd: {  	v2 =	vperm.xlane v2, v0;
	_ =	sdelay $0x1  }
0x1fe: {  	v2 =	vadd.s32 v1, v2;
	_ =	sdelay $0x4  }
0x1ff: {  	[tilespmem:s31], [sflag:$0x6] =	stream.indirect_vreg.gather [hbm4b:s1+s3], $0x80, v2, vm0, $0xb8;
	[tilespmem:$0x18100] =	vst v63  }
0x200: {  	s29 =	simm.s32 $0x14900  }
0x201: {  	[tilespmem:s29], [sflag:$0x6] =	stream.indirect_vreg.gather [hbm4b:s5+s3], $0x80, v2, vm0, $0xb8;
	[tilespmem:$0x18100] =	vst v63  }
0x202: {  	s0 =	simm.s32 $0x15100  }
0x203: {  	[tilespmem:s0], [sflag:$0x6] =	stream.indirect_vreg.gather [hbm4b:s6+s3], $0x80, v2, vm0, $0xb8;
	[tilespmem:$0x18100] =	vst v63  }
0x204: {  	s12 =	simm.s32 $0x15900  }
0x205: {  	[tilespmem:s12], [sflag:$0x6] =	stream.indirect_vreg.gather [hbm4b:s7+s3], $0x80, v2, vm0, $0xb8;
	[tilespmem:$0x18100] =	vst v63  }
0x206: {  	s28 =	simm.s32 $0x16100  }
0x207: {  	[tilespmem:s28], [sflag:$0x6] =	stream.indirect_vreg.gather [hbm4b:s8+s3], $0x80, v2, vm0, $0xb8;
	[tilespmem:$0x18100] =	vst v63  }
0x208: {  	s31 =	simm.s32 $0x16900  }
0x209: {  	[tilespmem:s31], [sflag:$0x6] =	stream.indirect_vreg.gather [hbm4b:s9+s3], $0x80, v2, vm0, $0xb8;
	[tilespmem:$0x18100] =	vst v63  }
0x20a: {  	s30 =	simm.s32 $0x17100  }
0x20b: {  	[tilespmem:s30], [sflag:$0x6] =	stream.indirect_vreg.gather [hbm4b:s10+s3], $0x80, v2, vm0, $0xb8;
	[tilespmem:$0x18100] =	vst v63  }
0x20c: {  	s0 =	simm.s32 $0x17900  }
0x20d: {  	[tilespmem:s0], [sflag:$0x6] =	stream.indirect_vreg.gather [hbm4b:s11+s3], $0x80, v2, vm0, $0xb8;
	[tilespmem:$0x18100] =	vst v63  }
0x20e: {  	_ =	swait.ge [sflag:s13], $0x4000  }
0x20f: {  	[sflag:s13] =	ssyncset.done $0x0  }
0x210: {  	s12 =	simm.s32 $0x100;
	s4 =	rddreg [dreg:$0x11];
	[sflag:s13] =	ssyncadd.s32 $0xFFFFC000  }
0x211: {  	[hbm4b:s4+s3] =	stream.linear.scatter [tilespmem:s12], [sflag:$0x7], $0x4000, $0x38;
	[tilespmem:$0x18100] =	vst v63  }
0x212: {  	_ =	swait.ge [sflag:s15], $0x4000  }
0x213: {  	[sflag:s15] =	ssyncset.done $0x0  }
0x214: {  	[sflag:s15] =	ssyncadd.s32 $0xFFFFC000  }
0x215: {  	v2 =	vld.msk [tilespmem:$0x90], $0xff;
	_ =	sdelay $0x4  }
0x216: {  	v3 =	vshll.u32 v2, $0x4  }
0x217: {  	v2 =	vand.u32 $0x7, v2;
	v3 =	vand.u32 $0xFFFFFF80, v3  }
0x218: {  	v2 =	vor.u32 v2, v3  }
0x219: {  	v2 =	vperm.xlane v2, v0;
	_ =	sdelay $0x1  }
0x21a: {  	v2 =	vadd.s32 v1, v2;
	_ =	sdelay $0x4  }
0x21b: {  	[tilespmem:s12], [sflag:$0x1] =	stream.indirect_vreg.gather [hbm4b:s1+s3], $0x80, v2, vm0, $0xb8;
	[tilespmem:$0x18100] =	vst v63  }
0x21c: {  	s12 =	simm.s32 $0x900  }
0x21d: {  	[tilespmem:s12], [sflag:$0x1] =	stream.indirect_vreg.gather [hbm4b:s5+s3], $0x80, v2, vm0, $0xb8;
	[tilespmem:$0x18100] =	vst v63  }
0x21e: {  	s28 =	simm.s32 $0x1100  }
0x21f: {  	[tilespmem:s28], [sflag:$0x1] =	stream.indirect_vreg.gather [hbm4b:s6+s3], $0x80, v2, vm0, $0xb8;
	[tilespmem:$0x18100] =	vst v63  }
0x220: {  	s30 =	simm.s32 $0x1900  }
0x221: {  	[tilespmem:s30], [sflag:$0x1] =	stream.indirect_vreg.gather [hbm4b:s7+s3], $0x80, v2, vm0, $0xb8;
	[tilespmem:$0x18100] =	vst v63  }
0x222: {  	s0 =	simm.s32 $0x2100  }
0x223: {  	[tilespmem:s0], [sflag:$0x1] =	stream.indirect_vreg.gather [hbm4b:s8+s3], $0x80, v2, vm0, $0xb8;
	[tilespmem:$0x18100] =	vst v63  }
0x224: {  	s28 =	simm.s32 $0x2900  }
0x225: {  	[tilespmem:s28], [sflag:$0x1] =	stream.indirect_vreg.gather [hbm4b:s9+s3], $0x80, v2, vm0, $0xb8;
	[tilespmem:$0x18100] =	vst v63  }
0x226: {  	s30 =	simm.s32 $0x3100  }
0x227: {  	[tilespmem:s30], [sflag:$0x1] =	stream.indirect_vreg.gather [hbm4b:s10+s3], $0x80, v2, vm0, $0xb8;
	[tilespmem:$0x18100] =	vst v63  }
0x228: {  	s0 =	simm.s32 $0x3900  }
0x229: {  	[tilespmem:s0], [sflag:$0x1] =	stream.indirect_vreg.gather [hbm4b:s11+s3], $0x80, v2, vm0, $0xb8;
	[tilespmem:$0x18100] =	vst v63  }
0x22a: {  	_ =	swait.ge [sflag:s16], $0x4000  }
0x22b: {  	[sflag:s16] =	ssyncset.done $0x0  }
0x22c: {  	s30 =	simm.s32 $0x4100;
	s4 =	rddreg [dreg:$0x12];
	[sflag:s16] =	ssyncadd.s32 $0xFFFFC000  }
0x22d: {  	[hbm4b:s4+s3] =	stream.linear.scatter [tilespmem:s30], [sflag:$0x8], $0x4000, $0x38;
	[tilespmem:$0x18100] =	vst v63  }
0x22e: {  	_ =	swait.ge [sflag:s17], $0x4000  }
0x22f: {  	[sflag:s17] =	ssyncset.done $0x0  }
0x230: {  	[sflag:s17] =	ssyncadd.s32 $0xFFFFC000  }
0x231: {  	v2 =	vld.msk [tilespmem:$0x98], $0xff;
	_ =	sdelay $0x4  }
0x232: {  	v3 =	vshll.u32 v2, $0x4  }
0x233: {  	v2 =	vand.u32 $0x7, v2;
	v3 =	vand.u32 $0xFFFFFF80, v3  }
0x234: {  	v2 =	vor.u32 v2, v3  }
0x235: {  	v2 =	vperm.xlane v2, v0;
	_ =	sdelay $0x1  }
0x236: {  	v2 =	vadd.s32 v1, v2;
	_ =	sdelay $0x4  }
0x237: {  	[tilespmem:s30], [sflag:$0x2] =	stream.indirect_vreg.gather [hbm4b:s1+s3], $0x80, v2, vm0, $0xb8;
	[tilespmem:$0x18100] =	vst v63  }
0x238: {  	s30 =	simm.s32 $0x4900  }
0x239: {  	[tilespmem:s30], [sflag:$0x2] =	stream.indirect_vreg.gather [hbm4b:s5+s3], $0x80, v2, vm0, $0xb8;
	[tilespmem:$0x18100] =	vst v63  }
0x23a: {  	s0 =	simm.s32 $0x5100  }
0x23b: {  	[tilespmem:s0], [sflag:$0x2] =	stream.indirect_vreg.gather [hbm4b:s6+s3], $0x80, v2, vm0, $0xb8;
	[tilespmem:$0x18100] =	vst v63  }
0x23c: {  	s4 =	simm.s32 $0x5900  }
0x23d: {  	[tilespmem:s4], [sflag:$0x2] =	stream.indirect_vreg.gather [hbm4b:s7+s3], $0x80, v2, vm0, $0xb8;
	[tilespmem:$0x18100] =	vst v63  }
0x23e: {  	s0 =	simm.s32 $0x6100  }
0x23f: {  	[tilespmem:s0], [sflag:$0x2] =	stream.indirect_vreg.gather [hbm4b:s8+s3], $0x80, v2, vm0, $0xb8;
	[tilespmem:$0x18100] =	vst v63  }
0x240: {  	s4 =	simm.s32 $0x6900  }
0x241: {  	[tilespmem:s4], [sflag:$0x2] =	stream.indirect_vreg.gather [hbm4b:s9+s3], $0x80, v2, vm0, $0xb8;
	[tilespmem:$0x18100] =	vst v63  }
0x242: {  	s0 =	simm.s32 $0x7100  }
0x243: {  	[tilespmem:s0], [sflag:$0x2] =	stream.indirect_vreg.gather [hbm4b:s10+s3], $0x80, v2, vm0, $0xb8;
	[tilespmem:$0x18100] =	vst v63  }
0x244: {  	s4 =	simm.s32 $0x7900  }
0x245: {  	[tilespmem:s4], [sflag:$0x2] =	stream.indirect_vreg.gather [hbm4b:s11+s3], $0x80, v2, vm0, $0xb8;
	[tilespmem:$0x18100] =	vst v63  }
0x246: {  	_ =	swait.ge [sflag:s18], $0x4000  }
0x247: {  	[sflag:s18] =	ssyncset.done $0x0  }
0x248: {  	s4 =	simm.s32 $0x8100;
	s0 =	rddreg [dreg:$0x13];
	[sflag:s18] =	ssyncadd.s32 $0xFFFFC000  }
0x249: {  	[hbm4b:s0+s3] =	stream.linear.scatter [tilespmem:s4], [sflag:$0x9], $0x4000, $0x38;
	[tilespmem:$0x18100] =	vst v63  }
0x24a: {  	_ =	swait.ge [sflag:s19], $0x4000  }
0x24b: {  	[sflag:s19] =	ssyncset.done $0x0  }
0x24c: {  	[sflag:s19] =	ssyncadd.s32 $0xFFFFC000  }
0x24d: {  	v2 =	vld.msk [tilespmem:$0xA0], $0xff;
	_ =	sdelay $0x4  }
0x24e: {  	v3 =	vshll.u32 v2, $0x4  }
0x24f: {  	v2 =	vand.u32 $0x7, v2;
	v3 =	vand.u32 $0xFFFFFF80, v3  }
0x250: {  	v2 =	vor.u32 v2, v3  }
0x251: {  	v2 =	vperm.xlane v2, v0;
	_ =	sdelay $0x1  }
0x252: {  	v2 =	vadd.s32 v1, v2;
	_ =	sdelay $0x4  }
0x253: {  	[tilespmem:s4], [sflag:$0x3] =	stream.indirect_vreg.gather [hbm4b:s1+s3], $0x80, v2, vm0, $0xb8;
	[tilespmem:$0x18100] =	vst v63  }
0x254: {  	s28 =	simm.s32 $0x8900  }
0x255: {  	[tilespmem:s28], [sflag:$0x3] =	stream.indirect_vreg.gather [hbm4b:s5+s3], $0x80, v2, vm0, $0xb8;
	[tilespmem:$0x18100] =	vst v63  }
0x256: {  	s4 =	simm.s32 $0x9100  }
0x257: {  	[tilespmem:s4], [sflag:$0x3] =	stream.indirect_vreg.gather [hbm4b:s6+s3], $0x80, v2, vm0, $0xb8;
	[tilespmem:$0x18100] =	vst v63  }
0x258: {  	s28 =	simm.s32 $0x9900  }
0x259: {  	[tilespmem:s28], [sflag:$0x3] =	stream.indirect_vreg.gather [hbm4b:s7+s3], $0x80, v2, vm0, $0xb8;
	[tilespmem:$0x18100] =	vst v63  }
0x25a: {  	s4 =	simm.s32 $0xA100  }
0x25b: {  	[tilespmem:s4], [sflag:$0x3] =	stream.indirect_vreg.gather [hbm4b:s8+s3], $0x80, v2, vm0, $0xb8;
	[tilespmem:$0x18100] =	vst v63  }
0x25c: {  	s28 =	simm.s32 $0xA900  }
0x25d: {  	[tilespmem:s28], [sflag:$0x3] =	stream.indirect_vreg.gather [hbm4b:s9+s3], $0x80, v2, vm0, $0xb8;
	[tilespmem:$0x18100] =	vst v63  }
0x25e: {  	s4 =	simm.s32 $0xB100  }
0x25f: {  	[tilespmem:s4], [sflag:$0x3] =	stream.indirect_vreg.gather [hbm4b:s10+s3], $0x80, v2, vm0, $0xb8;
	[tilespmem:$0x18100] =	vst v63  }
0x260: {  	s28 =	simm.s32 $0xB900  }
0x261: {  	[tilespmem:s28], [sflag:$0x3] =	stream.indirect_vreg.gather [hbm4b:s11+s3], $0x80, v2, vm0, $0xb8;
	[tilespmem:$0x18100] =	vst v63  }
0x262: {  	_ =	swait.ge [sflag:s20], $0x4000  }
0x263: {  	[sflag:s20] =	ssyncset.done $0x0  }
0x264: {  	s4 =	simm.s32 $0xC100;
	s0 =	rddreg [dreg:$0x14];
	[sflag:s20] =	ssyncadd.s32 $0xFFFFC000  }
0x265: {  	[hbm4b:s0+s3] =	stream.linear.scatter [tilespmem:s4], [sflag:$0xA], $0x4000, $0x38;
	[tilespmem:$0x18100] =	vst v63  }
0x266: {  	_ =	swait.ge [sflag:s21], $0x4000  }
0x267: {  	[sflag:s21] =	ssyncset.done $0x0  }
0x268: {  	[sflag:s21] =	ssyncadd.s32 $0xFFFFC000  }
0x269: {  	v2 =	vld.msk [tilespmem:$0xA8], $0xff;
	_ =	sdelay $0x4  }
0x26a: {  	v3 =	vshll.u32 v2, $0x4  }
0x26b: {  	v2 =	vand.u32 $0x7, v2;
	v3 =	vand.u32 $0xFFFFFF80, v3  }
0x26c: {  	v2 =	vor.u32 v2, v3  }
0x26d: {  	v2 =	vperm.xlane v2, v0;
	_ =	sdelay $0x1  }
0x26e: {  	v2 =	vadd.s32 v1, v2;
	_ =	sdelay $0x4  }
0x26f: {  	[tilespmem:s4], [sflag:$0x4] =	stream.indirect_vreg.gather [hbm4b:s1+s3], $0x80, v2, vm0, $0xb8;
	[tilespmem:$0x18100] =	vst v63  }
0x270: {  	s28 =	simm.s32 $0xC900  }
0x271: {  	[tilespmem:s28], [sflag:$0x4] =	stream.indirect_vreg.gather [hbm4b:s5+s3], $0x80, v2, vm0, $0xb8;
	[tilespmem:$0x18100] =	vst v63  }
0x272: {  	s4 =	simm.s32 $0xD100  }
0x273: {  	[tilespmem:s4], [sflag:$0x4] =	stream.indirect_vreg.gather [hbm4b:s6+s3], $0x80, v2, vm0, $0xb8;
	[tilespmem:$0x18100] =	vst v63  }
0x274: {  	s28 =	simm.s32 $0xD900  }
0x275: {  	[tilespmem:s28], [sflag:$0x4] =	stream.indirect_vreg.gather [hbm4b:s7+s3], $0x80, v2, vm0, $0xb8;
	[tilespmem:$0x18100] =	vst v63  }
0x276: {  	_ = 	snop  }
0x277: {  	[tilespmem:s14], [sflag:$0x4] =	stream.indirect_vreg.gather [hbm4b:s8+s3], $0x80, v2, vm0, $0xb8;
	[tilespmem:$0x18100] =	vst v63  }
0x278: {  	s4 =	simm.s32 $0xE900  }
0x279: {  	[tilespmem:s4], [sflag:$0x4] =	stream.indirect_vreg.gather [hbm4b:s9+s3], $0x80, v2, vm0, $0xb8;
	[tilespmem:$0x18100] =	vst v63  }
0x27a: {  	s14 =	simm.s32 $0xF100  }
0x27b: {  	[tilespmem:s14], [sflag:$0x4] =	stream.indirect_vreg.gather [hbm4b:s10+s3], $0x80, v2, vm0, $0xb8;
	[tilespmem:$0x18100] =	vst v63  }
0x27c: {  	s28 =	simm.s32 $0xF900  }
0x27d: {  	[tilespmem:s28], [sflag:$0x4] =	stream.indirect_vreg.gather [hbm4b:s11+s3], $0x80, v2, vm0, $0xb8;
	[tilespmem:$0x18100] =	vst v63  }
0x27e: {  	_ =	swait.ge [sflag:s23], $0x4000  }
0x27f: {  	[sflag:s23] =	ssyncset.done $0x0  }
0x280: {  	s4 =	simm.s32 $0x10100;
	s0 =	rddreg [dreg:$0x15];
	[sflag:s23] =	ssyncadd.s32 $0xFFFFC000  }
0x281: {  	[hbm4b:s0+s3] =	stream.linear.scatter [tilespmem:s4], [sflag:$0xB], $0x4000, $0x38;
	[tilespmem:$0x18100] =	vst v63  }
0x282: {  	_ =	swait.ge [sflag:s24], $0x4000  }
0x283: {  	[sflag:s24] =	ssyncset.done $0x0  }
0x284: {  	[sflag:s24] =	ssyncadd.s32 $0xFFFFC000  }
0x285: {  	v2 =	vld.msk [tilespmem:$0xB0], $0xff;
	_ =	sdelay $0x4  }
0x286: {  	v3 =	vshll.u32 v2, $0x4  }
0x287: {  	v2 =	vand.u32 $0x7, v2;
	v3 =	vand.u32 $0xFFFFFF80, v3  }
0x288: {  	v2 =	vor.u32 v2, v3  }
0x289: {  	v2 =	vperm.xlane v2, v0;
	_ =	sdelay $0x1  }
0x28a: {  	v2 =	vadd.s32 v1, v2;
	_ =	sdelay $0x4  }
0x28b: {  	[tilespmem:s4], [sflag:$0x5] =	stream.indirect_vreg.gather [hbm4b:s1+s3], $0x80, v2, vm0, $0xb8;
	[tilespmem:$0x18100] =	vst v63  }
0x28c: {  	s14 =	simm.s32 $0x10900  }
0x28d: {  	[tilespmem:s14], [sflag:$0x5] =	stream.indirect_vreg.gather [hbm4b:s5+s3], $0x80, v2, vm0, $0xb8;
	[tilespmem:$0x18100] =	vst v63  }
0x28e: {  	s28 =	simm.s32 $0x11100  }
0x28f: {  	[tilespmem:s28], [sflag:$0x5] =	stream.indirect_vreg.gather [hbm4b:s6+s3], $0x80, v2, vm0, $0xb8;
	[tilespmem:$0x18100] =	vst v63  }
0x290: {  	s4 =	simm.s32 $0x11900  }
0x291: {  	[tilespmem:s4], [sflag:$0x5] =	stream.indirect_vreg.gather [hbm4b:s7+s3], $0x80, v2, vm0, $0xb8;
	[tilespmem:$0x18100] =	vst v63  }
0x292: {  	s14 =	simm.s32 $0x12100  }
0x293: {  	[tilespmem:s14], [sflag:$0x5] =	stream.indirect_vreg.gather [hbm4b:s8+s3], $0x80, v2, vm0, $0xb8;
	[tilespmem:$0x18100] =	vst v63  }
0x294: {  	s28 =	simm.s32 $0x12900  }
0x295: {  	[tilespmem:s28], [sflag:$0x5] =	stream.indirect_vreg.gather [hbm4b:s9+s3], $0x80, v2, vm0, $0xb8;
	[tilespmem:$0x18100] =	vst v63  }
0x296: {  	s4 =	simm.s32 $0x13100  }
0x297: {  	[tilespmem:s4], [sflag:$0x5] =	stream.indirect_vreg.gather [hbm4b:s10+s3], $0x80, v2, vm0, $0xb8;
	[tilespmem:$0x18100] =	vst v63  }
0x298: {  	_ = 	snop  }
0x299: {  	[tilespmem:s22], [sflag:$0x5] =	stream.indirect_vreg.gather [hbm4b:s11+s3], $0x80, v2, vm0, $0xb8;
	[tilespmem:$0x18100] =	vst v63  }
0x29a: {  	_ =	swait.ge [sflag:s25], $0x4000  }
0x29b: {  	[sflag:s25] =	ssyncset.done $0x0  }
0x29c: {  	s22 =	simm.s32 $0x14100;
	s14 =	rddreg [dreg:$0x16];
	[sflag:s25] =	ssyncadd.s32 $0xFFFFC000  }
0x29d: {  	[hbm4b:s14+s3] =	stream.linear.scatter [tilespmem:s22], [sflag:$0xC], $0x4000, $0x38;
	[tilespmem:$0x18100] =	vst v63  }
0x29e: {  	_ =	swait.ge [sflag:s26], $0x4000  }
0x29f: {  	[sflag:s26] =	ssyncset.done $0x0  }
0x2a0: {  	[sflag:s26] =	ssyncadd.s32 $0xFFFFC000  }
0x2a1: {  	v2 =	vld.msk [tilespmem:$0xB8], $0xff;
	_ =	sdelay $0x4  }
0x2a2: {  	v3 =	vshll.u32 v2, $0x4  }
0x2a3: {  	v2 =	vand.u32 $0x7, v2;
	v3 =	vand.u32 $0xFFFFFF80, v3  }
0x2a4: {  	v2 =	vor.u32 v2, v3  }
0x2a5: {  	v2 =	vperm.xlane v2, v0;
	_ =	sdelay $0x1  }
0x2a6: {  	v2 =	vadd.s32 v1, v2;
	_ =	sdelay $0x4  }
0x2a7: {  	[tilespmem:s22], [sflag:$0x6] =	stream.indirect_vreg.gather [hbm4b:s1+s3], $0x80, v2, vm0, $0xb8;
	[tilespmem:$0x18100] =	vst v63  }
0x2a8: {  	_ = 	snop  }
0x2a9: {  	[tilespmem:s29], [sflag:$0x6] =	stream.indirect_vreg.gather [hbm4b:s5+s3], $0x80, v2, vm0, $0xb8;
	[tilespmem:$0x18100] =	vst v63  }
0x2aa: {  	s4 =	simm.s32 $0x15100  }
0x2ab: {  	[tilespmem:s4], [sflag:$0x6] =	stream.indirect_vreg.gather [hbm4b:s6+s3], $0x80, v2, vm0, $0xb8;
	[tilespmem:$0x18100] =	vst v63  }
0x2ac: {  	s22 =	simm.s32 $0x15900  }
0x2ad: {  	[tilespmem:s22], [sflag:$0x6] =	stream.indirect_vreg.gather [hbm4b:s7+s3], $0x80, v2, vm0, $0xb8;
	[tilespmem:$0x18100] =	vst v63  }
0x2ae: {  	s29 =	simm.s32 $0x16100  }
0x2af: {  	[tilespmem:s29], [sflag:$0x6] =	stream.indirect_vreg.gather [hbm4b:s8+s3], $0x80, v2, vm0, $0xb8;
	[tilespmem:$0x18100] =	vst v63  }
0x2b0: {  	_ = 	snop  }
0x2b1: {  	[tilespmem:s31], [sflag:$0x6] =	stream.indirect_vreg.gather [hbm4b:s9+s3], $0x80, v2, vm0, $0xb8;
	[tilespmem:$0x18100] =	vst v63  }
0x2b2: {  	s0 =	simm.s32 $0x17100  }
0x2b3: {  	[tilespmem:s0], [sflag:$0x6] =	stream.indirect_vreg.gather [hbm4b:s10+s3], $0x80, v2, vm0, $0xb8;
	[tilespmem:$0x18100] =	vst v63  }
0x2b4: {  	s4 =	simm.s32 $0x17900  }
0x2b5: {  	[tilespmem:s4], [sflag:$0x6] =	stream.indirect_vreg.gather [hbm4b:s11+s3], $0x80, v2, vm0, $0xb8;
	[tilespmem:$0x18100] =	vst v63  }
0x2b6: {  	_ =	swait.ge [sflag:s13], $0x4000  }
0x2b7: {  	[sflag:s13] =	ssyncset.done $0x0  }
0x2b8: {  	s29 =	simm.s32 $0x100;
	s22 =	rddreg [dreg:$0x17];
	[sflag:s13] =	ssyncadd.s32 $0xFFFFC000  }
0x2b9: {  	[hbm4b:s22+s3] =	stream.linear.scatter [tilespmem:s29], [sflag:$0x7], $0x4000, $0x38;
	[tilespmem:$0x18100] =	vst v63  }
0x2ba: {  	_ =	swait.ge [sflag:s15], $0x4000  }
0x2bb: {  	[sflag:s15] =	ssyncset.done $0x0  }
0x2bc: {  	[sflag:s15] =	ssyncadd.s32 $0xFFFFC000  }
0x2bd: {  	v2 =	vld.msk [tilespmem:$0xC0], $0xff;
	_ =	sdelay $0x4  }
0x2be: {  	v3 =	vshll.u32 v2, $0x4  }
0x2bf: {  	v2 =	vand.u32 $0x7, v2;
	v3 =	vand.u32 $0xFFFFFF80, v3  }
0x2c0: {  	v2 =	vor.u32 v2, v3  }
0x2c1: {  	v2 =	vperm.xlane v2, v0;
	_ =	sdelay $0x1  }
0x2c2: {  	v2 =	vadd.s32 v1, v2;
	_ =	sdelay $0x4  }
0x2c3: {  	[tilespmem:s29], [sflag:$0x1] =	stream.indirect_vreg.gather [hbm4b:s1+s3], $0x80, v2, vm0, $0xb8;
	[tilespmem:$0x18100] =	vst v63  }
0x2c4: {  	_ = 	snop  }
0x2c5: {  	[tilespmem:s12], [sflag:$0x1] =	stream.indirect_vreg.gather [hbm4b:s5+s3], $0x80, v2, vm0, $0xb8;
	[tilespmem:$0x18100] =	vst v63  }
0x2c6: {  	s0 =	simm.s32 $0x1100  }
0x2c7: {  	[tilespmem:s0], [sflag:$0x1] =	stream.indirect_vreg.gather [hbm4b:s6+s3], $0x80, v2, vm0, $0xb8;
	[tilespmem:$0x18100] =	vst v63  }
0x2c8: {  	s12 =	simm.s32 $0x1900  }
0x2c9: {  	[tilespmem:s12], [sflag:$0x1] =	stream.indirect_vreg.gather [hbm4b:s7+s3], $0x80, v2, vm0, $0xb8;
	[tilespmem:$0x18100] =	vst v63  }
0x2ca: {  	s22 =	simm.s32 $0x2100  }
0x2cb: {  	[tilespmem:s22], [sflag:$0x1] =	stream.indirect_vreg.gather [hbm4b:s8+s3], $0x80, v2, vm0, $0xb8;
	[tilespmem:$0x18100] =	vst v63  }
0x2cc: {  	s29 =	simm.s32 $0x2900  }
0x2cd: {  	[tilespmem:s29], [sflag:$0x1] =	stream.indirect_vreg.gather [hbm4b:s9+s3], $0x80, v2, vm0, $0xb8;
	[tilespmem:$0x18100] =	vst v63  }
0x2ce: {  	s0 =	simm.s32 $0x3100  }
0x2cf: {  	[tilespmem:s0], [sflag:$0x1] =	stream.indirect_vreg.gather [hbm4b:s10+s3], $0x80, v2, vm0, $0xb8;
	[tilespmem:$0x18100] =	vst v63  }
0x2d0: {  	s12 =	simm.s32 $0x3900  }
0x2d1: {  	[tilespmem:s12], [sflag:$0x1] =	stream.indirect_vreg.gather [hbm4b:s11+s3], $0x80, v2, vm0, $0xb8;
	[tilespmem:$0x18100] =	vst v63  }
0x2d2: {  	_ =	swait.ge [sflag:s16], $0x4000  }
0x2d3: {  	[sflag:s16] =	ssyncset.done $0x0  }
0x2d4: {  	s29 =	simm.s32 $0x4100;
	s22 =	rddreg [dreg:$0x18];
	[sflag:s16] =	ssyncadd.s32 $0xFFFFC000  }
0x2d5: {  	[hbm4b:s22+s3] =	stream.linear.scatter [tilespmem:s29], [sflag:$0x8], $0x4000, $0x38;
	[tilespmem:$0x18100] =	vst v63  }
0x2d6: {  	_ =	swait.ge [sflag:s17], $0x4000  }
0x2d7: {  	[sflag:s17] =	ssyncset.done $0x0  }
0x2d8: {  	[sflag:s17] =	ssyncadd.s32 $0xFFFFC000  }
0x2d9: {  	v2 =	vld.msk [tilespmem:$0xC8], $0xff;
	_ =	sdelay $0x4  }
0x2da: {  	v3 =	vshll.u32 v2, $0x4  }
0x2db: {  	v2 =	vand.u32 $0x7, v2;
	v3 =	vand.u32 $0xFFFFFF80, v3  }
0x2dc: {  	v2 =	vor.u32 v2, v3  }
0x2dd: {  	v2 =	vperm.xlane v2, v0;
	_ =	sdelay $0x1  }
0x2de: {  	v2 =	vadd.s32 v1, v2;
	_ =	sdelay $0x4  }
0x2df: {  	[tilespmem:s29], [sflag:$0x2] =	stream.indirect_vreg.gather [hbm4b:s1+s3], $0x80, v2, vm0, $0xb8;
	[tilespmem:$0x18100] =	vst v63  }
0x2e0: {  	_ = 	snop  }
0x2e1: {  	[tilespmem:s30], [sflag:$0x2] =	stream.indirect_vreg.gather [hbm4b:s5+s3], $0x80, v2, vm0, $0xb8;
	[tilespmem:$0x18100] =	vst v63  }
0x2e2: {  	s12 =	simm.s32 $0x5100  }
0x2e3: {  	[tilespmem:s12], [sflag:$0x2] =	stream.indirect_vreg.gather [hbm4b:s6+s3], $0x80, v2, vm0, $0xb8;
	[tilespmem:$0x18100] =	vst v63  }
0x2e4: {  	s22 =	simm.s32 $0x5900  }
0x2e5: {  	[tilespmem:s22], [sflag:$0x2] =	stream.indirect_vreg.gather [hbm4b:s7+s3], $0x80, v2, vm0, $0xb8;
	[tilespmem:$0x18100] =	vst v63  }
0x2e6: {  	s29 =	simm.s32 $0x6100  }
0x2e7: {  	[tilespmem:s29], [sflag:$0x2] =	stream.indirect_vreg.gather [hbm4b:s8+s3], $0x80, v2, vm0, $0xb8;
	[tilespmem:$0x18100] =	vst v63  }
0x2e8: {  	s12 =	simm.s32 $0x6900  }
0x2e9: {  	[tilespmem:s12], [sflag:$0x2] =	stream.indirect_vreg.gather [hbm4b:s9+s3], $0x80, v2, vm0, $0xb8;
	[tilespmem:$0x18100] =	vst v63  }
0x2ea: {  	s22 =	simm.s32 $0x7100  }
0x2eb: {  	[tilespmem:s22], [sflag:$0x2] =	stream.indirect_vreg.gather [hbm4b:s10+s3], $0x80, v2, vm0, $0xb8;
	[tilespmem:$0x18100] =	vst v63  }
0x2ec: {  	s29 =	simm.s32 $0x7900  }
0x2ed: {  	[tilespmem:s29], [sflag:$0x2] =	stream.indirect_vreg.gather [hbm4b:s11+s3], $0x80, v2, vm0, $0xb8;
	[tilespmem:$0x18100] =	vst v63  }
0x2ee: {  	_ =	swait.ge [sflag:s18], $0x4000  }
0x2ef: {  	[sflag:s18] =	ssyncset.done $0x0  }
0x2f0: {  	s22 =	simm.s32 $0x8100;
	s12 =	rddreg [dreg:$0x19];
	[sflag:s18] =	ssyncadd.s32 $0xFFFFC000  }
0x2f1: {  	[hbm4b:s12+s3] =	stream.linear.scatter [tilespmem:s22], [sflag:$0x9], $0x4000, $0x38;
	[tilespmem:$0x18100] =	vst v63  }
0x2f2: {  	_ =	swait.ge [sflag:s19], $0x4000  }
0x2f3: {  	[sflag:s19] =	ssyncset.done $0x0  }
0x2f4: {  	[sflag:s19] =	ssyncadd.s32 $0xFFFFC000  }
0x2f5: {  	v2 =	vld.msk [tilespmem:$0xD0], $0xff;
	_ =	sdelay $0x4  }
0x2f6: {  	v3 =	vshll.u32 v2, $0x4  }
0x2f7: {  	v2 =	vand.u32 $0x7, v2;
	v3 =	vand.u32 $0xFFFFFF80, v3  }
0x2f8: {  	v2 =	vor.u32 v2, v3  }
0x2f9: {  	v2 =	vperm.xlane v2, v0;
	_ =	sdelay $0x1  }
0x2fa: {  	v2 =	vadd.s32 v1, v2;
	_ =	sdelay $0x4  }
0x2fb: {  	[tilespmem:s22], [sflag:$0x3] =	stream.indirect_vreg.gather [hbm4b:s1+s3], $0x80, v2, vm0, $0xb8;
	[tilespmem:$0x18100] =	vst v63  }
0x2fc: {  	s28 =	simm.s32 $0x8900  }
0x2fd: {  	[tilespmem:s28], [sflag:$0x3] =	stream.indirect_vreg.gather [hbm4b:s5+s3], $0x80, v2, vm0, $0xb8;
	[tilespmem:$0x18100] =	vst v63  }
0x2fe: {  	s22 =	simm.s32 $0x9100  }
0x2ff: {  	[tilespmem:s22], [sflag:$0x3] =	stream.indirect_vreg.gather [hbm4b:s6+s3], $0x80, v2, vm0, $0xb8;
	[tilespmem:$0x18100] =	vst v63  }
0x300: {  	s28 =	simm.s32 $0x9900  }
0x301: {  	[tilespmem:s28], [sflag:$0x3] =	stream.indirect_vreg.gather [hbm4b:s7+s3], $0x80, v2, vm0, $0xb8;
	[tilespmem:$0x18100] =	vst v63  }
0x302: {  	s22 =	simm.s32 $0xA100  }
0x303: {  	[tilespmem:s22], [sflag:$0x3] =	stream.indirect_vreg.gather [hbm4b:s8+s3], $0x80, v2, vm0, $0xb8;
	[tilespmem:$0x18100] =	vst v63  }
0x304: {  	s28 =	simm.s32 $0xA900  }
0x305: {  	[tilespmem:s28], [sflag:$0x3] =	stream.indirect_vreg.gather [hbm4b:s9+s3], $0x80, v2, vm0, $0xb8;
	[tilespmem:$0x18100] =	vst v63  }
0x306: {  	s22 =	simm.s32 $0xB100  }
0x307: {  	[tilespmem:s22], [sflag:$0x3] =	stream.indirect_vreg.gather [hbm4b:s10+s3], $0x80, v2, vm0, $0xb8;
	[tilespmem:$0x18100] =	vst v63  }
0x308: {  	s28 =	simm.s32 $0xB900  }
0x309: {  	[tilespmem:s28], [sflag:$0x3] =	stream.indirect_vreg.gather [hbm4b:s11+s3], $0x80, v2, vm0, $0xb8;
	[tilespmem:$0x18100] =	vst v63  }
0x30a: {  	_ =	swait.ge [sflag:s20], $0x4000  }
0x30b: {  	[sflag:s20] =	ssyncset.done $0x0  }
0x30c: {  	s22 =	simm.s32 $0xC100;
	s12 =	rddreg [dreg:$0x1a];
	[sflag:s20] =	ssyncadd.s32 $0xFFFFC000  }
0x30d: {  	[hbm4b:s12+s3] =	stream.linear.scatter [tilespmem:s22], [sflag:$0xA], $0x4000, $0x38;
	[tilespmem:$0x18100] =	vst v63  }
0x30e: {  	_ =	swait.ge [sflag:s21], $0x4000  }
0x30f: {  	[sflag:s21] =	ssyncset.done $0x0  }
0x310: {  	[sflag:s21] =	ssyncadd.s32 $0xFFFFC000  }
0x311: {  	v2 =	vld.msk [tilespmem:$0xD8], $0xff;
	_ =	sdelay $0x4  }
0x312: {  	v3 =	vshll.u32 v2, $0x4  }
0x313: {  	v2 =	vand.u32 $0x7, v2;
	v3 =	vand.u32 $0xFFFFFF80, v3  }
0x314: {  	v2 =	vor.u32 v2, v3  }
0x315: {  	v2 =	vperm.xlane v2, v0;
	_ =	sdelay $0x1  }
0x316: {  	v2 =	vadd.s32 v1, v2;
	_ =	sdelay $0x4  }
0x317: {  	[tilespmem:s22], [sflag:$0x4] =	stream.indirect_vreg.gather [hbm4b:s1+s3], $0x80, v2, vm0, $0xb8;
	[tilespmem:$0x18100] =	vst v63  }
0x318: {  	s28 =	simm.s32 $0xC900  }
0x319: {  	[tilespmem:s28], [sflag:$0x4] =	stream.indirect_vreg.gather [hbm4b:s5+s3], $0x80, v2, vm0, $0xb8;
	[tilespmem:$0x18100] =	vst v63  }
0x31a: {  	s28 =	simm.s32 $0xD100  }
0x31b: {  	[tilespmem:s28], [sflag:$0x4] =	stream.indirect_vreg.gather [hbm4b:s6+s3], $0x80, v2, vm0, $0xb8;
	[tilespmem:$0x18100] =	vst v63  }
0x31c: {  	s28 =	simm.s32 $0xD900  }
0x31d: {  	[tilespmem:s28], [sflag:$0x4] =	stream.indirect_vreg.gather [hbm4b:s7+s3], $0x80, v2, vm0, $0xb8;
	[tilespmem:$0x18100] =	vst v63  }
0x31e: {  	s28 =	simm.s32 $0xE100  }
0x31f: {  	[tilespmem:s28], [sflag:$0x4] =	stream.indirect_vreg.gather [hbm4b:s8+s3], $0x80, v2, vm0, $0xb8;
	[tilespmem:$0x18100] =	vst v63  }
0x320: {  	s28 =	simm.s32 $0xE900  }
0x321: {  	[tilespmem:s28], [sflag:$0x4] =	stream.indirect_vreg.gather [hbm4b:s9+s3], $0x80, v2, vm0, $0xb8;
	[tilespmem:$0x18100] =	vst v63  }
0x322: {  	s28 =	simm.s32 $0xF100  }
0x323: {  	[tilespmem:s28], [sflag:$0x4] =	stream.indirect_vreg.gather [hbm4b:s10+s3], $0x80, v2, vm0, $0xb8;
	[tilespmem:$0x18100] =	vst v63  }
0x324: {  	s28 =	simm.s32 $0xF900  }
0x325: {  	[tilespmem:s28], [sflag:$0x4] =	stream.indirect_vreg.gather [hbm4b:s11+s3], $0x80, v2, vm0, $0xb8;
	[tilespmem:$0x18100] =	vst v63  }
0x326: {  	_ =	swait.ge [sflag:s23], $0x4000  }
0x327: {  	[sflag:s23] =	ssyncset.done $0x0  }
0x328: {  	s12 =	simm.s32 $0x10100;
	s28 =	rddreg [dreg:$0x1b];
	[sflag:s23] =	ssyncadd.s32 $0xFFFFC000  }
0x329: {  	[hbm4b:s28+s3] =	stream.linear.scatter [tilespmem:s12], [sflag:$0xB], $0x4000, $0x38;
	[tilespmem:$0x18100] =	vst v63  }
0x32a: {  	_ =	swait.ge [sflag:s24], $0x4000  }
0x32b: {  	[sflag:s24] =	ssyncset.done $0x0  }
0x32c: {  	[sflag:s24] =	ssyncadd.s32 $0xFFFFC000  }
0x32d: {  	v2 =	vld.msk [tilespmem:$0xE0], $0xff;
	_ =	sdelay $0x4  }
0x32e: {  	v3 =	vshll.u32 v2, $0x4  }
0x32f: {  	v2 =	vand.u32 $0x7, v2;
	v3 =	vand.u32 $0xFFFFFF80, v3  }
0x330: {  	v2 =	vor.u32 v2, v3  }
0x331: {  	v2 =	vperm.xlane v2, v0;
	_ =	sdelay $0x1  }
0x332: {  	v2 =	vadd.s32 v1, v2;
	_ =	sdelay $0x4  }
0x333: {  	[tilespmem:s12], [sflag:$0x5] =	stream.indirect_vreg.gather [hbm4b:s1+s3], $0x80, v2, vm0, $0xb8;
	[tilespmem:$0x18100] =	vst v63  }
0x334: {  	s28 =	simm.s32 $0x10900  }
0x335: {  	[tilespmem:s28], [sflag:$0x5] =	stream.indirect_vreg.gather [hbm4b:s5+s3], $0x80, v2, vm0, $0xb8;
	[tilespmem:$0x18100] =	vst v63  }
0x336: {  	s28 =	simm.s32 $0x11100  }
0x337: {  	[tilespmem:s28], [sflag:$0x5] =	stream.indirect_vreg.gather [hbm4b:s6+s3], $0x80, v2, vm0, $0xb8;
	[tilespmem:$0x18100] =	vst v63  }
0x338: {  	s28 =	simm.s32 $0x11900  }
0x339: {  	[tilespmem:s28], [sflag:$0x5] =	stream.indirect_vreg.gather [hbm4b:s7+s3], $0x80, v2, vm0, $0xb8;
	[tilespmem:$0x18100] =	vst v63  }
0x33a: {  	s28 =	simm.s32 $0x12100  }
0x33b: {  	[tilespmem:s28], [sflag:$0x5] =	stream.indirect_vreg.gather [hbm4b:s8+s3], $0x80, v2, vm0, $0xb8;
	[tilespmem:$0x18100] =	vst v63  }
0x33c: {  	s28 =	simm.s32 $0x12900  }
0x33d: {  	[tilespmem:s28], [sflag:$0x5] =	stream.indirect_vreg.gather [hbm4b:s9+s3], $0x80, v2, vm0, $0xb8;
	[tilespmem:$0x18100] =	vst v63  }
0x33e: {  	s28 =	simm.s32 $0x13100  }
0x33f: {  	[tilespmem:s28], [sflag:$0x5] =	stream.indirect_vreg.gather [hbm4b:s10+s3], $0x80, v2, vm0, $0xb8;
	[tilespmem:$0x18100] =	vst v63  }
0x340: {  	s28 =	simm.s32 $0x13900  }
0x341: {  	[tilespmem:s28], [sflag:$0x5] =	stream.indirect_vreg.gather [hbm4b:s11+s3], $0x80, v2, vm0, $0xb8;
	[tilespmem:$0x18100] =	vst v63  }
0x342: {  	_ =	swait.ge [sflag:s25], $0x4000  }
0x343: {  	[sflag:s25] =	ssyncset.done $0x0  }
0x344: {  	s14 =	simm.s32 $0x14100;
	s28 =	rddreg [dreg:$0x1c];
	[sflag:s25] =	ssyncadd.s32 $0xFFFFC000  }
0x345: {  	[hbm4b:s28+s3] =	stream.linear.scatter [tilespmem:s14], [sflag:$0xC], $0x4000, $0x38;
	[tilespmem:$0x18100] =	vst v63  }
0x346: {  	_ =	swait.ge [sflag:s26], $0x4000  }
0x347: {  	[sflag:s26] =	ssyncset.done $0x0  }
0x348: {  	[sflag:s26] =	ssyncadd.s32 $0xFFFFC000  }
0x349: {  	v2 =	vld.msk [tilespmem:$0xE8], $0xff;
	_ =	sdelay $0x4  }
0x34a: {  	v3 =	vshll.u32 v2, $0x4  }
0x34b: {  	v2 =	vand.u32 $0x7, v2;
	v3 =	vand.u32 $0xFFFFFF80, v3  }
0x34c: {  	v2 =	vor.u32 v2, v3  }
0x34d: {  	v2 =	vperm.xlane v2, v0;
	_ =	sdelay $0x1  }
0x34e: {  	v2 =	vadd.s32 v1, v2;
	_ =	sdelay $0x4  }
0x34f: {  	[tilespmem:s14], [sflag:$0x6] =	stream.indirect_vreg.gather [hbm4b:s1+s3], $0x80, v2, vm0, $0xb8;
	[tilespmem:$0x18100] =	vst v63  }
0x350: {  	s28 =	simm.s32 $0x14900  }
0x351: {  	[tilespmem:s28], [sflag:$0x6] =	stream.indirect_vreg.gather [hbm4b:s5+s3], $0x80, v2, vm0, $0xb8;
	[tilespmem:$0x18100] =	vst v63  }
0x352: {  	s28 =	simm.s32 $0x15100  }
0x353: {  	[tilespmem:s28], [sflag:$0x6] =	stream.indirect_vreg.gather [hbm4b:s6+s3], $0x80, v2, vm0, $0xb8;
	[tilespmem:$0x18100] =	vst v63  }
0x354: {  	s28 =	simm.s32 $0x15900  }
0x355: {  	[tilespmem:s28], [sflag:$0x6] =	stream.indirect_vreg.gather [hbm4b:s7+s3], $0x80, v2, vm0, $0xb8;
	[tilespmem:$0x18100] =	vst v63  }
0x356: {  	s28 =	simm.s32 $0x16100  }
0x357: {  	[tilespmem:s28], [sflag:$0x6] =	stream.indirect_vreg.gather [hbm4b:s8+s3], $0x80, v2, vm0, $0xb8;
	[tilespmem:$0x18100] =	vst v63  }
0x358: {  	s31 =	simm.s32 $0x16900  }
0x359: {  	[tilespmem:s31], [sflag:$0x6] =	stream.indirect_vreg.gather [hbm4b:s9+s3], $0x80, v2, vm0, $0xb8;
	[tilespmem:$0x18100] =	vst v63  }
0x35a: {  	s31 =	simm.s32 $0x17100  }
0x35b: {  	[tilespmem:s31], [sflag:$0x6] =	stream.indirect_vreg.gather [hbm4b:s10+s3], $0x80, v2, vm0, $0xb8;
	[tilespmem:$0x18100] =	vst v63  }
0x35c: {  	s31 =	simm.s32 $0x17900  }
0x35d: {  	[tilespmem:s31], [sflag:$0x6] =	stream.indirect_vreg.gather [hbm4b:s11+s3], $0x80, v2, vm0, $0xb8;
	[tilespmem:$0x18100] =	vst v63  }
0x35e: {  	_ =	swait.ge [sflag:s13], $0x4000  }
0x35f: {  	[sflag:s13] =	ssyncset.done $0x0  }
0x360: {  	s4 =	simm.s32 $0x100;
	s31 =	rddreg [dreg:$0x1d];
	[sflag:s13] =	ssyncadd.s32 $0xFFFFC000  }
0x361: {  	[hbm4b:s31+s3] =	stream.linear.scatter [tilespmem:s4], [sflag:$0x7], $0x4000, $0x38;
	[tilespmem:$0x18100] =	vst v63  }
0x362: {  	_ =	swait.ge [sflag:s15], $0x4000  }
0x363: {  	[sflag:s15] =	ssyncset.done $0x0  }
0x364: {  	[sflag:s15] =	ssyncadd.s32 $0xFFFFC000  }
0x365: {  	v2 =	vld.msk [tilespmem:$0xF0], $0xff;
	_ =	sdelay $0x4  }
0x366: {  	v3 =	vshll.u32 v2, $0x4  }
0x367: {  	v2 =	vand.u32 $0x7, v2;
	v3 =	vand.u32 $0xFFFFFF80, v3  }
0x368: {  	v2 =	vor.u32 v2, v3  }
0x369: {  	v2 =	vperm.xlane v2, v0;
	_ =	sdelay $0x1  }
0x36a: {  	v2 =	vadd.s32 v1, v2;
	_ =	sdelay $0x4  }
0x36b: {  	[tilespmem:s4], [sflag:$0x1] =	stream.indirect_vreg.gather [hbm4b:s1+s3], $0x80, v2, vm0, $0xb8;
	[tilespmem:$0x18100] =	vst v63  }
0x36c: {  	s31 =	simm.s32 $0x900  }
0x36d: {  	[tilespmem:s31], [sflag:$0x1] =	stream.indirect_vreg.gather [hbm4b:s5+s3], $0x80, v2, vm0, $0xb8;
	[tilespmem:$0x18100] =	vst v63  }
0x36e: {  	s31 =	simm.s32 $0x1100  }
0x36f: {  	[tilespmem:s31], [sflag:$0x1] =	stream.indirect_vreg.gather [hbm4b:s6+s3], $0x80, v2, vm0, $0xb8;
	[tilespmem:$0x18100] =	vst v63  }
0x370: {  	s31 =	simm.s32 $0x1900  }
0x371: {  	[tilespmem:s31], [sflag:$0x1] =	stream.indirect_vreg.gather [hbm4b:s7+s3], $0x80, v2, vm0, $0xb8;
	[tilespmem:$0x18100] =	vst v63  }
0x372: {  	s31 =	simm.s32 $0x2100  }
0x373: {  	[tilespmem:s31], [sflag:$0x1] =	stream.indirect_vreg.gather [hbm4b:s8+s3], $0x80, v2, vm0, $0xb8;
	[tilespmem:$0x18100] =	vst v63  }
0x374: {  	s31 =	simm.s32 $0x2900  }
0x375: {  	[tilespmem:s31], [sflag:$0x1] =	stream.indirect_vreg.gather [hbm4b:s9+s3], $0x80, v2, vm0, $0xb8;
	[tilespmem:$0x18100] =	vst v63  }
0x376: {  	s31 =	simm.s32 $0x3100  }
0x377: {  	[tilespmem:s31], [sflag:$0x1] =	stream.indirect_vreg.gather [hbm4b:s10+s3], $0x80, v2, vm0, $0xb8;
	[tilespmem:$0x18100] =	vst v63  }
0x378: {  	s31 =	simm.s32 $0x3900  }
0x379: {  	[tilespmem:s31], [sflag:$0x1] =	stream.indirect_vreg.gather [hbm4b:s11+s3], $0x80, v2, vm0, $0xb8;
	[tilespmem:$0x18100] =	vst v63  }
0x37a: {  	_ =	swait.ge [sflag:s16], $0x4000  }
0x37b: {  	[sflag:s16] =	ssyncset.done $0x0  }
0x37c: {  	s0 =	simm.s32 $0x4100;
	s31 =	rddreg [dreg:$0x1e];
	[sflag:s16] =	ssyncadd.s32 $0xFFFFC000  }
0x37d: {  	[hbm4b:s31+s3] =	stream.linear.scatter [tilespmem:s0], [sflag:$0x8], $0x4000, $0x38;
	[tilespmem:$0x18100] =	vst v63  }
0x37e: {  	_ =	swait.ge [sflag:s17], $0x4000  }
0x37f: {  	[sflag:s17] =	ssyncset.done $0x0  }
0x380: {  	[sflag:s17] =	ssyncadd.s32 $0xFFFFC000  }
0x381: {  	v2 =	vld.msk [tilespmem:$0xF8], $0xff;
	_ =	sdelay $0x4  }
0x382: {  	v3 =	vshll.u32 v2, $0x4  }
0x383: {  	v2 =	vand.u32 $0x7, v2;
	v3 =	vand.u32 $0xFFFFFF80, v3  }
0x384: {  	v2 =	vor.u32 v2, v3  }
0x385: {  	v2 =	vperm.xlane v2, v0;
	_ =	sdelay $0x1  }
0x386: {  	v2 =	vadd.s32 v1, v2;
	_ =	sdelay $0x4  }
0x387: {  	[tilespmem:s0], [sflag:$0x2] =	stream.indirect_vreg.gather [hbm4b:s1+s3], $0x80, v2, vm0, $0xb8;
	[tilespmem:$0x18100] =	vst v63  }
0x388: {  	s30 =	simm.s32 $0x4900  }
0x389: {  	[tilespmem:s30], [sflag:$0x2] =	stream.indirect_vreg.gather [hbm4b:s5+s3], $0x80, v2, vm0, $0xb8;
	[tilespmem:$0x18100] =	vst v63  }
0x38a: {  	s30 =	simm.s32 $0x5100  }
0x38b: {  	[tilespmem:s30], [sflag:$0x2] =	stream.indirect_vreg.gather [hbm4b:s6+s3], $0x80, v2, vm0, $0xb8;
	[tilespmem:$0x18100] =	vst v63  }
0x38c: {  	s31 =	simm.s32 $0x5900  }
0x38d: {  	[tilespmem:s31], [sflag:$0x2] =	stream.indirect_vreg.gather [hbm4b:s7+s3], $0x80, v2, vm0, $0xb8;
	[tilespmem:$0x18100] =	vst v63  }
0x38e: {  	s30 =	simm.s32 $0x6100  }
0x38f: {  	[tilespmem:s30], [sflag:$0x2] =	stream.indirect_vreg.gather [hbm4b:s8+s3], $0x80, v2, vm0, $0xb8;
	[tilespmem:$0x18100] =	vst v63  }
0x390: {  	s31 =	simm.s32 $0x6900  }
0x391: {  	[tilespmem:s31], [sflag:$0x2] =	stream.indirect_vreg.gather [hbm4b:s9+s3], $0x80, v2, vm0, $0xb8;
	[tilespmem:$0x18100] =	vst v63  }
0x392: {  	s30 =	simm.s32 $0x7100  }
0x393: {  	[tilespmem:s30], [sflag:$0x2] =	stream.indirect_vreg.gather [hbm4b:s10+s3], $0x80, v2, vm0, $0xb8;
	[tilespmem:$0x18100] =	vst v63  }
0x394: {  	s31 =	simm.s32 $0x7900  }
0x395: {  	[tilespmem:s31], [sflag:$0x2] =	stream.indirect_vreg.gather [hbm4b:s11+s3], $0x80, v2, vm0, $0xb8;
	[tilespmem:$0x18100] =	vst v63  }
0x396: {  	_ =	swait.ge [sflag:s18], $0x4000  }
0x397: {  	[sflag:s18] =	ssyncset.done $0x0  }
0x398: {  	s29 =	simm.s32 $0x8100;
	s30 =	rddreg [dreg:$0x1f];
	[sflag:s18] =	ssyncadd.s32 $0xFFFFC000  }
0x399: {  	[hbm4b:s30+s3] =	stream.linear.scatter [tilespmem:s29], [sflag:$0x9], $0x4000, $0x38;
	[tilespmem:$0x18100] =	vst v63  }
0x39a: {  	_ =	swait.ge [sflag:s20], $0x4000  }
0x39b: {  	s31 =	sld [smem:$0x7F7]  }
0x39c: {  	[sflag:s20] =	ssyncset.done $0x0  }
0x39d: {  	s22 =	simm.s32 $0xC100;
	[sflag:s20] =	ssyncadd.s32 $0xFFFFC000  }
0x39e: {  	[hbm4b:s31+s3] =	stream.linear.scatter [tilespmem:s22], [sflag:$0xA], $0x4000, $0x38;
	[tilespmem:$0x18100] =	vst v63  }
0x39f: {  	_ =	swait.ge [sflag:s23], $0x4000  }
0x3a0: {  	s22 =	sld [smem:$0x7F8]  }
0x3a1: {  	[sflag:s23] =	ssyncset.done $0x0  }
0x3a2: {  	s12 =	simm.s32 $0x10100;
	[sflag:s23] =	ssyncadd.s32 $0xFFFFC000  }
0x3a3: {  	[hbm4b:s22+s3] =	stream.linear.scatter [tilespmem:s12], [sflag:$0xB], $0x4000, $0x38;
	[tilespmem:$0x18100] =	vst v63  }
0x3a4: {  	_ =	swait.ge [sflag:s25], $0x4000  }
0x3a5: {  	s29 =	sld [smem:$0x7F9]  }
0x3a6: {  	[sflag:s25] =	ssyncset.done $0x0  }
0x3a7: {  	[sflag:s25] =	ssyncadd.s32 $0xFFFFC000  }
0x3a8: {  	[hbm4b:s29+s3] =	stream.linear.scatter [tilespmem:s14], [sflag:$0xC], $0x4000, $0x38;
	[tilespmem:$0x18100] =	vst v63  }
0x3a9: {  	_ =	swait.ge [sflag:s13], $0x4000  }
0x3aa: {  	s30 =	sld [smem:$0x7FA]  }
0x3ab: {  	[sflag:s13] =	ssyncset.done $0x0  }
0x3ac: {  	[sflag:s13] =	ssyncadd.s32 $0xFFFFC000  }
0x3ad: {  	[hbm4b:s30+s3] =	stream.linear.scatter [tilespmem:s4], [sflag:$0x7], $0x4000, $0x38;
	[tilespmem:$0x18100] =	vst v63  }
0x3ae: {  	_ =	swait.ge [sflag:s16], $0x4000  }
0x3af: {  	s31 =	sld [smem:$0x7FC]  }
0x3b0: {  	[sflag:s16] =	ssyncset.done $0x0  }
0x3b1: {  	[sflag:s16] =	ssyncadd.s32 $0xFFFFC000  }
0x3b2: {  	[hbm4b:s31+s3] =	stream.linear.scatter [tilespmem:s0], [sflag:$0x8], $0x4000, $0x38;
	[tilespmem:$0x18100] =	vst v63  }
0x3b3: {  	_ =	swait.ge [sflag:s19], $0x4000  }
0x3b4: {  	[sflag:s19] =	ssyncset.done $0x0  }
0x3b5: {  	[sflag:s19] =	ssyncadd.s32 $0xFFFFC000  }
0x3b6: {  	_ =	swait.ge [sflag:s21], $0x4000  }
0x3b7: {  	[sflag:s21] =	ssyncset.done $0x0  }
0x3b8: {  	[sflag:s21] =	ssyncadd.s32 $0xFFFFC000  }
0x3b9: {  	_ =	swait.ge [sflag:s24], $0x4000  }
0x3ba: {  	[sflag:s24] =	ssyncset.done $0x0  }
0x3bb: {  	[sflag:s24] =	ssyncadd.s32 $0xFFFFC000  }
0x3bc: {  	_ =	swait.ge [sflag:s26], $0x4000  }
0x3bd: {  	[sflag:s26] =	ssyncset.done $0x0  }
0x3be: {  	[sflag:s26] =	ssyncadd.s32 $0xFFFFC000  }
0x3bf: {  	p0 =	sne.s32 s2, $0x1;
	_ =	swait.ge [sflag:s15], $0x4000  }
.Ltmp0:
0x3c0: {  	[sflag:s15] =	ssyncset.done $0x0;
	(pc) =	sbr.rel @p0 .LBB2_1-.Ltmp0, $4  }
0x3c1: {  	[sflag:s15] =	ssyncadd.s32 $0xFFFFC000  }
0x3c2: {  	_ =	swait.ge [sflag:s17], $0x4000  }
0x3c3: {  	[sflag:s17] =	ssyncset.done $0x0  }
0x3c4: {  	s2 =	sadd.s32 $0xFFFFFFFF, s2;
	[sflag:s17] =	ssyncadd.s32 $0xFFFFC000  }
0x3c5: {  	_ =	sfence.sel $0x180000  }
0x3c6: {  	[bflag:$0x0] =	sbarrier.arrive $0xFFFF  }
0x3c7: {  	_ =	strace $0x90000047  }
0x3c8: {  	s0 =	stileid.u32;
	[bflag:$0x2] =	sbarrier.arrive $0xFFFF  }
0x3c9: {  	p0 =	sne.s32 s0, $0x0;
	s0 =	rddreg [dreg:$0x3]  }
0x3ca: {  	s0 =	sadd.s32 @!p0 $0x100000, s0  }
0x3cb: {  	[sflag:s0] =	ssyncadd.tile.s32 @!p0 $0x1;
	_ =	shalt  }
.Lfunc_end2:
_tile_overlayer_lowered:
.L_overlay_start_2:
0x3cc: {  	(tag) =	ssettag $0x2  }
0x3cd: {  	s0 =	rddreg [dreg:$0x0];
	s2 =	stileid.u32  }
0x3ce: {  	s1 =	rddreg [dreg:$0x1];
	p0 =	sne.s32 s2, $0x0  }
0x3cf: {  	s3 =	rddreg [dreg:$0x2];
	[bflag:$0x3] =	sbarrier.arrive $0xFFFF;
	s2 =	simm.s32 @!p0 $0x1C0F  }
0x3d0: {  	[timem:s3], [sflag:s2] =	dma.local @!p0 [hbm:s0], s1  }
0x3d1: {  	s0 =	simm.s32 @!p0 $0xF  }
0x3d2: {  	_ =	swait.ge @!p0 [sflag:s0], s1  }
0x3d3: {  	s1 =	ssub.s32 @!p0 $0x0, s1;
	[sflag:s0] =	ssyncset.done @!p0 $0x0  }
0x3d4: {  	[sflag:s0] =	ssyncadd.s32 @!p0 s1  }
0x3d5: {  	[bflag:$0x3] =	sbarrier.arrive $0xFFFF  }
0x3d6: {  	_ =	shalt  }

</sc_bundles>
